<compile_context>
chip_gen: v7x
topology: tpu7x:2x2x1
jax: 0.10.2.dev20260603
libtpu: 0.0.44.dev20260713+nightly
codegen_flags: <defaults>
</compile_context>

<pallas_src>
import functools

import jax
import jax.numpy as jnp
import numpy as np
from jax import lax
from jax.experimental import pallas as pl
from jax.experimental.pallas import tpu as pltpu
from jax.experimental.pallas import tpu_sc as plsc

DIM = 64
K = 2
STRIDE = 2
PAD = 0
OUT = (DIM + 2 * PAD - (K - 1) - 1) // STRIDE + 1
B = 32
C = 256
NOUT = OUT * OUT
LANE = 128
CHT = C // LANE
IC_PER_B = DIM * DIM * C // LANE
OC_PER_B = OUT * OUT * C // LANE
NW = 32

NBATCH = 64
OCB = OC_PER_B // NBATCH
GCB = OCB * K * K


def _pixel_gather_table() -> np.ndarray:
    perm_key = np.random.default_rng(1).permutation(DIM * DIM)
    new_key = np.random.default_rng(2).permutation(OUT * OUT)
    idxs = np.arange(-PAD + K // 2 - 1, DIM - PAD + K // 2 - 1, STRIDE)
    ci = np.zeros((OUT, OUT, 2), dtype=int)
    ci[:, :, 0], ci[:, :, 1] = np.meshgrid(idxs, idxs, indexing="ij")
    ip = np.transpose(ci, (2, 0, 1)).reshape(2, OUT * OUT)
    ip_s = ip[:, new_key].reshape(2, OUT, OUT)
    inv = np.empty(DIM * DIM, dtype=int)
    inv[perm_key] = np.arange(DIM * DIM)
    offs = np.array([[i, j] for i in range(K) for j in range(K)])
    rows = ip_s[0][:, :, None] + offs[None, None, :, 0]
    cols = ip_s[1][:, :, None] + offs[None, None, :, 1]
    q = rows * DIM + cols
    return inv[q].reshape(NOUT, K * K)


def _chunk_table() -> np.ndarray:
    g = _pixel_gather_table()
    tbl = np.empty((OC_PER_B, K * K), dtype=np.int32)
    for oc in range(OC_PER_B):
        i, w = divmod(oc, 64)
        jt, rem = divmod(w, 16)
        cht, js = divmod(rem, 8)
        j = jt * 8 + js
        p = i * OUT + j
        for k in range(K * K):
            r, c = divmod(int(g[p, k]), DIM)
            tbl[oc, k] = r * 128 + (c // 8) * 16 + cht * 8 + (c % 8)
    return tbl


_TBL_NP = _chunk_table()


NBUF = 4


def _pool_body(xc_hbm, tbl_hbm, out_hbm, idx_v, g_v, o_v,
               gsem0, gsem1, gsem2, gsem3, osem0, osem1, osem2, osem3):
    wid = lax.axis_index("s") * 2 + lax.axis_index("c")
    ibase = wid * IC_PER_B
    obase = wid * OC_PER_B
    gsems = (gsem0, gsem1, gsem2, gsem3)
    osems = (osem0, osem1, osem2, osem3)

    pltpu.sync_copy(tbl_hbm, idx_v)

    @plsc.parallel_loop(0, NBATCH, unroll=2)
    def _adjust(r):
        for s in range(GCB // 16):
            sl = (r, pl.ds(s * 16, 16))
            idx_v[sl] = idx_v[sl] + ibase

    def _start_gather(buf, nb):
        pltpu.async_copy(xc_hbm.at[idx_v.at[nb]], g_v.at[buf], gsems[buf])

    def _drain_gather(buf):
        pltpu.make_async_copy(
            xc_hbm.at[pl.ds(0, GCB)], g_v.at[buf], gsems[buf]).wait()

    def _drain_store(buf):
        pltpu.make_async_copy(
            o_v.at[buf], out_hbm.at[pl.ds(obase, OCB)], osems[buf]).wait()

    for i in range(NBUF - 1):
        _start_gather(i, i)

    @pl.loop(0, NBATCH, step=NBUF)
    def _batch(nb):
        for h in range(NBUF):
            cur = nb + h
            nxt = cur + NBUF - 1

            @pl.when(nxt < NBATCH)
            def _():
                _start_gather((h + NBUF - 1) % NBUF, nxt)

            _drain_gather(h)

            @pl.when(cur >= NBUF)
            def _():
                _drain_store(h)

            @plsc.parallel_loop(0, OCB, unroll=4)
            def _chunk(w):
                r0 = w * 4
                for s in range(LANE // 16):
                    cs = pl.ds(s * 16, 16)
                    m = jnp.maximum(
                        jnp.maximum(g_v[h, r0, cs], g_v[h, r0 + 1, cs]),
                        jnp.maximum(g_v[h, r0 + 2, cs], g_v[h, r0 + 3, cs]))
                    o_v[h, w, cs] = m

            pltpu.async_copy(
                o_v.at[h], out_hbm.at[pl.ds(obase + cur * OCB, OCB)],
                osems[h])

    for i in range(NBUF):
        _drain_store(i)


@functools.cache
def _pool_call():
    mesh = plsc.VectorSubcoreMesh(core_axis_name="c", subcore_axis_name="s")
    return pl.kernel(
        _pool_body,
        out_type=jax.ShapeDtypeStruct((B * OC_PER_B, LANE), jnp.float32),
        mesh=mesh,
        compiler_params=pltpu.CompilerParams(needs_layout_passes=False),
        scratch_types=[
            pltpu.VMEM((NBATCH, GCB), jnp.int32),
            pltpu.VMEM((NBUF, GCB, LANE), jnp.float32),
            pltpu.VMEM((NBUF, OCB, LANE), jnp.float32),
        ] + [pltpu.SemaphoreType.DMA] * (2 * NBUF),
    )


def kernel(x):
    xc = (x.transpose(0, 2, 3, 1)
          .reshape(B, DIM, 8, 8, CHT, LANE)
          .transpose(0, 1, 2, 4, 3, 5)
          .reshape(B * IC_PER_B, LANE))
    res = _pool_call()(xc, jnp.asarray(_TBL_NP.reshape(NBATCH, GCB)))
    out = (res.reshape(B, OUT, 4, CHT, 8, LANE)
           .transpose(0, 1, 2, 4, 3, 5)
           .reshape(B, OUT, OUT, C)
           .transpose(0, 3, 1, 2))
    return out

# --- scband reference (transcript-rebuilt; emitter-appended) ---
"""Pipeline reference for scband-deform-max-pool2d-77489799954449 (READ-ONLY COPY).

The authoritative reference and input builder live on the scoring server;
editing this copy changes nothing except your own understanding.
"""

import jax, jax.numpy as jnp
import numpy as np

DIM = 64
K = 2
STRIDE = 2
PAD = 0
OUT = (DIM + 2 * PAD - (K - 1) - 1) // STRIDE + 1
B = 32
C = 256


def _build_gather_indices():
    # ImageScrambler semantics: scrambled_flat[p] = original_flat[key[p]].
    # perm (on input image, DIM*DIM) built with seed 1; new_perm (on output grid) seed 2.
    perm_key = np.random.default_rng(1).permutation(DIM * DIM)
    new_key = np.random.default_rng(2).permutation(OUT * OUT)
    # calculate_index_pool: top-left corner indices of each pooling window
    idxs = np.arange(-PAD + K // 2 - 1, DIM - PAD + K // 2 - 1, STRIDE)
    ci = np.zeros((OUT, OUT, 2), dtype=int)
    ci[:, :, 0], ci[:, :, 1] = np.meshgrid(idxs, idxs, indexing='ij')
    ip = np.transpose(ci, (2, 0, 1)).reshape(2, OUT * OUT)
    # new_perm.forward on index_positions: out[:, p] = in[:, new_key[p]]
    ip_s = ip[:, new_key].reshape(2, OUT, OUT)
    # retrieve_original_pixels: find p with perm_key[p] == flat(pos) -> p = inv[flat(pos)]
    inv = np.empty(DIM * DIM, dtype=int)
    inv[perm_key] = np.arange(DIM * DIM)
    offs = np.array([[i, j] for i in range(K) for j in range(K)])
    rows = ip_s[0][:, :, None] + offs[None, None, :, 0]
    cols = ip_s[1][:, :, None] + offs[None, None, :, 1]
    q = rows * DIM + cols
    return inv[q]  # (OUT, OUT, K*K) flat gather indices into scrambled input


_G = jnp.asarray(_build_gather_indices())


def setup_inputs(seed: int = 0) -> dict:
    key = jax.random.key(seed)
    x = jax.random.normal(key, (B, C, DIM, DIM), dtype=jnp.float32)
    return {"x": x}


def reference(x):
    b, c = x.shape[0], x.shape[1]
    xf = x.reshape(b, c, DIM * DIM)
    gathered = jnp.take(xf, _G.reshape(-1), axis=2).reshape(b, c, OUT, OUT, K * K)
    return jnp.max(gathered, axis=-1)

if __name__ == "__main__":
    import jax
    _d = setup_inputs()
    print(jax.jit(kernel)(*tuple(_d.values())))

</pallas_src>

<mosaic_0001>
#map = affine_map<(d0, d1) -> (0, 0)>
module attributes {stable_mosaic.version = 14 : i64} {
  func.func @_pool_body(%arg0: i32, %arg1: i32, %arg2: memref<262144x128xf32, #tpu.memory_space<hbm>>, %arg3: memref<64x128xi32, #tpu.memory_space<hbm>>, %arg4: memref<65536x128xf32, #tpu.memory_space<hbm>>, %arg5: memref<64x128xi32, #tpu.memory_space<vmem>>, %arg6: memref<4x128x128xf32, #tpu.memory_space<vmem>>, %arg7: memref<4x32x128xf32, #tpu.memory_space<vmem>>, %arg8: memref<!tpu.dma_semaphore, #tpu.memory_space<semaphore_mem>>, %arg9: memref<!tpu.dma_semaphore, #tpu.memory_space<semaphore_mem>>, %arg10: memref<!tpu.dma_semaphore, #tpu.memory_space<semaphore_mem>>, %arg11: memref<!tpu.dma_semaphore, #tpu.memory_space<semaphore_mem>>, %arg12: memref<!tpu.dma_semaphore, #tpu.memory_space<semaphore_mem>>, %arg13: memref<!tpu.dma_semaphore, #tpu.memory_space<semaphore_mem>>, %arg14: memref<!tpu.dma_semaphore, #tpu.memory_space<semaphore_mem>>, %arg15: memref<!tpu.dma_semaphore, #tpu.memory_space<semaphore_mem>>) attributes {dimension_semantics = [#tpu.dimension_semantics<core_parallel>, #tpu.dimension_semantics<subcore_parallel>], iteration_bounds = array<i64: 2, 16>, scalar_prefetch = 0 : i64, scratch_operands = 11 : i64, tpu.core_type = #tpu.core_type<sc_vector_subcore>, window_params = [{transform_indices = #map}, {transform_indices = #map}, {transform_indices = #map}]} {
    %mul3A = arith.constant 2 : i32
    %mul3A_0 = arith.muli %arg1, %mul3A : i32
    %add3A = arith.addi %mul3A_0, %arg0 : i32
    %mul3A_1 = arith.constant 8192 : i32
    %mul3A_2 = arith.muli %add3A, %mul3A_1 : i32
    %mul3A_3 = arith.constant 2048 : i32
    %mul3A_4 = arith.muli %add3A, %mul3A_3 : i32
    "tpu.region"() ({
      %run_scoped3A = tpu.sem_alloc : memref<!tpu.dma_semaphore, #tpu.memory_space<semaphore_mem>>
      tpu.enqueue_dma source(%arg3 : memref<64x128xi32, #tpu.memory_space<hbm>>) target(%arg5 : memref<64x128xi32, #tpu.memory_space<vmem>>) target_semaphore(%run_scoped3A : memref<!tpu.dma_semaphore, #tpu.memory_space<semaphore_mem>>)
      tpu.wait_dma2 semaphore(%run_scoped3A : memref<!tpu.dma_semaphore, #tpu.memory_space<semaphore_mem>>) src(%arg3 : memref<64x128xi32, #tpu.memory_space<hbm>>) dst(%arg5 : memref<64x128xi32, #tpu.memory_space<vmem>>)
      tpu.yield
    }) : () -> ()
    %parallel_loop3A = arith.constant 0 : i32
    %parallel_loop3A_5 = arith.constant 64 : i32
    %parallel_loop3A_6 = arith.constant 1 : i32
    scf.for %parallel_loop3A_97 = %parallel_loop3A to %parallel_loop3A_5 step %parallel_loop3A_6  : i32 {
      %parallel_loop3A_98 = arith.index_cast %parallel_loop3A_97 : i32 to index
      %parallel_loop3A_99 = arith.constant 0 : index
      %parallel_loop3A_100 = tpu.vector_load %arg5[%parallel_loop3A_98, %parallel_loop3A_99] {strides = array<i32>} : memref<64x128xi32, #tpu.memory_space<vmem>>, vector<16xi32>,
      %parallel_loop3A_101 = vector.broadcast %mul3A_2 : i32 to vector<16xi32>
      %parallel_loop3A_102 = arith.addi %parallel_loop3A_100, %parallel_loop3A_101 : vector<16xi32>
      %parallel_loop3A_103 = arith.index_cast %parallel_loop3A_97 : i32 to index
      %parallel_loop3A_104 = arith.constant 0 : index
      %parallel_loop3A_105 = tpu.vector_load %arg5[%parallel_loop3A_103, %parallel_loop3A_104] {strides = array<i32>} : memref<64x128xi32, #tpu.memory_space<vmem>>, vector<16xi32>,
      tpu.vector_store %arg5[%parallel_loop3A_103, %parallel_loop3A_104], %parallel_loop3A_102 {strides = array<i32>} : memref<64x128xi32, #tpu.memory_space<vmem>>, vector<16xi32>,
      %parallel_loop3A_106 = arith.index_cast %parallel_loop3A_97 : i32 to index
      %parallel_loop3A_107 = arith.constant 16 : index
      %parallel_loop3A_108 = tpu.vector_load %arg5[%parallel_loop3A_106, %parallel_loop3A_107] {strides = array<i32>} : memref<64x128xi32, #tpu.memory_space<vmem>>, vector<16xi32>,
      %parallel_loop3A_109 = vector.broadcast %mul3A_2 : i32 to vector<16xi32>
      %parallel_loop3A_110 = arith.addi %parallel_loop3A_108, %parallel_loop3A_109 : vector<16xi32>
      %parallel_loop3A_111 = arith.index_cast %parallel_loop3A_97 : i32 to index
      %parallel_loop3A_112 = arith.constant 16 : index
      %parallel_loop3A_113 = tpu.vector_load %arg5[%parallel_loop3A_111, %parallel_loop3A_112] {strides = array<i32>} : memref<64x128xi32, #tpu.memory_space<vmem>>, vector<16xi32>,
      tpu.vector_store %arg5[%parallel_loop3A_111, %parallel_loop3A_112], %parallel_loop3A_110 {strides = array<i32>} : memref<64x128xi32, #tpu.memory_space<vmem>>, vector<16xi32>,
      %parallel_loop3A_114 = arith.index_cast %parallel_loop3A_97 : i32 to index
      %parallel_loop3A_115 = arith.constant 32 : index
      %parallel_loop3A_116 = tpu.vector_load %arg5[%parallel_loop3A_114, %parallel_loop3A_115] {strides = array<i32>} : memref<64x128xi32, #tpu.memory_space<vmem>>, vector<16xi32>,
      %parallel_loop3A_117 = vector.broadcast %mul3A_2 : i32 to vector<16xi32>
      %parallel_loop3A_118 = arith.addi %parallel_loop3A_116, %parallel_loop3A_117 : vector<16xi32>
      %parallel_loop3A_119 = arith.index_cast %parallel_loop3A_97 : i32 to index
      %parallel_loop3A_120 = arith.constant 32 : index
      %parallel_loop3A_121 = tpu.vector_load %arg5[%parallel_loop3A_119, %parallel_loop3A_120] {strides = array<i32>} : memref<64x128xi32, #tpu.memory_space<vmem>>, vector<16xi32>,
      tpu.vector_store %arg5[%parallel_loop3A_119, %parallel_loop3A_120], %parallel_loop3A_118 {strides = array<i32>} : memref<64x128xi32, #tpu.memory_space<vmem>>, vector<16xi32>,
      %parallel_loop3A_122 = arith.index_cast %parallel_loop3A_97 : i32 to index
      %parallel_loop3A_123 = arith.constant 48 : index
      %parallel_loop3A_124 = tpu.vector_load %arg5[%parallel_loop3A_122, %parallel_loop3A_123] {strides = array<i32>} : memref<64x128xi32, #tpu.memory_space<vmem>>, vector<16xi32>,
      %parallel_loop3A_125 = vector.broadcast %mul3A_2 : i32 to vector<16xi32>
      %parallel_loop3A_126 = arith.addi %parallel_loop3A_124, %parallel_loop3A_125 : vector<16xi32>
      %parallel_loop3A_127 = arith.index_cast %parallel_loop3A_97 : i32 to index
      %parallel_loop3A_128 = arith.constant 48 : index
      %parallel_loop3A_129 = tpu.vector_load %arg5[%parallel_loop3A_127, %parallel_loop3A_128] {strides = array<i32>} : memref<64x128xi32, #tpu.memory_space<vmem>>, vector<16xi32>,
      tpu.vector_store %arg5[%parallel_loop3A_127, %parallel_loop3A_128], %parallel_loop3A_126 {strides = array<i32>} : memref<64x128xi32, #tpu.memory_space<vmem>>, vector<16xi32>,
      %parallel_loop3A_130 = arith.index_cast %parallel_loop3A_97 : i32 to index
      %parallel_loop3A_131 = arith.constant 64 : index
      %parallel_loop3A_132 = tpu.vector_load %arg5[%parallel_loop3A_130, %parallel_loop3A_131] {strides = array<i32>} : memref<64x128xi32, #tpu.memory_space<vmem>>, vector<16xi32>,
      %parallel_loop3A_133 = vector.broadcast %mul3A_2 : i32 to vector<16xi32>
      %parallel_loop3A_134 = arith.addi %parallel_loop3A_132, %parallel_loop3A_133 : vector<16xi32>
      %parallel_loop3A_135 = arith.index_cast %parallel_loop3A_97 : i32 to index
      %parallel_loop3A_136 = arith.constant 64 : index
      %parallel_loop3A_137 = tpu.vector_load %arg5[%parallel_loop3A_135, %parallel_loop3A_136] {strides = array<i32>} : memref<64x128xi32, #tpu.memory_space<vmem>>, vector<16xi32>,
      tpu.vector_store %arg5[%parallel_loop3A_135, %parallel_loop3A_136], %parallel_loop3A_134 {strides = array<i32>} : memref<64x128xi32, #tpu.memory_space<vmem>>, vector<16xi32>,
      %parallel_loop3A_138 = arith.index_cast %parallel_loop3A_97 : i32 to index
      %parallel_loop3A_139 = arith.constant 80 : index
      %parallel_loop3A_140 = tpu.vector_load %arg5[%parallel_loop3A_138, %parallel_loop3A_139] {strides = array<i32>} : memref<64x128xi32, #tpu.memory_space<vmem>>, vector<16xi32>,
      %parallel_loop3A_141 = vector.broadcast %mul3A_2 : i32 to vector<16xi32>
      %parallel_loop3A_142 = arith.addi %parallel_loop3A_140, %parallel_loop3A_141 : vector<16xi32>
      %parallel_loop3A_143 = arith.index_cast %parallel_loop3A_97 : i32 to index
      %parallel_loop3A_144 = arith.constant 80 : index
      %parallel_loop3A_145 = tpu.vector_load %arg5[%parallel_loop3A_143, %parallel_loop3A_144] {strides = array<i32>} : memref<64x128xi32, #tpu.memory_space<vmem>>, vector<16xi32>,
      tpu.vector_store %arg5[%parallel_loop3A_143, %parallel_loop3A_144], %parallel_loop3A_142 {strides = array<i32>} : memref<64x128xi32, #tpu.memory_space<vmem>>, vector<16xi32>,
      %parallel_loop3A_146 = arith.index_cast %parallel_loop3A_97 : i32 to index
      %parallel_loop3A_147 = arith.constant 96 : index
      %parallel_loop3A_148 = tpu.vector_load %arg5[%parallel_loop3A_146, %parallel_loop3A_147] {strides = array<i32>} : memref<64x128xi32, #tpu.memory_space<vmem>>, vector<16xi32>,
      %parallel_loop3A_149 = vector.broadcast %mul3A_2 : i32 to vector<16xi32>
      %parallel_loop3A_150 = arith.addi %parallel_loop3A_148, %parallel_loop3A_149 : vector<16xi32>
      %parallel_loop3A_151 = arith.index_cast %parallel_loop3A_97 : i32 to index
      %parallel_loop3A_152 = arith.constant 96 : index
      %parallel_loop3A_153 = tpu.vector_load %arg5[%parallel_loop3A_151, %parallel_loop3A_152] {strides = array<i32>} : memref<64x128xi32, #tpu.memory_space<vmem>>, vector<16xi32>,
      tpu.vector_store %arg5[%parallel_loop3A_151, %parallel_loop3A_152], %parallel_loop3A_150 {strides = array<i32>} : memref<64x128xi32, #tpu.memory_space<vmem>>, vector<16xi32>,
      %parallel_loop3A_154 = arith.index_cast %parallel_loop3A_97 : i32 to index
      %parallel_loop3A_155 = arith.constant 112 : index
      %parallel_loop3A_156 = tpu.vector_load %arg5[%parallel_loop3A_154, %parallel_loop3A_155] {strides = array<i32>} : memref<64x128xi32, #tpu.memory_space<vmem>>, vector<16xi32>,
      %parallel_loop3A_157 = vector.broadcast %mul3A_2 : i32 to vector<16xi32>
      %parallel_loop3A_158 = arith.addi %parallel_loop3A_156, %parallel_loop3A_157 : vector<16xi32>
      %parallel_loop3A_159 = arith.index_cast %parallel_loop3A_97 : i32 to index
      %parallel_loop3A_160 = arith.constant 112 : index
      %parallel_loop3A_161 = tpu.vector_load %arg5[%parallel_loop3A_159, %parallel_loop3A_160] {strides = array<i32>} : memref<64x128xi32, #tpu.memory_space<vmem>>, vector<16xi32>,
      tpu.vector_store %arg5[%parallel_loop3A_159, %parallel_loop3A_160], %parallel_loop3A_158 {strides = array<i32>} : memref<64x128xi32, #tpu.memory_space<vmem>>, vector<16xi32>,
    } {sc.loop_unroll_factor = 2 : i64, sc.parallel_access}
    %dma_start3A = arith.constant 0 : i32
    %dma_start3A_7 = arith.constant 0 : i32
    %dma_start3A_8 = arith.constant 0 : i32
    %dma_start3A_9 = arith.constant 0 : i32
    %dma_start3A_10 = tpu.memref_slice %arg6[%dma_start3A_7, %dma_start3A_8, %dma_start3A_9] : memref<4x128x128xf32, #tpu.memory_space<vmem>> -> memref<1x128x128xf32, #tpu.memory_space<vmem>>
    %dma_start3A_11 = tpu.memref_squeeze %dma_start3A_10 : memref<1x128x128xf32, #tpu.memory_space<vmem>> -> memref<128x128xf32, #tpu.memory_space<vmem>>
    %dma_start3A_12 = arith.constant 0 : i32
    %dma_start3A_13 = tpu.memref_slice %arg5[%dma_start3A, %dma_start3A_12] : memref<64x128xi32, #tpu.memory_space<vmem>> -> memref<1x128xi32, #tpu.memory_space<vmem>>
    %dma_start3A_14 = tpu.memref_squeeze %dma_start3A_13 : memref<1x128xi32, #tpu.memory_space<vmem>> -> memref<128xi32, #tpu.memory_space<vmem>>
    %dma_start3A_15 = arith.constant 0 : i32
    %dma_start3A_16 = arith.constant 0 : i32
    %dma_start3A_17 = tpu.memref_slice %arg2[%dma_start3A_15, %dma_start3A_16] : memref<262144x128xf32, #tpu.memory_space<hbm>> -> memref<262144x128xf32, #tpu.memory_space<hbm>>
    tpu.enqueue_indirect_dma source(%dma_start3A_17 : memref<262144x128xf32, #tpu.memory_space<hbm>>) target(%dma_start3A_11 : memref<128x128xf32, #tpu.memory_space<vmem>>) offsets(%dma_start3A_14 : memref<128xi32, #tpu.memory_space<vmem>>) semaphore(%arg8 : memref<!tpu.dma_semaphore, #tpu.memory_space<semaphore_mem>>)
    %dma_start3A_18 = arith.constant 1 : i32
    %dma_start3A_19 = arith.constant 1 : i32
    %dma_start3A_20 = arith.constant 0 : i32
    %dma_start3A_21 = arith.constant 0 : i32
    %dma_start3A_22 = tpu.memref_slice %arg6[%dma_start3A_19, %dma_start3A_20, %dma_start3A_21] : memref<4x128x128xf32, #tpu.memory_space<vmem>> -> memref<1x128x128xf32, #tpu.memory_space<vmem>>
    %dma_start3A_23 = tpu.memref_squeeze %dma_start3A_22 : memref<1x128x128xf32, #tpu.memory_space<vmem>> -> memref<128x128xf32, #tpu.memory_space<vmem>>
    %dma_start3A_24 = arith.constant 0 : i32
    %dma_start3A_25 = tpu.memref_slice %arg5[%dma_start3A_18, %dma_start3A_24] : memref<64x128xi32, #tpu.memory_space<vmem>> -> memref<1x128xi32, #tpu.memory_space<vmem>>
    %dma_start3A_26 = tpu.memref_squeeze %dma_start3A_25 : memref<1x128xi32, #tpu.memory_space<vmem>> -> memref<128xi32, #tpu.memory_space<vmem>>
    %dma_start3A_27 = arith.constant 0 : i32
    %dma_start3A_28 = arith.constant 0 : i32
    %dma_start3A_29 = tpu.memref_slice %arg2[%dma_start3A_27, %dma_start3A_28] : memref<262144x128xf32, #tpu.memory_space<hbm>> -> memref<262144x128xf32, #tpu.memory_space<hbm>>
    tpu.enqueue_indirect_dma source(%dma_start3A_29 : memref<262144x128xf32, #tpu.memory_space<hbm>>) target(%dma_start3A_23 : memref<128x128xf32, #tpu.memory_space<vmem>>) offsets(%dma_start3A_26 : memref<128xi32, #tpu.memory_space<vmem>>) semaphore(%arg9 : memref<!tpu.dma_semaphore, #tpu.memory_space<semaphore_mem>>)
    %dma_start3A_30 = arith.constant 2 : i32
    %dma_start3A_31 = arith.constant 2 : i32
    %dma_start3A_32 = arith.constant 0 : i32
    %dma_start3A_33 = arith.constant 0 : i32
    %dma_start3A_34 = tpu.memref_slice %arg6[%dma_start3A_31, %dma_start3A_32, %dma_start3A_33] : memref<4x128x128xf32, #tpu.memory_space<vmem>> -> memref<1x128x128xf32, #tpu.memory_space<vmem>>
    %dma_start3A_35 = tpu.memref_squeeze %dma_start3A_34 : memref<1x128x128xf32, #tpu.memory_space<vmem>> -> memref<128x128xf32, #tpu.memory_space<vmem>>
    %dma_start3A_36 = arith.constant 0 : i32
    %dma_start3A_37 = tpu.memref_slice %arg5[%dma_start3A_30, %dma_start3A_36] : memref<64x128xi32, #tpu.memory_space<vmem>> -> memref<1x128xi32, #tpu.memory_space<vmem>>
    %dma_start3A_38 = tpu.memref_squeeze %dma_start3A_37 : memref<1x128xi32, #tpu.memory_space<vmem>> -> memref<128xi32, #tpu.memory_space<vmem>>
    %dma_start3A_39 = arith.constant 0 : i32
    %dma_start3A_40 = arith.constant 0 : i32
    %dma_start3A_41 = tpu.memref_slice %arg2[%dma_start3A_39, %dma_start3A_40] : memref<262144x128xf32, #tpu.memory_space<hbm>> -> memref<262144x128xf32, #tpu.memory_space<hbm>>
    tpu.enqueue_indirect_dma source(%dma_start3A_41 : memref<262144x128xf32, #tpu.memory_space<hbm>>) target(%dma_start3A_35 : memref<128x128xf32, #tpu.memory_space<vmem>>) offsets(%dma_start3A_38 : memref<128xi32, #tpu.memory_space<vmem>>) semaphore(%arg10 : memref<!tpu.dma_semaphore, #tpu.memory_space<semaphore_mem>>)
    %scan3A = arith.constant 0 : i32
    %scan3A_42 = arith.constant 16 : i32
    %scan3A_43 = arith.addi %scan3A, %scan3A_42 : i32
    %scan3A_44 = arith.constant 1 : i32
    scf.for %scan3A_97 = %scan3A to %scan3A_43 step %scan3A_44  : i32 {
      %mul3A_98 = arith.constant 4 : i32
      %mul3A_99 = arith.muli %scan3A_97, %mul3A_98 : i32
      %add3A_100 = arith.constant 0 : i32
      %add3A_101 = arith.addi %add3A_100, %mul3A_99 : i32
      %add3A_102 = arith.constant 0 : i32
      %add3A_103 = arith.addi %add3A_101, %add3A_102 : i32
      %add3A_104 = arith.constant 4 : i32
      %add3A_105 = arith.addi %add3A_103, %add3A_104 : i32
      %sub3A = arith.constant 1 : i32
      %sub3A_106 = arith.subi %add3A_105, %sub3A : i32
      %lt3A = arith.constant 64 : i32
      %lt3A_107 = arith.cmpi slt, %sub3A_106, %lt3A : i32
      %convert_element_type3A = arith.extui %lt3A_107 : i1 to i32
      %cond3A = arith.constant 0 : i32
      %cond3A_108 = arith.cmpi ne, %convert_element_type3A, %cond3A : i32
      scf.if %cond3A_108 {
        %dma_start3A_297 = arith.constant 3 : i32
        %dma_start3A_298 = arith.constant 0 : i32
        %dma_start3A_299 = arith.constant 0 : i32
        %dma_start3A_300 = tpu.memref_slice %arg6[%dma_start3A_297, %dma_start3A_298, %dma_start3A_299] : memref<4x128x128xf32, #tpu.memory_space<vmem>> -> memref<1x128x128xf32, #tpu.memory_space<vmem>>
        %dma_start3A_301 = tpu.memref_squeeze %dma_start3A_300 : memref<1x128x128xf32, #tpu.memory_space<vmem>> -> memref<128x128xf32, #tpu.memory_space<vmem>>
        %dma_start3A_302 = arith.constant 0 : i32
        %dma_start3A_303 = tpu.memref_slice %arg5[%sub3A_106, %dma_start3A_302] : memref<64x128xi32, #tpu.memory_space<vmem>> -> memref<1x128xi32, #tpu.memory_space<vmem>>
        %dma_start3A_304 = tpu.memref_squeeze %dma_start3A_303 : memref<1x128xi32, #tpu.memory_space<vmem>> -> memref<128xi32, #tpu.memory_space<vmem>>
        %dma_start3A_305 = arith.constant 0 : i32
        %dma_start3A_306 = arith.constant 0 : i32
        %dma_start3A_307 = tpu.memref_slice %arg2[%dma_start3A_305, %dma_start3A_306] : memref<262144x128xf32, #tpu.memory_space<hbm>> -> memref<262144x128xf32, #tpu.memory_space<hbm>>
        tpu.enqueue_indirect_dma source(%dma_start3A_307 : memref<262144x128xf32, #tpu.memory_space<hbm>>) target(%dma_start3A_301 : memref<128x128xf32, #tpu.memory_space<vmem>>) offsets(%dma_start3A_304 : memref<128xi32, #tpu.memory_space<vmem>>) semaphore(%arg11 : memref<!tpu.dma_semaphore, #tpu.memory_space<semaphore_mem>>)
      } else {
      }
      %dma_wait3A_109 = arith.constant 0 : i32
      %dma_wait3A_110 = arith.constant 0 : i32
      %dma_wait3A_111 = arith.constant 0 : i32
      %dma_wait3A_112 = tpu.memref_slice %arg6[%dma_wait3A_109, %dma_wait3A_110, %dma_wait3A_111] : memref<4x128x128xf32, #tpu.memory_space<vmem>> -> memref<1x128x128xf32, #tpu.memory_space<vmem>>
      %dma_wait3A_113 = tpu.memref_squeeze %dma_wait3A_112 : memref<1x128x128xf32, #tpu.memory_space<vmem>> -> memref<128x128xf32, #tpu.memory_space<vmem>>
      %dma_wait3A_114 = arith.constant 0 : i32
      %dma_wait3A_115 = arith.constant 0 : i32
      %dma_wait3A_116 = tpu.memref_slice %arg2[%dma_wait3A_114, %dma_wait3A_115] : memref<262144x128xf32, #tpu.memory_space<hbm>> -> memref<128x128xf32, #tpu.memory_space<hbm>>
      %dma_wait3A_117 = arith.constant 0 : i32
      %dma_wait3A_118 = arith.constant 0 : i32
      %dma_wait3A_119 = tpu.memref_slice %arg6[%dma_wait3A_109, %dma_wait3A_117, %dma_wait3A_118] : memref<4x128x128xf32, #tpu.memory_space<vmem>> -> memref<1x128x128xf32, #tpu.memory_space<vmem>>
      %dma_wait3A_120 = tpu.memref_squeeze %dma_wait3A_119 : memref<1x128x128xf32, #tpu.memory_space<vmem>> -> memref<128x128xf32, #tpu.memory_space<vmem>>
      %dma_wait3A_121 = arith.constant 0 : i32
      %dma_wait3A_122 = arith.constant 0 : i32
      %dma_wait3A_123 = tpu.memref_slice %arg2[%dma_wait3A_121, %dma_wait3A_122] : memref<262144x128xf32, #tpu.memory_space<hbm>> -> memref<128x128xf32, #tpu.memory_space<hbm>>
      tpu.wait_dma2 semaphore(%arg8 : memref<!tpu.dma_semaphore, #tpu.memory_space<semaphore_mem>>) src(%dma_wait3A_123 : memref<128x128xf32, #tpu.memory_space<hbm>>) dst(%dma_wait3A_120 : memref<128x128xf32, #tpu.memory_space<vmem>>)
      %ge3A = arith.constant 4 : i32
      %ge3A_124 = arith.cmpi sge, %add3A_103, %ge3A : i32
      %convert_element_type3A_125 = arith.extui %ge3A_124 : i1 to i32
      %cond3A_126 = arith.constant 0 : i32
      %cond3A_127 = arith.cmpi ne, %convert_element_type3A_125, %cond3A_126 : i32
      scf.if %cond3A_127 {
        %dma_wait3A_297 = arith.constant 0 : i32
        %dma_wait3A_298 = arith.constant 0 : i32
        %dma_wait3A_299 = arith.constant 0 : i32
        %dma_wait3A_300 = tpu.memref_slice %arg7[%dma_wait3A_297, %dma_wait3A_298, %dma_wait3A_299] : memref<4x32x128xf32, #tpu.memory_space<vmem>> -> memref<1x32x128xf32, #tpu.memory_space<vmem>>
        %dma_wait3A_301 = tpu.memref_squeeze %dma_wait3A_300 : memref<1x32x128xf32, #tpu.memory_space<vmem>> -> memref<32x128xf32, #tpu.memory_space<vmem>>
        %dma_wait3A_302 = arith.constant 0 : i32
        %dma_wait3A_303 = tpu.memref_slice %arg4[%mul3A_4, %dma_wait3A_302] : memref<65536x128xf32, #tpu.memory_space<hbm>> -> memref<32x128xf32, #tpu.memory_space<hbm>>
        %dma_wait3A_304 = arith.constant 0 : i32
        %dma_wait3A_305 = tpu.memref_slice %arg4[%mul3A_4, %dma_wait3A_304] : memref<65536x128xf32, #tpu.memory_space<hbm>> -> memref<32x128xf32, #tpu.memory_space<hbm>>
        %dma_wait3A_306 = arith.constant 0 : i32
        %dma_wait3A_307 = arith.constant 0 : i32
        %dma_wait3A_308 = tpu.memref_slice %arg7[%dma_wait3A_297, %dma_wait3A_306, %dma_wait3A_307] : memref<4x32x128xf32, #tpu.memory_space<vmem>> -> memref<1x32x128xf32, #tpu.memory_space<vmem>>
        %dma_wait3A_309 = tpu.memref_squeeze %dma_wait3A_308 : memref<1x32x128xf32, #tpu.memory_space<vmem>> -> memref<32x128xf32, #tpu.memory_space<vmem>>
        tpu.wait_dma2 semaphore(%arg12 : memref<!tpu.dma_semaphore, #tpu.memory_space<semaphore_mem>>) src(%dma_wait3A_309 : memref<32x128xf32, #tpu.memory_space<vmem>>) dst(%dma_wait3A_305 : memref<32x128xf32, #tpu.memory_space<hbm>>)
      } else {
      }
      %parallel_loop3A_128 = arith.constant 0 : i32
      %parallel_loop3A_129 = arith.constant 32 : i32
      %parallel_loop3A_130 = arith.constant 1 : i32
      scf.for %parallel_loop3A_297 = %parallel_loop3A_128 to %parallel_loop3A_129 step %parallel_loop3A_130  : i32 {
        %parallel_loop3A_298 = arith.constant 4 : i32
        %parallel_loop3A_299 = arith.muli %parallel_loop3A_297, %parallel_loop3A_298 : i32
        %parallel_loop3A_300 = arith.constant 0 : i32
        %parallel_loop3A_301 = arith.index_cast %parallel_loop3A_300 : i32 to index
        %parallel_loop3A_302 = arith.index_cast %parallel_loop3A_299 : i32 to index
        %parallel_loop3A_303 = arith.constant 0 : index
        %parallel_loop3A_304 = tpu.vector_load %arg6[%parallel_loop3A_301, %parallel_loop3A_302, %parallel_loop3A_303] {strides = array<i32>} : memref<4x128x128xf32, #tpu.memory_space<vmem>>, vector<16xf32>,
        %parallel_loop3A_305 = arith.constant 1 : i32
        %parallel_loop3A_306 = arith.addi %parallel_loop3A_299, %parallel_loop3A_305 : i32
        %parallel_loop3A_307 = arith.constant 0 : i32
        %parallel_loop3A_308 = arith.index_cast %parallel_loop3A_307 : i32 to index
        %parallel_loop3A_309 = arith.index_cast %parallel_loop3A_306 : i32 to index
        %parallel_loop3A_310 = arith.constant 0 : index
        %parallel_loop3A_311 = tpu.vector_load %arg6[%parallel_loop3A_308, %parallel_loop3A_309, %parallel_loop3A_310] {strides = array<i32>} : memref<4x128x128xf32, #tpu.memory_space<vmem>>, vector<16xf32>,
        %parallel_loop3A_312 = arith.maximumf %parallel_loop3A_304, %parallel_loop3A_311 : vector<16xf32>
        %parallel_loop3A_313 = arith.constant 2 : i32
        %parallel_loop3A_314 = arith.addi %parallel_loop3A_299, %parallel_loop3A_313 : i32
        %parallel_loop3A_315 = arith.constant 0 : i32
        %parallel_loop3A_316 = arith.index_cast %parallel_loop3A_315 : i32 to index
        %parallel_loop3A_317 = arith.index_cast %parallel_loop3A_314 : i32 to index
        %parallel_loop3A_318 = arith.constant 0 : index
        %parallel_loop3A_319 = tpu.vector_load %arg6[%parallel_loop3A_316, %parallel_loop3A_317, %parallel_loop3A_318] {strides = array<i32>} : memref<4x128x128xf32, #tpu.memory_space<vmem>>, vector<16xf32>,
        %parallel_loop3A_320 = arith.constant 3 : i32
        %parallel_loop3A_321 = arith.addi %parallel_loop3A_299, %parallel_loop3A_320 : i32
        %parallel_loop3A_322 = arith.constant 0 : i32
        %parallel_loop3A_323 = arith.index_cast %parallel_loop3A_322 : i32 to index
        %parallel_loop3A_324 = arith.index_cast %parallel_loop3A_321 : i32 to index
        %parallel_loop3A_325 = arith.constant 0 : index
        %parallel_loop3A_326 = tpu.vector_load %arg6[%parallel_loop3A_323, %parallel_loop3A_324, %parallel_loop3A_325] {strides = array<i32>} : memref<4x128x128xf32, #tpu.memory_space<vmem>>, vector<16xf32>,
        %parallel_loop3A_327 = arith.maximumf %parallel_loop3A_319, %parallel_loop3A_326 : vector<16xf32>
        %parallel_loop3A_328 = arith.maximumf %parallel_loop3A_312, %parallel_loop3A_327 : vector<16xf32>
        %parallel_loop3A_329 = arith.constant 0 : i32
        %parallel_loop3A_330 = arith.index_cast %parallel_loop3A_329 : i32 to index
        %parallel_loop3A_331 = arith.index_cast %parallel_loop3A_297 : i32 to index
        %parallel_loop3A_332 = arith.constant 0 : index
        %parallel_loop3A_333 = tpu.vector_load %arg7[%parallel_loop3A_330, %parallel_loop3A_331, %parallel_loop3A_332] {strides = array<i32>} : memref<4x32x128xf32, #tpu.memory_space<vmem>>, vector<16xf32>,
        tpu.vector_store %arg7[%parallel_loop3A_330, %parallel_loop3A_331, %parallel_loop3A_332], %parallel_loop3A_328 {strides = array<i32>} : memref<4x32x128xf32, #tpu.memory_space<vmem>>, vector<16xf32>,
        %parallel_loop3A_334 = arith.constant 0 : i32
        %parallel_loop3A_335 = arith.index_cast %parallel_loop3A_334 : i32 to index
        %parallel_loop3A_336 = arith.index_cast %parallel_loop3A_299 : i32 to index
        %parallel_loop3A_337 = arith.constant 16 : index
        %parallel_loop3A_338 = tpu.vector_load %arg6[%parallel_loop3A_335, %parallel_loop3A_336, %parallel_loop3A_337] {strides = array<i32>} : memref<4x128x128xf32, #tpu.memory_space<vmem>>, vector<16xf32>,
        %parallel_loop3A_339 = arith.constant 1 : i32
        %parallel_loop3A_340 = arith.addi %parallel_loop3A_299, %parallel_loop3A_339 : i32
        %parallel_loop3A_341 = arith.constant 0 : i32
        %parallel_loop3A_342 = arith.index_cast %parallel_loop3A_341 : i32 to index
        %parallel_loop3A_343 = arith.index_cast %parallel_loop3A_340 : i32 to index
        %parallel_loop3A_344 = arith.constant 16 : index
        %parallel_loop3A_345 = tpu.vector_load %arg6[%parallel_loop3A_342, %parallel_loop3A_343, %parallel_loop3A_344] {strides = array<i32>} : memref<4x128x128xf32, #tpu.memory_space<vmem>>, vector<16xf32>,
        %parallel_loop3A_346 = arith.maximumf %parallel_loop3A_338, %parallel_loop3A_345 : vector<16xf32>
        %parallel_loop3A_347 = arith.constant 2 : i32
        %parallel_loop3A_348 = arith.addi %parallel_loop3A_299, %parallel_loop3A_347 : i32
        %parallel_loop3A_349 = arith.constant 0 : i32
        %parallel_loop3A_350 = arith.index_cast %parallel_loop3A_349 : i32 to index
        %parallel_loop3A_351 = arith.index_cast %parallel_loop3A_348 : i32 to index
        %parallel_loop3A_352 = arith.constant 16 : index
        %parallel_loop3A_353 = tpu.vector_load %arg6[%parallel_loop3A_350, %parallel_loop3A_351, %parallel_loop3A_352] {strides = array<i32>} : memref<4x128x128xf32, #tpu.memory_space<vmem>>, vector<16xf32>,
        %parallel_loop3A_354 = arith.constant 3 : i32
        %parallel_loop3A_355 = arith.addi %parallel_loop3A_299, %parallel_loop3A_354 : i32
        %parallel_loop3A_356 = arith.constant 0 : i32
        %parallel_loop3A_357 = arith.index_cast %parallel_loop3A_356 : i32 to index
        %parallel_loop3A_358 = arith.index_cast %parallel_loop3A_355 : i32 to index
        %parallel_loop3A_359 = arith.constant 16 : index
        %parallel_loop3A_360 = tpu.vector_load %arg6[%parallel_loop3A_357, %parallel_loop3A_358, %parallel_loop3A_359] {strides = array<i32>} : memref<4x128x128xf32, #tpu.memory_space<vmem>>, vector<16xf32>,
        %parallel_loop3A_361 = arith.maximumf %parallel_loop3A_353, %parallel_loop3A_360 : vector<16xf32>
        %parallel_loop3A_362 = arith.maximumf %parallel_loop3A_346, %parallel_loop3A_361 : vector<16xf32>
        %parallel_loop3A_363 = arith.constant 0 : i32
        %parallel_loop3A_364 = arith.index_cast %parallel_loop3A_363 : i32 to index
        %parallel_loop3A_365 = arith.index_cast %parallel_loop3A_297 : i32 to index
        %parallel_loop3A_366 = arith.constant 16 : index
        %parallel_loop3A_367 = tpu.vector_load %arg7[%parallel_loop3A_364, %parallel_loop3A_365, %parallel_loop3A_366] {strides = array<i32>} : memref<4x32x128xf32, #tpu.memory_space<vmem>>, vector<16xf32>,
        tpu.vector_store %arg7[%parallel_loop3A_364, %parallel_loop3A_365, %parallel_loop3A_366], %parallel_loop3A_362 {strides = array<i32>} : memref<4x32x128xf32, #tpu.memory_space<vmem>>, vector<16xf32>,
        %parallel_loop3A_368 = arith.constant 0 : i32
        %parallel_loop3A_369 = arith.index_cast %parallel_loop3A_368 : i32 to index
        %parallel_loop3A_370 = arith.index_cast %parallel_loop3A_299 : i32 to index
        %parallel_loop3A_371 = arith.constant 32 : index
        %parallel_loop3A_372 = tpu.vector_load %arg6[%parallel_loop3A_369, %parallel_loop3A_370, %parallel_loop3A_371] {strides = array<i32>} : memref<4x128x128xf32, #tpu.memory_space<vmem>>, vector<16xf32>,
        %parallel_loop3A_373 = arith.constant 1 : i32
        %parallel_loop3A_374 = arith.addi %parallel_loop3A_299, %parallel_loop3A_373 : i32
        %parallel_loop3A_375 = arith.constant 0 : i32
        %parallel_loop3A_376 = arith.index_cast %parallel_loop3A_375 : i32 to index
        %parallel_loop3A_377 = arith.index_cast %parallel_loop3A_374 : i32 to index
        %parallel_loop3A_378 = arith.constant 32 : index
        %parallel_loop3A_379 = tpu.vector_load %arg6[%parallel_loop3A_376, %parallel_loop3A_377, %parallel_loop3A_378] {strides = array<i32>} : memref<4x128x128xf32, #tpu.memory_space<vmem>>, vector<16xf32>,
        %parallel_loop3A_380 = arith.maximumf %parallel_loop3A_372, %parallel_loop3A_379 : vector<16xf32>
        %parallel_loop3A_381 = arith.constant 2 : i32
        %parallel_loop3A_382 = arith.addi %parallel_loop3A_299, %parallel_loop3A_381 : i32
        %parallel_loop3A_383 = arith.constant 0 : i32
        %parallel_loop3A_384 = arith.index_cast %parallel_loop3A_383 : i32 to index
        %parallel_loop3A_385 = arith.index_cast %parallel_loop3A_382 : i32 to index
        %parallel_loop3A_386 = arith.constant 32 : index
        %parallel_loop3A_387 = tpu.vector_load %arg6[%parallel_loop3A_384, %parallel_loop3A_385, %parallel_loop3A_386] {strides = array<i32>} : memref<4x128x128xf32, #tpu.memory_space<vmem>>, vector<16xf32>,
        %parallel_loop3A_388 = arith.constant 3 : i32
        %parallel_loop3A_389 = arith.addi %parallel_loop3A_299, %parallel_loop3A_388 : i32
        %parallel_loop3A_390 = arith.constant 0 : i32
        %parallel_loop3A_391 = arith.index_cast %parallel_loop3A_390 : i32 to index
        %parallel_loop3A_392 = arith.index_cast %parallel_loop3A_389 : i32 to index
        %parallel_loop3A_393 = arith.constant 32 : index
        %parallel_loop3A_394 = tpu.vector_load %arg6[%parallel_loop3A_391, %parallel_loop3A_392, %parallel_loop3A_393] {strides = array<i32>} : memref<4x128x128xf32, #tpu.memory_space<vmem>>, vector<16xf32>,
        %parallel_loop3A_395 = arith.maximumf %parallel_loop3A_387, %parallel_loop3A_394 : vector<16xf32>
        %parallel_loop3A_396 = arith.maximumf %parallel_loop3A_380, %parallel_loop3A_395 : vector<16xf32>
        %parallel_loop3A_397 = arith.constant 0 : i32
        %parallel_loop3A_398 = arith.index_cast %parallel_loop3A_397 : i32 to index
        %parallel_loop3A_399 = arith.index_cast %parallel_loop3A_297 : i32 to index
        %parallel_loop3A_400 = arith.constant 32 : index
        %parallel_loop3A_401 = tpu.vector_load %arg7[%parallel_loop3A_398, %parallel_loop3A_399, %parallel_loop3A_400] {strides = array<i32>} : memref<4x32x128xf32, #tpu.memory_space<vmem>>, vector<16xf32>,
        tpu.vector_store %arg7[%parallel_loop3A_398, %parallel_loop3A_399, %parallel_loop3A_400], %parallel_loop3A_396 {strides = array<i32>} : memref<4x32x128xf32, #tpu.memory_space<vmem>>, vector<16xf32>,
        %parallel_loop3A_402 = arith.constant 0 : i32
        %parallel_loop3A_403 = arith.index_cast %parallel_loop3A_402 : i32 to index
        %parallel_loop3A_404 = arith.index_cast %parallel_loop3A_299 : i32 to index
        %parallel_loop3A_405 = arith.constant 48 : index
        %parallel_loop3A_406 = tpu.vector_load %arg6[%parallel_loop3A_403, %parallel_loop3A_404, %parallel_loop3A_405] {strides = array<i32>} : memref<4x128x128xf32, #tpu.memory_space<vmem>>, vector<16xf32>,
        %parallel_loop3A_407 = arith.constant 1 : i32
        %parallel_loop3A_408 = arith.addi %parallel_loop3A_299, %parallel_loop3A_407 : i32
        %parallel_loop3A_409 = arith.constant 0 : i32
        %parallel_loop3A_410 = arith.index_cast %parallel_loop3A_409 : i32 to index
        %parallel_loop3A_411 = arith.index_cast %parallel_loop3A_408 : i32 to index
        %parallel_loop3A_412 = arith.constant 48 : index
        %parallel_loop3A_413 = tpu.vector_load %arg6[%parallel_loop3A_410, %parallel_loop3A_411, %parallel_loop3A_412] {strides = array<i32>} : memref<4x128x128xf32, #tpu.memory_space<vmem>>, vector<16xf32>,
        %parallel_loop3A_414 = arith.maximumf %parallel_loop3A_406, %parallel_loop3A_413 : vector<16xf32>
        %parallel_loop3A_415 = arith.constant 2 : i32
        %parallel_loop3A_416 = arith.addi %parallel_loop3A_299, %parallel_loop3A_415 : i32
        %parallel_loop3A_417 = arith.constant 0 : i32
        %parallel_loop3A_418 = arith.index_cast %parallel_loop3A_417 : i32 to index
        %parallel_loop3A_419 = arith.index_cast %parallel_loop3A_416 : i32 to index
        %parallel_loop3A_420 = arith.constant 48 : index
        %parallel_loop3A_421 = tpu.vector_load %arg6[%parallel_loop3A_418, %parallel_loop3A_419, %parallel_loop3A_420] {strides = array<i32>} : memref<4x128x128xf32, #tpu.memory_space<vmem>>, vector<16xf32>,
        %parallel_loop3A_422 = arith.constant 3 : i32
        %parallel_loop3A_423 = arith.addi %parallel_loop3A_299, %parallel_loop3A_422 : i32
        %parallel_loop3A_424 = arith.constant 0 : i32
        %parallel_loop3A_425 = arith.index_cast %parallel_loop3A_424 : i32 to index
        %parallel_loop3A_426 = arith.index_cast %parallel_loop3A_423 : i32 to index
        %parallel_loop3A_427 = arith.constant 48 : index
        %parallel_loop3A_428 = tpu.vector_load %arg6[%parallel_loop3A_425, %parallel_loop3A_426, %parallel_loop3A_427] {strides = array<i32>} : memref<4x128x128xf32, #tpu.memory_space<vmem>>, vector<16xf32>,
        %parallel_loop3A_429 = arith.maximumf %parallel_loop3A_421, %parallel_loop3A_428 : vector<16xf32>
        %parallel_loop3A_430 = arith.maximumf %parallel_loop3A_414, %parallel_loop3A_429 : vector<16xf32>
        %parallel_loop3A_431 = arith.constant 0 : i32
        %parallel_loop3A_432 = arith.index_cast %parallel_loop3A_431 : i32 to index
        %parallel_loop3A_433 = arith.index_cast %parallel_loop3A_297 : i32 to index
        %parallel_loop3A_434 = arith.constant 48 : index
        %parallel_loop3A_435 = tpu.vector_load %arg7[%parallel_loop3A_432, %parallel_loop3A_433, %parallel_loop3A_434] {strides = array<i32>} : memref<4x32x128xf32, #tpu.memory_space<vmem>>, vector<16xf32>,
        tpu.vector_store %arg7[%parallel_loop3A_432, %parallel_loop3A_433, %parallel_loop3A_434], %parallel_loop3A_430 {strides = array<i32>} : memref<4x32x128xf32, #tpu.memory_space<vmem>>, vector<16xf32>,
        %parallel_loop3A_436 = arith.constant 0 : i32
        %parallel_loop3A_437 = arith.index_cast %parallel_loop3A_436 : i32 to index
        %parallel_loop3A_438 = arith.index_cast %parallel_loop3A_299 : i32 to index
        %parallel_loop3A_439 = arith.constant 64 : index
        %parallel_loop3A_440 = tpu.vector_load %arg6[%parallel_loop3A_437, %parallel_loop3A_438, %parallel_loop3A_439] {strides = array<i32>} : memref<4x128x128xf32, #tpu.memory_space<vmem>>, vector<16xf32>,
        %parallel_loop3A_441 = arith.constant 1 : i32
        %parallel_loop3A_442 = arith.addi %parallel_loop3A_299, %parallel_loop3A_441 : i32
        %parallel_loop3A_443 = arith.constant 0 : i32
        %parallel_loop3A_444 = arith.index_cast %parallel_loop3A_443 : i32 to index
        %parallel_loop3A_445 = arith.index_cast %parallel_loop3A_442 : i32 to index
        %parallel_loop3A_446 = arith.constant 64 : index
        %parallel_loop3A_447 = tpu.vector_load %arg6[%parallel_loop3A_444, %parallel_loop3A_445, %parallel_loop3A_446] {strides = array<i32>} : memref<4x128x128xf32, #tpu.memory_space<vmem>>, vector<16xf32>,
        %parallel_loop3A_448 = arith.maximumf %parallel_loop3A_440, %parallel_loop3A_447 : vector<16xf32>
        %parallel_loop3A_449 = arith.constant 2 : i32
        %parallel_loop3A_450 = arith.addi %parallel_loop3A_299, %parallel_loop3A_449 : i32
        %parallel_loop3A_451 = arith.constant 0 : i32
        %parallel_loop3A_452 = arith.index_cast %parallel_loop3A_451 : i32 to index
        %parallel_loop3A_453 = arith.index_cast %parallel_loop3A_450 : i32 to index
        %parallel_loop3A_454 = arith.constant 64 : index
        %parallel_loop3A_455 = tpu.vector_load %arg6[%parallel_loop3A_452, %parallel_loop3A_453, %parallel_loop3A_454] {strides = array<i32>} : memref<4x128x128xf32, #tpu.memory_space<vmem>>, vector<16xf32>,
        %parallel_loop3A_456 = arith.constant 3 : i32
        %parallel_loop3A_457 = arith.addi %parallel_loop3A_299, %parallel_loop3A_456 : i32
        %parallel_loop3A_458 = arith.constant 0 : i32
        %parallel_loop3A_459 = arith.index_cast %parallel_loop3A_458 : i32 to index
        %parallel_loop3A_460 = arith.index_cast %parallel_loop3A_457 : i32 to index
        %parallel_loop3A_461 = arith.constant 64 : index
        %parallel_loop3A_462 = tpu.vector_load %arg6[%parallel_loop3A_459, %parallel_loop3A_460, %parallel_loop3A_461] {strides = array<i32>} : memref<4x128x128xf32, #tpu.memory_space<vmem>>, vector<16xf32>,
        %parallel_loop3A_463 = arith.maximumf %parallel_loop3A_455, %parallel_loop3A_462 : vector<16xf32>
        %parallel_loop3A_464 = arith.maximumf %parallel_loop3A_448, %parallel_loop3A_463 : vector<16xf32>
        %parallel_loop3A_465 = arith.constant 0 : i32
        %parallel_loop3A_466 = arith.index_cast %parallel_loop3A_465 : i32 to index
        %parallel_loop3A_467 = arith.index_cast %parallel_loop3A_297 : i32 to index
        %parallel_loop3A_468 = arith.constant 64 : index
        %parallel_loop3A_469 = tpu.vector_load %arg7[%parallel_loop3A_466, %parallel_loop3A_467, %parallel_loop3A_468] {strides = array<i32>} : memref<4x32x128xf32, #tpu.memory_space<vmem>>, vector<16xf32>,
        tpu.vector_store %arg7[%parallel_loop3A_466, %parallel_loop3A_467, %parallel_loop3A_468], %parallel_loop3A_464 {strides = array<i32>} : memref<4x32x128xf32, #tpu.memory_space<vmem>>, vector<16xf32>,
        %parallel_loop3A_470 = arith.constant 0 : i32
        %parallel_loop3A_471 = arith.index_cast %parallel_loop3A_470 : i32 to index
        %parallel_loop3A_472 = arith.index_cast %parallel_loop3A_299 : i32 to index
        %parallel_loop3A_473 = arith.constant 80 : index
        %parallel_loop3A_474 = tpu.vector_load %arg6[%parallel_loop3A_471, %parallel_loop3A_472, %parallel_loop3A_473] {strides = array<i32>} : memref<4x128x128xf32, #tpu.memory_space<vmem>>, vector<16xf32>,
        %parallel_loop3A_475 = arith.constant 1 : i32
        %parallel_loop3A_476 = arith.addi %parallel_loop3A_299, %parallel_loop3A_475 : i32
        %parallel_loop3A_477 = arith.constant 0 : i32
        %parallel_loop3A_478 = arith.index_cast %parallel_loop3A_477 : i32 to index
        %parallel_loop3A_479 = arith.index_cast %parallel_loop3A_476 : i32 to index
        %parallel_loop3A_480 = arith.constant 80 : index
        %parallel_loop3A_481 = tpu.vector_load %arg6[%parallel_loop3A_478, %parallel_loop3A_479, %parallel_loop3A_480] {strides = array<i32>} : memref<4x128x128xf32, #tpu.memory_space<vmem>>, vector<16xf32>,
        %parallel_loop3A_482 = arith.maximumf %parallel_loop3A_474, %parallel_loop3A_481 : vector<16xf32>
        %parallel_loop3A_483 = arith.constant 2 : i32
        %parallel_loop3A_484 = arith.addi %parallel_loop3A_299, %parallel_loop3A_483 : i32
        %parallel_loop3A_485 = arith.constant 0 : i32
        %parallel_loop3A_486 = arith.index_cast %parallel_loop3A_485 : i32 to index
        %parallel_loop3A_487 = arith.index_cast %parallel_loop3A_484 : i32 to index
        %parallel_loop3A_488 = arith.constant 80 : index
        %parallel_loop3A_489 = tpu.vector_load %arg6[%parallel_loop3A_486, %parallel_loop3A_487, %parallel_loop3A_488] {strides = array<i32>} : memref<4x128x128xf32, #tpu.memory_space<vmem>>, vector<16xf32>,
        %parallel_loop3A_490 = arith.constant 3 : i32
        %parallel_loop3A_491 = arith.addi %parallel_loop3A_299, %parallel_loop3A_490 : i32
        %parallel_loop3A_492 = arith.constant 0 : i32
        %parallel_loop3A_493 = arith.index_cast %parallel_loop3A_492 : i32 to index
        %parallel_loop3A_494 = arith.index_cast %parallel_loop3A_491 : i32 to index
        %parallel_loop3A_495 = arith.constant 80 : index
        %parallel_loop3A_496 = tpu.vector_load %arg6[%parallel_loop3A_493, %parallel_loop3A_494, %parallel_loop3A_495] {strides = array<i32>} : memref<4x128x128xf32, #tpu.memory_space<vmem>>, vector<16xf32>,
        %parallel_loop3A_497 = arith.maximumf %parallel_loop3A_489, %parallel_loop3A_496 : vector<16xf32>
        %parallel_loop3A_498 = arith.maximumf %parallel_loop3A_482, %parallel_loop3A_497 : vector<16xf32>
        %parallel_loop3A_499 = arith.constant 0 : i32
        %parallel_loop3A_500 = arith.index_cast %parallel_loop3A_499 : i32 to index
        %parallel_loop3A_501 = arith.index_cast %parallel_loop3A_297 : i32 to index
        %parallel_loop3A_502 = arith.constant 80 : index
        %parallel_loop3A_503 = tpu.vector_load %arg7[%parallel_loop3A_500, %parallel_loop3A_501, %parallel_loop3A_502] {strides = array<i32>} : memref<4x32x128xf32, #tpu.memory_space<vmem>>, vector<16xf32>,
        tpu.vector_store %arg7[%parallel_loop3A_500, %parallel_loop3A_501, %parallel_loop3A_502], %parallel_loop3A_498 {strides = array<i32>} : memref<4x32x128xf32, #tpu.memory_space<vmem>>, vector<16xf32>,
        %parallel_loop3A_504 = arith.constant 0 : i32
        %parallel_loop3A_505 = arith.index_cast %parallel_loop3A_504 : i32 to index
        %parallel_loop3A_506 = arith.index_cast %parallel_loop3A_299 : i32 to index
        %parallel_loop3A_507 = arith.constant 96 : index
        %parallel_loop3A_508 = tpu.vector_load %arg6[%parallel_loop3A_505, %parallel_loop3A_506, %parallel_loop3A_507] {strides = array<i32>} : memref<4x128x128xf32, #tpu.memory_space<vmem>>, vector<16xf32>,
        %parallel_loop3A_509 = arith.constant 1 : i32
        %parallel_loop3A_510 = arith.addi %parallel_loop3A_299, %parallel_loop3A_509 : i32
        %parallel_loop3A_511 = arith.constant 0 : i32
        %parallel_loop3A_512 = arith.index_cast %parallel_loop3A_511 : i32 to index
        %parallel_loop3A_513 = arith.index_cast %parallel_loop3A_510 : i32 to index
        %parallel_loop3A_514 = arith.constant 96 : index
        %parallel_loop3A_515 = tpu.vector_load %arg6[%parallel_loop3A_512, %parallel_loop3A_513, %parallel_loop3A_514] {strides = array<i32>} : memref<4x128x128xf32, #tpu.memory_space<vmem>>, vector<16xf32>,
        %parallel_loop3A_516 = arith.maximumf %parallel_loop3A_508, %parallel_loop3A_515 : vector<16xf32>
        %parallel_loop3A_517 = arith.constant 2 : i32
        %parallel_loop3A_518 = arith.addi %parallel_loop3A_299, %parallel_loop3A_517 : i32
        %parallel_loop3A_519 = arith.constant 0 : i32
        %parallel_loop3A_520 = arith.index_cast %parallel_loop3A_519 : i32 to index
        %parallel_loop3A_521 = arith.index_cast %parallel_loop3A_518 : i32 to index
        %parallel_loop3A_522 = arith.constant 96 : index
        %parallel_loop3A_523 = tpu.vector_load %arg6[%parallel_loop3A_520, %parallel_loop3A_521, %parallel_loop3A_522] {strides = array<i32>} : memref<4x128x128xf32, #tpu.memory_space<vmem>>, vector<16xf32>,
        %parallel_loop3A_524 = arith.constant 3 : i32
        %parallel_loop3A_525 = arith.addi %parallel_loop3A_299, %parallel_loop3A_524 : i32
        %parallel_loop3A_526 = arith.constant 0 : i32
        %parallel_loop3A_527 = arith.index_cast %parallel_loop3A_526 : i32 to index
        %parallel_loop3A_528 = arith.index_cast %parallel_loop3A_525 : i32 to index
        %parallel_loop3A_529 = arith.constant 96 : index
        %parallel_loop3A_530 = tpu.vector_load %arg6[%parallel_loop3A_527, %parallel_loop3A_528, %parallel_loop3A_529] {strides = array<i32>} : memref<4x128x128xf32, #tpu.memory_space<vmem>>, vector<16xf32>,
        %parallel_loop3A_531 = arith.maximumf %parallel_loop3A_523, %parallel_loop3A_530 : vector<16xf32>
        %parallel_loop3A_532 = arith.maximumf %parallel_loop3A_516, %parallel_loop3A_531 : vector<16xf32>
        %parallel_loop3A_533 = arith.constant 0 : i32
        %parallel_loop3A_534 = arith.index_cast %parallel_loop3A_533 : i32 to index
        %parallel_loop3A_535 = arith.index_cast %parallel_loop3A_297 : i32 to index
        %parallel_loop3A_536 = arith.constant 96 : index
        %parallel_loop3A_537 = tpu.vector_load %arg7[%parallel_loop3A_534, %parallel_loop3A_535, %parallel_loop3A_536] {strides = array<i32>} : memref<4x32x128xf32, #tpu.memory_space<vmem>>, vector<16xf32>,
        tpu.vector_store %arg7[%parallel_loop3A_534, %parallel_loop3A_535, %parallel_loop3A_536], %parallel_loop3A_532 {strides = array<i32>} : memref<4x32x128xf32, #tpu.memory_space<vmem>>, vector<16xf32>,
        %parallel_loop3A_538 = arith.constant 0 : i32
        %parallel_loop3A_539 = arith.index_cast %parallel_loop3A_538 : i32 to index
        %parallel_loop3A_540 = arith.index_cast %parallel_loop3A_299 : i32 to index
        %parallel_loop3A_541 = arith.constant 112 : index
        %parallel_loop3A_542 = tpu.vector_load %arg6[%parallel_loop3A_539, %parallel_loop3A_540, %parallel_loop3A_541] {strides = array<i32>} : memref<4x128x128xf32, #tpu.memory_space<vmem>>, vector<16xf32>,
        %parallel_loop3A_543 = arith.constant 1 : i32
        %parallel_loop3A_544 = arith.addi %parallel_loop3A_299, %parallel_loop3A_543 : i32
        %parallel_loop3A_545 = arith.constant 0 : i32
        %parallel_loop3A_546 = arith.index_cast %parallel_loop3A_545 : i32 to index
        %parallel_loop3A_547 = arith.index_cast %parallel_loop3A_544 : i32 to index
        %parallel_loop3A_548 = arith.constant 112 : index
        %parallel_loop3A_549 = tpu.vector_load %arg6[%parallel_loop3A_546, %parallel_loop3A_547, %parallel_loop3A_548] {strides = array<i32>} : memref<4x128x128xf32, #tpu.memory_space<vmem>>, vector<16xf32>,
        %parallel_loop3A_550 = arith.maximumf %parallel_loop3A_542, %parallel_loop3A_549 : vector<16xf32>
        %parallel_loop3A_551 = arith.constant 2 : i32
        %parallel_loop3A_552 = arith.addi %parallel_loop3A_299, %parallel_loop3A_551 : i32
        %parallel_loop3A_553 = arith.constant 0 : i32
        %parallel_loop3A_554 = arith.index_cast %parallel_loop3A_553 : i32 to index
        %parallel_loop3A_555 = arith.index_cast %parallel_loop3A_552 : i32 to index
        %parallel_loop3A_556 = arith.constant 112 : index
        %parallel_loop3A_557 = tpu.vector_load %arg6[%parallel_loop3A_554, %parallel_loop3A_555, %parallel_loop3A_556] {strides = array<i32>} : memref<4x128x128xf32, #tpu.memory_space<vmem>>, vector<16xf32>,
        %parallel_loop3A_558 = arith.constant 3 : i32
        %parallel_loop3A_559 = arith.addi %parallel_loop3A_299, %parallel_loop3A_558 : i32
        %parallel_loop3A_560 = arith.constant 0 : i32
        %parallel_loop3A_561 = arith.index_cast %parallel_loop3A_560 : i32 to index
        %parallel_loop3A_562 = arith.index_cast %parallel_loop3A_559 : i32 to index
        %parallel_loop3A_563 = arith.constant 112 : index
        %parallel_loop3A_564 = tpu.vector_load %arg6[%parallel_loop3A_561, %parallel_loop3A_562, %parallel_loop3A_563] {strides = array<i32>} : memref<4x128x128xf32, #tpu.memory_space<vmem>>, vector<16xf32>,
        %parallel_loop3A_565 = arith.maximumf %parallel_loop3A_557, %parallel_loop3A_564 : vector<16xf32>
        %parallel_loop3A_566 = arith.maximumf %parallel_loop3A_550, %parallel_loop3A_565 : vector<16xf32>
        %parallel_loop3A_567 = arith.constant 0 : i32
        %parallel_loop3A_568 = arith.index_cast %parallel_loop3A_567 : i32 to index
        %parallel_loop3A_569 = arith.index_cast %parallel_loop3A_297 : i32 to index
        %parallel_loop3A_570 = arith.constant 112 : index
        %parallel_loop3A_571 = tpu.vector_load %arg7[%parallel_loop3A_568, %parallel_loop3A_569, %parallel_loop3A_570] {strides = array<i32>} : memref<4x32x128xf32, #tpu.memory_space<vmem>>, vector<16xf32>,
        tpu.vector_store %arg7[%parallel_loop3A_568, %parallel_loop3A_569, %parallel_loop3A_570], %parallel_loop3A_566 {strides = array<i32>} : memref<4x32x128xf32, #tpu.memory_space<vmem>>, vector<16xf32>,
      } {sc.loop_unroll_factor = 4 : i64, sc.parallel_access}
      %mul3A_131 = arith.constant 32 : i32
      %mul3A_132 = arith.muli %add3A_103, %mul3A_131 : i32
      %add3A_133 = arith.addi %mul3A_4, %mul3A_132 : i32
      %dma_start3A_134 = arith.constant 0 : i32
      %dma_start3A_135 = arith.constant 0 : i32
      %dma_start3A_136 = arith.constant 0 : i32
      %dma_start3A_137 = tpu.memref_slice %arg7[%dma_start3A_134, %dma_start3A_135, %dma_start3A_136] : memref<4x32x128xf32, #tpu.memory_space<vmem>> -> memref<1x32x128xf32, #tpu.memory_space<vmem>>
      %dma_start3A_138 = tpu.memref_squeeze %dma_start3A_137 : memref<1x32x128xf32, #tpu.memory_space<vmem>> -> memref<32x128xf32, #tpu.memory_space<vmem>>
      %dma_start3A_139 = arith.constant 0 : i32
      %dma_start3A_140 = tpu.memref_slice %arg4[%add3A_133, %dma_start3A_139] : memref<65536x128xf32, #tpu.memory_space<hbm>> -> memref<32x128xf32, #tpu.memory_space<hbm>>
      %dma_start3A_141 = arith.constant 0 : i32
      %dma_start3A_142 = tpu.memref_slice %arg4[%add3A_133, %dma_start3A_141] : memref<65536x128xf32, #tpu.memory_space<hbm>> -> memref<32x128xf32, #tpu.memory_space<hbm>>
      %dma_start3A_143 = arith.constant 0 : i32
      %dma_start3A_144 = arith.constant 0 : i32
      %dma_start3A_145 = tpu.memref_slice %arg7[%dma_start3A_134, %dma_start3A_143, %dma_start3A_144] : memref<4x32x128xf32, #tpu.memory_space<vmem>> -> memref<1x32x128xf32, #tpu.memory_space<vmem>>
      %dma_start3A_146 = tpu.memref_squeeze %dma_start3A_145 : memref<1x32x128xf32, #tpu.memory_space<vmem>> -> memref<32x128xf32, #tpu.memory_space<vmem>>
      tpu.enqueue_dma source(%dma_start3A_146 : memref<32x128xf32, #tpu.memory_space<vmem>>) target(%dma_start3A_142 : memref<32x128xf32, #tpu.memory_space<hbm>>) target_semaphore(%arg12 : memref<!tpu.dma_semaphore, #tpu.memory_space<semaphore_mem>>)
      %add3A_147 = arith.constant 1 : i32
      %add3A_148 = arith.addi %add3A_101, %add3A_147 : i32
      %add3A_149 = arith.constant 4 : i32
      %add3A_150 = arith.addi %add3A_148, %add3A_149 : i32
      %sub3A_151 = arith.constant 1 : i32
      %sub3A_152 = arith.subi %add3A_150, %sub3A_151 : i32
      %lt3A_153 = arith.constant 64 : i32
      %lt3A_154 = arith.cmpi slt, %sub3A_152, %lt3A_153 : i32
      %convert_element_type3A_155 = arith.extui %lt3A_154 : i1 to i32
      %cond3A_156 = arith.constant 0 : i32
      %cond3A_157 = arith.cmpi ne, %convert_element_type3A_155, %cond3A_156 : i32
      scf.if %cond3A_157 {
        %dma_start3A_297 = arith.constant 0 : i32
        %dma_start3A_298 = arith.constant 0 : i32
        %dma_start3A_299 = arith.constant 0 : i32
        %dma_start3A_300 = tpu.memref_slice %arg6[%dma_start3A_297, %dma_start3A_298, %dma_start3A_299] : memref<4x128x128xf32, #tpu.memory_space<vmem>> -> memref<1x128x128xf32, #tpu.memory_space<vmem>>
        %dma_start3A_301 = tpu.memref_squeeze %dma_start3A_300 : memref<1x128x128xf32, #tpu.memory_space<vmem>> -> memref<128x128xf32, #tpu.memory_space<vmem>>
        %dma_start3A_302 = arith.constant 0 : i32
        %dma_start3A_303 = tpu.memref_slice %arg5[%sub3A_152, %dma_start3A_302] : memref<64x128xi32, #tpu.memory_space<vmem>> -> memref<1x128xi32, #tpu.memory_space<vmem>>
        %dma_start3A_304 = tpu.memref_squeeze %dma_start3A_303 : memref<1x128xi32, #tpu.memory_space<vmem>> -> memref<128xi32, #tpu.memory_space<vmem>>
        %dma_start3A_305 = arith.constant 0 : i32
        %dma_start3A_306 = arith.constant 0 : i32
        %dma_start3A_307 = tpu.memref_slice %arg2[%dma_start3A_305, %dma_start3A_306] : memref<262144x128xf32, #tpu.memory_space<hbm>> -> memref<262144x128xf32, #tpu.memory_space<hbm>>
        tpu.enqueue_indirect_dma source(%dma_start3A_307 : memref<262144x128xf32, #tpu.memory_space<hbm>>) target(%dma_start3A_301 : memref<128x128xf32, #tpu.memory_space<vmem>>) offsets(%dma_start3A_304 : memref<128xi32, #tpu.memory_space<vmem>>) semaphore(%arg8 : memref<!tpu.dma_semaphore, #tpu.memory_space<semaphore_mem>>)
      } else {
      }
      %dma_wait3A_158 = arith.constant 1 : i32
      %dma_wait3A_159 = arith.constant 0 : i32
      %dma_wait3A_160 = arith.constant 0 : i32
      %dma_wait3A_161 = tpu.memref_slice %arg6[%dma_wait3A_158, %dma_wait3A_159, %dma_wait3A_160] : memref<4x128x128xf32, #tpu.memory_space<vmem>> -> memref<1x128x128xf32, #tpu.memory_space<vmem>>
      %dma_wait3A_162 = tpu.memref_squeeze %dma_wait3A_161 : memref<1x128x128xf32, #tpu.memory_space<vmem>> -> memref<128x128xf32, #tpu.memory_space<vmem>>
      %dma_wait3A_163 = arith.constant 0 : i32
      %dma_wait3A_164 = arith.constant 0 : i32
      %dma_wait3A_165 = tpu.memref_slice %arg2[%dma_wait3A_163, %dma_wait3A_164] : memref<262144x128xf32, #tpu.memory_space<hbm>> -> memref<128x128xf32, #tpu.memory_space<hbm>>
      %dma_wait3A_166 = arith.constant 0 : i32
      %dma_wait3A_167 = arith.constant 0 : i32
      %dma_wait3A_168 = tpu.memref_slice %arg6[%dma_wait3A_158, %dma_wait3A_166, %dma_wait3A_167] : memref<4x128x128xf32, #tpu.memory_space<vmem>> -> memref<1x128x128xf32, #tpu.memory_space<vmem>>
      %dma_wait3A_169 = tpu.memref_squeeze %dma_wait3A_168 : memref<1x128x128xf32, #tpu.memory_space<vmem>> -> memref<128x128xf32, #tpu.memory_space<vmem>>
      %dma_wait3A_170 = arith.constant 0 : i32
      %dma_wait3A_171 = arith.constant 0 : i32
      %dma_wait3A_172 = tpu.memref_slice %arg2[%dma_wait3A_170, %dma_wait3A_171] : memref<262144x128xf32, #tpu.memory_space<hbm>> -> memref<128x128xf32, #tpu.memory_space<hbm>>
      tpu.wait_dma2 semaphore(%arg9 : memref<!tpu.dma_semaphore, #tpu.memory_space<semaphore_mem>>) src(%dma_wait3A_172 : memref<128x128xf32, #tpu.memory_space<hbm>>) dst(%dma_wait3A_169 : memref<128x128xf32, #tpu.memory_space<vmem>>)
      %ge3A_173 = arith.constant 4 : i32
      %ge3A_174 = arith.cmpi sge, %add3A_148, %ge3A_173 : i32
      %convert_element_type3A_175 = arith.extui %ge3A_174 : i1 to i32
      %cond3A_176 = arith.constant 0 : i32
      %cond3A_177 = arith.cmpi ne, %convert_element_type3A_175, %cond3A_176 : i32
      scf.if %cond3A_177 {
        %dma_wait3A_297 = arith.constant 1 : i32
        %dma_wait3A_298 = arith.constant 0 : i32
        %dma_wait3A_299 = arith.constant 0 : i32
        %dma_wait3A_300 = tpu.memref_slice %arg7[%dma_wait3A_297, %dma_wait3A_298, %dma_wait3A_299] : memref<4x32x128xf32, #tpu.memory_space<vmem>> -> memref<1x32x128xf32, #tpu.memory_space<vmem>>
        %dma_wait3A_301 = tpu.memref_squeeze %dma_wait3A_300 : memref<1x32x128xf32, #tpu.memory_space<vmem>> -> memref<32x128xf32, #tpu.memory_space<vmem>>
        %dma_wait3A_302 = arith.constant 0 : i32
        %dma_wait3A_303 = tpu.memref_slice %arg4[%mul3A_4, %dma_wait3A_302] : memref<65536x128xf32, #tpu.memory_space<hbm>> -> memref<32x128xf32, #tpu.memory_space<hbm>>
        %dma_wait3A_304 = arith.constant 0 : i32
        %dma_wait3A_305 = tpu.memref_slice %arg4[%mul3A_4, %dma_wait3A_304] : memref<65536x128xf32, #tpu.memory_space<hbm>> -> memref<32x128xf32, #tpu.memory_space<hbm>>
        %dma_wait3A_306 = arith.constant 0 : i32
        %dma_wait3A_307 = arith.constant 0 : i32
        %dma_wait3A_308 = tpu.memref_slice %arg7[%dma_wait3A_297, %dma_wait3A_306, %dma_wait3A_307] : memref<4x32x128xf32, #tpu.memory_space<vmem>> -> memref<1x32x128xf32, #tpu.memory_space<vmem>>
        %dma_wait3A_309 = tpu.memref_squeeze %dma_wait3A_308 : memref<1x32x128xf32, #tpu.memory_space<vmem>> -> memref<32x128xf32, #tpu.memory_space<vmem>>
        tpu.wait_dma2 semaphore(%arg13 : memref<!tpu.dma_semaphore, #tpu.memory_space<semaphore_mem>>) src(%dma_wait3A_309 : memref<32x128xf32, #tpu.memory_space<vmem>>) dst(%dma_wait3A_305 : memref<32x128xf32, #tpu.memory_space<hbm>>)
      } else {
      }
      %parallel_loop3A_178 = arith.constant 0 : i32
      %parallel_loop3A_179 = arith.constant 32 : i32
      %parallel_loop3A_180 = arith.constant 1 : i32
      scf.for %parallel_loop3A_297 = %parallel_loop3A_178 to %parallel_loop3A_179 step %parallel_loop3A_180  : i32 {
        %parallel_loop3A_298 = arith.constant 4 : i32
        %parallel_loop3A_299 = arith.muli %parallel_loop3A_297, %parallel_loop3A_298 : i32
        %parallel_loop3A_300 = arith.constant 1 : i32
        %parallel_loop3A_301 = arith.index_cast %parallel_loop3A_300 : i32 to index
        %parallel_loop3A_302 = arith.index_cast %parallel_loop3A_299 : i32 to index
        %parallel_loop3A_303 = arith.constant 0 : index
        %parallel_loop3A_304 = tpu.vector_load %arg6[%parallel_loop3A_301, %parallel_loop3A_302, %parallel_loop3A_303] {strides = array<i32>} : memref<4x128x128xf32, #tpu.memory_space<vmem>>, vector<16xf32>,
        %parallel_loop3A_305 = arith.constant 1 : i32
        %parallel_loop3A_306 = arith.addi %parallel_loop3A_299, %parallel_loop3A_305 : i32
        %parallel_loop3A_307 = arith.constant 1 : i32
        %parallel_loop3A_308 = arith.index_cast %parallel_loop3A_307 : i32 to index
        %parallel_loop3A_309 = arith.index_cast %parallel_loop3A_306 : i32 to index
        %parallel_loop3A_310 = arith.constant 0 : index
        %parallel_loop3A_311 = tpu.vector_load %arg6[%parallel_loop3A_308, %parallel_loop3A_309, %parallel_loop3A_310] {strides = array<i32>} : memref<4x128x128xf32, #tpu.memory_space<vmem>>, vector<16xf32>,
        %parallel_loop3A_312 = arith.maximumf %parallel_loop3A_304, %parallel_loop3A_311 : vector<16xf32>
        %parallel_loop3A_313 = arith.constant 2 : i32
        %parallel_loop3A_314 = arith.addi %parallel_loop3A_299, %parallel_loop3A_313 : i32
        %parallel_loop3A_315 = arith.constant 1 : i32
        %parallel_loop3A_316 = arith.index_cast %parallel_loop3A_315 : i32 to index
        %parallel_loop3A_317 = arith.index_cast %parallel_loop3A_314 : i32 to index
        %parallel_loop3A_318 = arith.constant 0 : index
        %parallel_loop3A_319 = tpu.vector_load %arg6[%parallel_loop3A_316, %parallel_loop3A_317, %parallel_loop3A_318] {strides = array<i32>} : memref<4x128x128xf32, #tpu.memory_space<vmem>>, vector<16xf32>,
        %parallel_loop3A_320 = arith.constant 3 : i32
        %parallel_loop3A_321 = arith.addi %parallel_loop3A_299, %parallel_loop3A_320 : i32
        %parallel_loop3A_322 = arith.constant 1 : i32
        %parallel_loop3A_323 = arith.index_cast %parallel_loop3A_322 : i32 to index
        %parallel_loop3A_324 = arith.index_cast %parallel_loop3A_321 : i32 to index
        %parallel_loop3A_325 = arith.constant 0 : index
        %parallel_loop3A_326 = tpu.vector_load %arg6[%parallel_loop3A_323, %parallel_loop3A_324, %parallel_loop3A_325] {strides = array<i32>} : memref<4x128x128xf32, #tpu.memory_space<vmem>>, vector<16xf32>,
        %parallel_loop3A_327 = arith.maximumf %parallel_loop3A_319, %parallel_loop3A_326 : vector<16xf32>
        %parallel_loop3A_328 = arith.maximumf %parallel_loop3A_312, %parallel_loop3A_327 : vector<16xf32>
        %parallel_loop3A_329 = arith.constant 1 : i32
        %parallel_loop3A_330 = arith.index_cast %parallel_loop3A_329 : i32 to index
        %parallel_loop3A_331 = arith.index_cast %parallel_loop3A_297 : i32 to index
        %parallel_loop3A_332 = arith.constant 0 : index
        %parallel_loop3A_333 = tpu.vector_load %arg7[%parallel_loop3A_330, %parallel_loop3A_331, %parallel_loop3A_332] {strides = array<i32>} : memref<4x32x128xf32, #tpu.memory_space<vmem>>, vector<16xf32>,
        tpu.vector_store %arg7[%parallel_loop3A_330, %parallel_loop3A_331, %parallel_loop3A_332], %parallel_loop3A_328 {strides = array<i32>} : memref<4x32x128xf32, #tpu.memory_space<vmem>>, vector<16xf32>,
        %parallel_loop3A_334 = arith.constant 1 : i32
        %parallel_loop3A_335 = arith.index_cast %parallel_loop3A_334 : i32 to index
        %parallel_loop3A_336 = arith.index_cast %parallel_loop3A_299 : i32 to index
        %parallel_loop3A_337 = arith.constant 16 : index
        %parallel_loop3A_338 = tpu.vector_load %arg6[%parallel_loop3A_335, %parallel_loop3A_336, %parallel_loop3A_337] {strides = array<i32>} : memref<4x128x128xf32, #tpu.memory_space<vmem>>, vector<16xf32>,
        %parallel_loop3A_339 = arith.constant 1 : i32
        %parallel_loop3A_340 = arith.addi %parallel_loop3A_299, %parallel_loop3A_339 : i32
        %parallel_loop3A_341 = arith.constant 1 : i32
        %parallel_loop3A_342 = arith.index_cast %parallel_loop3A_341 : i32 to index
        %parallel_loop3A_343 = arith.index_cast %parallel_loop3A_340 : i32 to index
        %parallel_loop3A_344 = arith.constant 16 : index
        %parallel_loop3A_345 = tpu.vector_load %arg6[%parallel_loop3A_342, %parallel_loop3A_343, %parallel_loop3A_344] {strides = array<i32>} : memref<4x128x128xf32, #tpu.memory_space<vmem>>, vector<16xf32>,
        %parallel_loop3A_346 = arith.maximumf %parallel_loop3A_338, %parallel_loop3A_345 : vector<16xf32>
        %parallel_loop3A_347 = arith.constant 2 : i32
        %parallel_loop3A_348 = arith.addi %parallel_loop3A_299, %parallel_loop3A_347 : i32
        %parallel_loop3A_349 = arith.constant 1 : i32
        %parallel_loop3A_350 = arith.index_cast %parallel_loop3A_349 : i32 to index
        %parallel_loop3A_351 = arith.index_cast %parallel_loop3A_348 : i32 to index
        %parallel_loop3A_352 = arith.constant 16 : index
        %parallel_loop3A_353 = tpu.vector_load %arg6[%parallel_loop3A_350, %parallel_loop3A_351, %parallel_loop3A_352] {strides = array<i32>} : memref<4x128x128xf32, #tpu.memory_space<vmem>>, vector<16xf32>,
        %parallel_loop3A_354 = arith.constant 3 : i32
        %parallel_loop3A_355 = arith.addi %parallel_loop3A_299, %parallel_loop3A_354 : i32
        %parallel_loop3A_356 = arith.constant 1 : i32
        %parallel_loop3A_357 = arith.index_cast %parallel_loop3A_356 : i32 to index
        %parallel_loop3A_358 = arith.index_cast %parallel_loop3A_355 : i32 to index
        %parallel_loop3A_359 = arith.constant 16 : index
        %parallel_loop3A_360 = tpu.vector_load %arg6[%parallel_loop3A_357, %parallel_loop3A_358, %parallel_loop3A_359] {strides = array<i32>} : memref<4x128x128xf32, #tpu.memory_space<vmem>>, vector<16xf32>,
        %parallel_loop3A_361 = arith.maximumf %parallel_loop3A_353, %parallel_loop3A_360 : vector<16xf32>
        %parallel_loop3A_362 = arith.maximumf %parallel_loop3A_346, %parallel_loop3A_361 : vector<16xf32>
        %parallel_loop3A_363 = arith.constant 1 : i32
        %parallel_loop3A_364 = arith.index_cast %parallel_loop3A_363 : i32 to index
        %parallel_loop3A_365 = arith.index_cast %parallel_loop3A_297 : i32 to index
        %parallel_loop3A_366 = arith.constant 16 : index
        %parallel_loop3A_367 = tpu.vector_load %arg7[%parallel_loop3A_364, %parallel_loop3A_365, %parallel_loop3A_366] {strides = array<i32>} : memref<4x32x128xf32, #tpu.memory_space<vmem>>, vector<16xf32>,
        tpu.vector_store %arg7[%parallel_loop3A_364, %parallel_loop3A_365, %parallel_loop3A_366], %parallel_loop3A_362 {strides = array<i32>} : memref<4x32x128xf32, #tpu.memory_space<vmem>>, vector<16xf32>,
        %parallel_loop3A_368 = arith.constant 1 : i32
        %parallel_loop3A_369 = arith.index_cast %parallel_loop3A_368 : i32 to index
        %parallel_loop3A_370 = arith.index_cast %parallel_loop3A_299 : i32 to index
        %parallel_loop3A_371 = arith.constant 32 : index
        %parallel_loop3A_372 = tpu.vector_load %arg6[%parallel_loop3A_369, %parallel_loop3A_370, %parallel_loop3A_371] {strides = array<i32>} : memref<4x128x128xf32, #tpu.memory_space<vmem>>, vector<16xf32>,
        %parallel_loop3A_373 = arith.constant 1 : i32
        %parallel_loop3A_374 = arith.addi %parallel_loop3A_299, %parallel_loop3A_373 : i32
        %parallel_loop3A_375 = arith.constant 1 : i32
        %parallel_loop3A_376 = arith.index_cast %parallel_loop3A_375 : i32 to index
        %parallel_loop3A_377 = arith.index_cast %parallel_loop3A_374 : i32 to index
        %parallel_loop3A_378 = arith.constant 32 : index
        %parallel_loop3A_379 = tpu.vector_load %arg6[%parallel_loop3A_376, %parallel_loop3A_377, %parallel_loop3A_378] {strides = array<i32>} : memref<4x128x128xf32, #tpu.memory_space<vmem>>, vector<16xf32>,
        %parallel_loop3A_380 = arith.maximumf %parallel_loop3A_372, %parallel_loop3A_379 : vector<16xf32>
        %parallel_loop3A_381 = arith.constant 2 : i32
        %parallel_loop3A_382 = arith.addi %parallel_loop3A_299, %parallel_loop3A_381 : i32
        %parallel_loop3A_383 = arith.constant 1 : i32
        %parallel_loop3A_384 = arith.index_cast %parallel_loop3A_383 : i32 to index
        %parallel_loop3A_385 = arith.index_cast %parallel_loop3A_382 : i32 to index
        %parallel_loop3A_386 = arith.constant 32 : index
        %parallel_loop3A_387 = tpu.vector_load %arg6[%parallel_loop3A_384, %parallel_loop3A_385, %parallel_loop3A_386] {strides = array<i32>} : memref<4x128x128xf32, #tpu.memory_space<vmem>>, vector<16xf32>,
        %parallel_loop3A_388 = arith.constant 3 : i32
        %parallel_loop3A_389 = arith.addi %parallel_loop3A_299, %parallel_loop3A_388 : i32
        %parallel_loop3A_390 = arith.constant 1 : i32
        %parallel_loop3A_391 = arith.index_cast %parallel_loop3A_390 : i32 to index
        %parallel_loop3A_392 = arith.index_cast %parallel_loop3A_389 : i32 to index
        %parallel_loop3A_393 = arith.constant 32 : index
        %parallel_loop3A_394 = tpu.vector_load %arg6[%parallel_loop3A_391, %parallel_loop3A_392, %parallel_loop3A_393] {strides = array<i32>} : memref<4x128x128xf32, #tpu.memory_space<vmem>>, vector<16xf32>,
        %parallel_loop3A_395 = arith.maximumf %parallel_loop3A_387, %parallel_loop3A_394 : vector<16xf32>
        %parallel_loop3A_396 = arith.maximumf %parallel_loop3A_380, %parallel_loop3A_395 : vector<16xf32>
        %parallel_loop3A_397 = arith.constant 1 : i32
        %parallel_loop3A_398 = arith.index_cast %parallel_loop3A_397 : i32 to index
        %parallel_loop3A_399 = arith.index_cast %parallel_loop3A_297 : i32 to index
        %parallel_loop3A_400 = arith.constant 32 : index
        %parallel_loop3A_401 = tpu.vector_load %arg7[%parallel_loop3A_398, %parallel_loop3A_399, %parallel_loop3A_400] {strides = array<i32>} : memref<4x32x128xf32, #tpu.memory_space<vmem>>, vector<16xf32>,
        tpu.vector_store %arg7[%parallel_loop3A_398, %parallel_loop3A_399, %parallel_loop3A_400], %parallel_loop3A_396 {strides = array<i32>} : memref<4x32x128xf32, #tpu.memory_space<vmem>>, vector<16xf32>,
        %parallel_loop3A_402 = arith.constant 1 : i32
        %parallel_loop3A_403 = arith.index_cast %parallel_loop3A_402 : i32 to index
        %parallel_loop3A_404 = arith.index_cast %parallel_loop3A_299 : i32 to index
        %parallel_loop3A_405 = arith.constant 48 : index
        %parallel_loop3A_406 = tpu.vector_load %arg6[%parallel_loop3A_403, %parallel_loop3A_404, %parallel_loop3A_405] {strides = array<i32>} : memref<4x128x128xf32, #tpu.memory_space<vmem>>, vector<16xf32>,
        %parallel_loop3A_407 = arith.constant 1 : i32
        %parallel_loop3A_408 = arith.addi %parallel_loop3A_299, %parallel_loop3A_407 : i32
        %parallel_loop3A_409 = arith.constant 1 : i32
        %parallel_loop3A_410 = arith.index_cast %parallel_loop3A_409 : i32 to index
        %parallel_loop3A_411 = arith.index_cast %parallel_loop3A_408 : i32 to index
        %parallel_loop3A_412 = arith.constant 48 : index
        %parallel_loop3A_413 = tpu.vector_load %arg6[%parallel_loop3A_410, %parallel_loop3A_411, %parallel_loop3A_412] {strides = array<i32>} : memref<4x128x128xf32, #tpu.memory_space<vmem>>, vector<16xf32>,
        %parallel_loop3A_414 = arith.maximumf %parallel_loop3A_406, %parallel_loop3A_413 : vector<16xf32>
        %parallel_loop3A_415 = arith.constant 2 : i32
        %parallel_loop3A_416 = arith.addi %parallel_loop3A_299, %parallel_loop3A_415 : i32
        %parallel_loop3A_417 = arith.constant 1 : i32
        %parallel_loop3A_418 = arith.index_cast %parallel_loop3A_417 : i32 to index
        %parallel_loop3A_419 = arith.index_cast %parallel_loop3A_416 : i32 to index
        %parallel_loop3A_420 = arith.constant 48 : index
        %parallel_loop3A_421 = tpu.vector_load %arg6[%parallel_loop3A_418, %parallel_loop3A_419, %parallel_loop3A_420] {strides = array<i32>} : memref<4x128x128xf32, #tpu.memory_space<vmem>>, vector<16xf32>,
        %parallel_loop3A_422 = arith.constant 3 : i32
        %parallel_loop3A_423 = arith.addi %parallel_loop3A_299, %parallel_loop3A_422 : i32
        %parallel_loop3A_424 = arith.constant 1 : i32
        %parallel_loop3A_425 = arith.index_cast %parallel_loop3A_424 : i32 to index
        %parallel_loop3A_426 = arith.index_cast %parallel_loop3A_423 : i32 to index
        %parallel_loop3A_427 = arith.constant 48 : index
        %parallel_loop3A_428 = tpu.vector_load %arg6[%parallel_loop3A_425, %parallel_loop3A_426, %parallel_loop3A_427] {strides = array<i32>} : memref<4x128x128xf32, #tpu.memory_space<vmem>>, vector<16xf32>,
        %parallel_loop3A_429 = arith.maximumf %parallel_loop3A_421, %parallel_loop3A_428 : vector<16xf32>
        %parallel_loop3A_430 = arith.maximumf %parallel_loop3A_414, %parallel_loop3A_429 : vector<16xf32>
        %parallel_loop3A_431 = arith.constant 1 : i32
        %parallel_loop3A_432 = arith.index_cast %parallel_loop3A_431 : i32 to index
        %parallel_loop3A_433 = arith.index_cast %parallel_loop3A_297 : i32 to index
        %parallel_loop3A_434 = arith.constant 48 : index
        %parallel_loop3A_435 = tpu.vector_load %arg7[%parallel_loop3A_432, %parallel_loop3A_433, %parallel_loop3A_434] {strides = array<i32>} : memref<4x32x128xf32, #tpu.memory_space<vmem>>, vector<16xf32>,
        tpu.vector_store %arg7[%parallel_loop3A_432, %parallel_loop3A_433, %parallel_loop3A_434], %parallel_loop3A_430 {strides = array<i32>} : memref<4x32x128xf32, #tpu.memory_space<vmem>>, vector<16xf32>,
        %parallel_loop3A_436 = arith.constant 1 : i32
        %parallel_loop3A_437 = arith.index_cast %parallel_loop3A_436 : i32 to index
        %parallel_loop3A_438 = arith.index_cast %parallel_loop3A_299 : i32 to index
        %parallel_loop3A_439 = arith.constant 64 : index
        %parallel_loop3A_440 = tpu.vector_load %arg6[%parallel_loop3A_437, %parallel_loop3A_438, %parallel_loop3A_439] {strides = array<i32>} : memref<4x128x128xf32, #tpu.memory_space<vmem>>, vector<16xf32>,
        %parallel_loop3A_441 = arith.constant 1 : i32
        %parallel_loop3A_442 = arith.addi %parallel_loop3A_299, %parallel_loop3A_441 : i32
        %parallel_loop3A_443 = arith.constant 1 : i32
        %parallel_loop3A_444 = arith.index_cast %parallel_loop3A_443 : i32 to index
        %parallel_loop3A_445 = arith.index_cast %parallel_loop3A_442 : i32 to index
        %parallel_loop3A_446 = arith.constant 64 : index
        %parallel_loop3A_447 = tpu.vector_load %arg6[%parallel_loop3A_444, %parallel_loop3A_445, %parallel_loop3A_446] {strides = array<i32>} : memref<4x128x128xf32, #tpu.memory_space<vmem>>, vector<16xf32>,
        %parallel_loop3A_448 = arith.maximumf %parallel_loop3A_440, %parallel_loop3A_447 : vector<16xf32>
        %parallel_loop3A_449 = arith.constant 2 : i32
        %parallel_loop3A_450 = arith.addi %parallel_loop3A_299, %parallel_loop3A_449 : i32
        %parallel_loop3A_451 = arith.constant 1 : i32
        %parallel_loop3A_452 = arith.index_cast %parallel_loop3A_451 : i32 to index
        %parallel_loop3A_453 = arith.index_cast %parallel_loop3A_450 : i32 to index
        %parallel_loop3A_454 = arith.constant 64 : index
        %parallel_loop3A_455 = tpu.vector_load %arg6[%parallel_loop3A_452, %parallel_loop3A_453, %parallel_loop3A_454] {strides = array<i32>} : memref<4x128x128xf32, #tpu.memory_space<vmem>>, vector<16xf32>,
        %parallel_loop3A_456 = arith.constant 3 : i32
        %parallel_loop3A_457 = arith.addi %parallel_loop3A_299, %parallel_loop3A_456 : i32
        %parallel_loop3A_458 = arith.constant 1 : i32
        %parallel_loop3A_459 = arith.index_cast %parallel_loop3A_458 : i32 to index
        %parallel_loop3A_460 = arith.index_cast %parallel_loop3A_457 : i32 to index
        %parallel_loop3A_461 = arith.constant 64 : index
        %parallel_loop3A_462 = tpu.vector_load %arg6[%parallel_loop3A_459, %parallel_loop3A_460, %parallel_loop3A_461] {strides = array<i32>} : memref<4x128x128xf32, #tpu.memory_space<vmem>>, vector<16xf32>,
        %parallel_loop3A_463 = arith.maximumf %parallel_loop3A_455, %parallel_loop3A_462 : vector<16xf32>
        %parallel_loop3A_464 = arith.maximumf %parallel_loop3A_448, %parallel_loop3A_463 : vector<16xf32>
        %parallel_loop3A_465 = arith.constant 1 : i32
        %parallel_loop3A_466 = arith.index_cast %parallel_loop3A_465 : i32 to index
        %parallel_loop3A_467 = arith.index_cast %parallel_loop3A_297 : i32 to index
        %parallel_loop3A_468 = arith.constant 64 : index
        %parallel_loop3A_469 = tpu.vector_load %arg7[%parallel_loop3A_466, %parallel_loop3A_467, %parallel_loop3A_468] {strides = array<i32>} : memref<4x32x128xf32, #tpu.memory_space<vmem>>, vector<16xf32>,
        tpu.vector_store %arg7[%parallel_loop3A_466, %parallel_loop3A_467, %parallel_loop3A_468], %parallel_loop3A_464 {strides = array<i32>} : memref<4x32x128xf32, #tpu.memory_space<vmem>>, vector<16xf32>,
        %parallel_loop3A_470 = arith.constant 1 : i32
        %parallel_loop3A_471 = arith.index_cast %parallel_loop3A_470 : i32 to index
        %parallel_loop3A_472 = arith.index_cast %parallel_loop3A_299 : i32 to index
        %parallel_loop3A_473 = arith.constant 80 : index
        %parallel_loop3A_474 = tpu.vector_load %arg6[%parallel_loop3A_471, %parallel_loop3A_472, %parallel_loop3A_473] {strides = array<i32>} : memref<4x128x128xf32, #tpu.memory_space<vmem>>, vector<16xf32>,
        %parallel_loop3A_475 = arith.constant 1 : i32
        %parallel_loop3A_476 = arith.addi %parallel_loop3A_299, %parallel_loop3A_475 : i32
        %parallel_loop3A_477 = arith.constant 1 : i32
        %parallel_loop3A_478 = arith.index_cast %parallel_loop3A_477 : i32 to index
        %parallel_loop3A_479 = arith.index_cast %parallel_loop3A_476 : i32 to index
        %parallel_loop3A_480 = arith.constant 80 : index
        %parallel_loop3A_481 = tpu.vector_load %arg6[%parallel_loop3A_478, %parallel_loop3A_479, %parallel_loop3A_480] {strides = array<i32>} : memref<4x128x128xf32, #tpu.memory_space<vmem>>, vector<16xf32>,
        %parallel_loop3A_482 = arith.maximumf %parallel_loop3A_474, %parallel_loop3A_481 : vector<16xf32>
        %parallel_loop3A_483 = arith.constant 2 : i32
        %parallel_loop3A_484 = arith.addi %parallel_loop3A_299, %parallel_loop3A_483 : i32
        %parallel_loop3A_485 = arith.constant 1 : i32
        %parallel_loop3A_486 = arith.index_cast %parallel_loop3A_485 : i32 to index
        %parallel_loop3A_487 = arith.index_cast %parallel_loop3A_484 : i32 to index
        %parallel_loop3A_488 = arith.constant 80 : index
        %parallel_loop3A_489 = tpu.vector_load %arg6[%parallel_loop3A_486, %parallel_loop3A_487, %parallel_loop3A_488] {strides = array<i32>} : memref<4x128x128xf32, #tpu.memory_space<vmem>>, vector<16xf32>,
        %parallel_loop3A_490 = arith.constant 3 : i32
        %parallel_loop3A_491 = arith.addi %parallel_loop3A_299, %parallel_loop3A_490 : i32
        %parallel_loop3A_492 = arith.constant 1 : i32
        %parallel_loop3A_493 = arith.index_cast %parallel_loop3A_492 : i32 to index
        %parallel_loop3A_494 = arith.index_cast %parallel_loop3A_491 : i32 to index
        %parallel_loop3A_495 = arith.constant 80 : index
        %parallel_loop3A_496 = tpu.vector_load %arg6[%parallel_loop3A_493, %parallel_loop3A_494, %parallel_loop3A_495] {strides = array<i32>} : memref<4x128x128xf32, #tpu.memory_space<vmem>>, vector<16xf32>,
        %parallel_loop3A_497 = arith.maximumf %parallel_loop3A_489, %parallel_loop3A_496 : vector<16xf32>
        %parallel_loop3A_498 = arith.maximumf %parallel_loop3A_482, %parallel_loop3A_497 : vector<16xf32>
        %parallel_loop3A_499 = arith.constant 1 : i32
        %parallel_loop3A_500 = arith.index_cast %parallel_loop3A_499 : i32 to index
        %parallel_loop3A_501 = arith.index_cast %parallel_loop3A_297 : i32 to index
        %parallel_loop3A_502 = arith.constant 80 : index
        %parallel_loop3A_503 = tpu.vector_load %arg7[%parallel_loop3A_500, %parallel_loop3A_501, %parallel_loop3A_502] {strides = array<i32>} : memref<4x32x128xf32, #tpu.memory_space<vmem>>, vector<16xf32>,
        tpu.vector_store %arg7[%parallel_loop3A_500, %parallel_loop3A_501, %parallel_loop3A_502], %parallel_loop3A_498 {strides = array<i32>} : memref<4x32x128xf32, #tpu.memory_space<vmem>>, vector<16xf32>,
        %parallel_loop3A_504 = arith.constant 1 : i32
        %parallel_loop3A_505 = arith.index_cast %parallel_loop3A_504 : i32 to index
        %parallel_loop3A_506 = arith.index_cast %parallel_loop3A_299 : i32 to index
        %parallel_loop3A_507 = arith.constant 96 : index
        %parallel_loop3A_508 = tpu.vector_load %arg6[%parallel_loop3A_505, %parallel_loop3A_506, %parallel_loop3A_507] {strides = array<i32>} : memref<4x128x128xf32, #tpu.memory_space<vmem>>, vector<16xf32>,
        %parallel_loop3A_509 = arith.constant 1 : i32
        %parallel_loop3A_510 = arith.addi %parallel_loop3A_299, %parallel_loop3A_509 : i32
        %parallel_loop3A_511 = arith.constant 1 : i32
        %parallel_loop3A_512 = arith.index_cast %parallel_loop3A_511 : i32 to index
        %parallel_loop3A_513 = arith.index_cast %parallel_loop3A_510 : i32 to index
        %parallel_loop3A_514 = arith.constant 96 : index
        %parallel_loop3A_515 = tpu.vector_load %arg6[%parallel_loop3A_512, %parallel_loop3A_513, %parallel_loop3A_514] {strides = array<i32>} : memref<4x128x128xf32, #tpu.memory_space<vmem>>, vector<16xf32>,
        %parallel_loop3A_516 = arith.maximumf %parallel_loop3A_508, %parallel_loop3A_515 : vector<16xf32>
        %parallel_loop3A_517 = arith.constant 2 : i32
        %parallel_loop3A_518 = arith.addi %parallel_loop3A_299, %parallel_loop3A_517 : i32
        %parallel_loop3A_519 = arith.constant 1 : i32
        %parallel_loop3A_520 = arith.index_cast %parallel_loop3A_519 : i32 to index
        %parallel_loop3A_521 = arith.index_cast %parallel_loop3A_518 : i32 to index
        %parallel_loop3A_522 = arith.constant 96 : index
        %parallel_loop3A_523 = tpu.vector_load %arg6[%parallel_loop3A_520, %parallel_loop3A_521, %parallel_loop3A_522] {strides = array<i32>} : memref<4x128x128xf32, #tpu.memory_space<vmem>>, vector<16xf32>,
        %parallel_loop3A_524 = arith.constant 3 : i32
        %parallel_loop3A_525 = arith.addi %parallel_loop3A_299, %parallel_loop3A_524 : i32
        %parallel_loop3A_526 = arith.constant 1 : i32
        %parallel_loop3A_527 = arith.index_cast %parallel_loop3A_526 : i32 to index
        %parallel_loop3A_528 = arith.index_cast %parallel_loop3A_525 : i32 to index
        %parallel_loop3A_529 = arith.constant 96 : index
        %parallel_loop3A_530 = tpu.vector_load %arg6[%parallel_loop3A_527, %parallel_loop3A_528, %parallel_loop3A_529] {strides = array<i32>} : memref<4x128x128xf32, #tpu.memory_space<vmem>>, vector<16xf32>,
        %parallel_loop3A_531 = arith.maximumf %parallel_loop3A_523, %parallel_loop3A_530 : vector<16xf32>
        %parallel_loop3A_532 = arith.maximumf %parallel_loop3A_516, %parallel_loop3A_531 : vector<16xf32>
        %parallel_loop3A_533 = arith.constant 1 : i32
        %parallel_loop3A_534 = arith.index_cast %parallel_loop3A_533 : i32 to index
        %parallel_loop3A_535 = arith.index_cast %parallel_loop3A_297 : i32 to index
        %parallel_loop3A_536 = arith.constant 96 : index
        %parallel_loop3A_537 = tpu.vector_load %arg7[%parallel_loop3A_534, %parallel_loop3A_535, %parallel_loop3A_536] {strides = array<i32>} : memref<4x32x128xf32, #tpu.memory_space<vmem>>, vector<16xf32>,
        tpu.vector_store %arg7[%parallel_loop3A_534, %parallel_loop3A_535, %parallel_loop3A_536], %parallel_loop3A_532 {strides = array<i32>} : memref<4x32x128xf32, #tpu.memory_space<vmem>>, vector<16xf32>,
        %parallel_loop3A_538 = arith.constant 1 : i32
        %parallel_loop3A_539 = arith.index_cast %parallel_loop3A_538 : i32 to index
        %parallel_loop3A_540 = arith.index_cast %parallel_loop3A_299 : i32 to index
        %parallel_loop3A_541 = arith.constant 112 : index
        %parallel_loop3A_542 = tpu.vector_load %arg6[%parallel_loop3A_539, %parallel_loop3A_540, %parallel_loop3A_541] {strides = array<i32>} : memref<4x128x128xf32, #tpu.memory_space<vmem>>, vector<16xf32>,
        %parallel_loop3A_543 = arith.constant 1 : i32
        %parallel_loop3A_544 = arith.addi %parallel_loop3A_299, %parallel_loop3A_543 : i32
        %parallel_loop3A_545 = arith.constant 1 : i32
        %parallel_loop3A_546 = arith.index_cast %parallel_loop3A_545 : i32 to index
        %parallel_loop3A_547 = arith.index_cast %parallel_loop3A_544 : i32 to index
        %parallel_loop3A_548 = arith.constant 112 : index
        %parallel_loop3A_549 = tpu.vector_load %arg6[%parallel_loop3A_546, %parallel_loop3A_547, %parallel_loop3A_548] {strides = array<i32>} : memref<4x128x128xf32, #tpu.memory_space<vmem>>, vector<16xf32>,
        %parallel_loop3A_550 = arith.maximumf %parallel_loop3A_542, %parallel_loop3A_549 : vector<16xf32>
        %parallel_loop3A_551 = arith.constant 2 : i32
        %parallel_loop3A_552 = arith.addi %parallel_loop3A_299, %parallel_loop3A_551 : i32
        %parallel_loop3A_553 = arith.constant 1 : i32
        %parallel_loop3A_554 = arith.index_cast %parallel_loop3A_553 : i32 to index
        %parallel_loop3A_555 = arith.index_cast %parallel_loop3A_552 : i32 to index
        %parallel_loop3A_556 = arith.constant 112 : index
        %parallel_loop3A_557 = tpu.vector_load %arg6[%parallel_loop3A_554, %parallel_loop3A_555, %parallel_loop3A_556] {strides = array<i32>} : memref<4x128x128xf32, #tpu.memory_space<vmem>>, vector<16xf32>,
        %parallel_loop3A_558 = arith.constant 3 : i32
        %parallel_loop3A_559 = arith.addi %parallel_loop3A_299, %parallel_loop3A_558 : i32
        %parallel_loop3A_560 = arith.constant 1 : i32
        %parallel_loop3A_561 = arith.index_cast %parallel_loop3A_560 : i32 to index
        %parallel_loop3A_562 = arith.index_cast %parallel_loop3A_559 : i32 to index
        %parallel_loop3A_563 = arith.constant 112 : index
        %parallel_loop3A_564 = tpu.vector_load %arg6[%parallel_loop3A_561, %parallel_loop3A_562, %parallel_loop3A_563] {strides = array<i32>} : memref<4x128x128xf32, #tpu.memory_space<vmem>>, vector<16xf32>,
        %parallel_loop3A_565 = arith.maximumf %parallel_loop3A_557, %parallel_loop3A_564 : vector<16xf32>
        %parallel_loop3A_566 = arith.maximumf %parallel_loop3A_550, %parallel_loop3A_565 : vector<16xf32>
        %parallel_loop3A_567 = arith.constant 1 : i32
        %parallel_loop3A_568 = arith.index_cast %parallel_loop3A_567 : i32 to index
        %parallel_loop3A_569 = arith.index_cast %parallel_loop3A_297 : i32 to index
        %parallel_loop3A_570 = arith.constant 112 : index
        %parallel_loop3A_571 = tpu.vector_load %arg7[%parallel_loop3A_568, %parallel_loop3A_569, %parallel_loop3A_570] {strides = array<i32>} : memref<4x32x128xf32, #tpu.memory_space<vmem>>, vector<16xf32>,
        tpu.vector_store %arg7[%parallel_loop3A_568, %parallel_loop3A_569, %parallel_loop3A_570], %parallel_loop3A_566 {strides = array<i32>} : memref<4x32x128xf32, #tpu.memory_space<vmem>>, vector<16xf32>,
      } {sc.loop_unroll_factor = 4 : i64, sc.parallel_access}
      %mul3A_181 = arith.constant 32 : i32
      %mul3A_182 = arith.muli %add3A_148, %mul3A_181 : i32
      %add3A_183 = arith.addi %mul3A_4, %mul3A_182 : i32
      %dma_start3A_184 = arith.constant 1 : i32
      %dma_start3A_185 = arith.constant 0 : i32
      %dma_start3A_186 = arith.constant 0 : i32
      %dma_start3A_187 = tpu.memref_slice %arg7[%dma_start3A_184, %dma_start3A_185, %dma_start3A_186] : memref<4x32x128xf32, #tpu.memory_space<vmem>> -> memref<1x32x128xf32, #tpu.memory_space<vmem>>
      %dma_start3A_188 = tpu.memref_squeeze %dma_start3A_187 : memref<1x32x128xf32, #tpu.memory_space<vmem>> -> memref<32x128xf32, #tpu.memory_space<vmem>>
      %dma_start3A_189 = arith.constant 0 : i32
      %dma_start3A_190 = tpu.memref_slice %arg4[%add3A_183, %dma_start3A_189] : memref<65536x128xf32, #tpu.memory_space<hbm>> -> memref<32x128xf32, #tpu.memory_space<hbm>>
      %dma_start3A_191 = arith.constant 0 : i32
      %dma_start3A_192 = tpu.memref_slice %arg4[%add3A_183, %dma_start3A_191] : memref<65536x128xf32, #tpu.memory_space<hbm>> -> memref<32x128xf32, #tpu.memory_space<hbm>>
      %dma_start3A_193 = arith.constant 0 : i32
      %dma_start3A_194 = arith.constant 0 : i32
      %dma_start3A_195 = tpu.memref_slice %arg7[%dma_start3A_184, %dma_start3A_193, %dma_start3A_194] : memref<4x32x128xf32, #tpu.memory_space<vmem>> -> memref<1x32x128xf32, #tpu.memory_space<vmem>>
      %dma_start3A_196 = tpu.memref_squeeze %dma_start3A_195 : memref<1x32x128xf32, #tpu.memory_space<vmem>> -> memref<32x128xf32, #tpu.memory_space<vmem>>
      tpu.enqueue_dma source(%dma_start3A_196 : memref<32x128xf32, #tpu.memory_space<vmem>>) target(%dma_start3A_192 : memref<32x128xf32, #tpu.memory_space<hbm>>) target_semaphore(%arg13 : memref<!tpu.dma_semaphore, #tpu.memory_space<semaphore_mem>>)
      %add3A_197 = arith.constant 2 : i32
      %add3A_198 = arith.addi %add3A_101, %add3A_197 : i32
      %add3A_199 = arith.constant 4 : i32
      %add3A_200 = arith.addi %add3A_198, %add3A_199 : i32
      %sub3A_201 = arith.constant 1 : i32
      %sub3A_202 = arith.subi %add3A_200, %sub3A_201 : i32
      %lt3A_203 = arith.constant 64 : i32
      %lt3A_204 = arith.cmpi slt, %sub3A_202, %lt3A_203 : i32
      %convert_element_type3A_205 = arith.extui %lt3A_204 : i1 to i32
      %cond3A_206 = arith.constant 0 : i32
      %cond3A_207 = arith.cmpi ne, %convert_element_type3A_205, %cond3A_206 : i32
      scf.if %cond3A_207 {
        %dma_start3A_297 = arith.constant 1 : i32
        %dma_start3A_298 = arith.constant 0 : i32
        %dma_start3A_299 = arith.constant 0 : i32
        %dma_start3A_300 = tpu.memref_slice %arg6[%dma_start3A_297, %dma_start3A_298, %dma_start3A_299] : memref<4x128x128xf32, #tpu.memory_space<vmem>> -> memref<1x128x128xf32, #tpu.memory_space<vmem>>
        %dma_start3A_301 = tpu.memref_squeeze %dma_start3A_300 : memref<1x128x128xf32, #tpu.memory_space<vmem>> -> memref<128x128xf32, #tpu.memory_space<vmem>>
        %dma_start3A_302 = arith.constant 0 : i32
        %dma_start3A_303 = tpu.memref_slice %arg5[%sub3A_202, %dma_start3A_302] : memref<64x128xi32, #tpu.memory_space<vmem>> -> memref<1x128xi32, #tpu.memory_space<vmem>>
        %dma_start3A_304 = tpu.memref_squeeze %dma_start3A_303 : memref<1x128xi32, #tpu.memory_space<vmem>> -> memref<128xi32, #tpu.memory_space<vmem>>
        %dma_start3A_305 = arith.constant 0 : i32
        %dma_start3A_306 = arith.constant 0 : i32
        %dma_start3A_307 = tpu.memref_slice %arg2[%dma_start3A_305, %dma_start3A_306] : memref<262144x128xf32, #tpu.memory_space<hbm>> -> memref<262144x128xf32, #tpu.memory_space<hbm>>
        tpu.enqueue_indirect_dma source(%dma_start3A_307 : memref<262144x128xf32, #tpu.memory_space<hbm>>) target(%dma_start3A_301 : memref<128x128xf32, #tpu.memory_space<vmem>>) offsets(%dma_start3A_304 : memref<128xi32, #tpu.memory_space<vmem>>) semaphore(%arg9 : memref<!tpu.dma_semaphore, #tpu.memory_space<semaphore_mem>>)
      } else {
      }
      %dma_wait3A_208 = arith.constant 2 : i32
      %dma_wait3A_209 = arith.constant 0 : i32
      %dma_wait3A_210 = arith.constant 0 : i32
      %dma_wait3A_211 = tpu.memref_slice %arg6[%dma_wait3A_208, %dma_wait3A_209, %dma_wait3A_210] : memref<4x128x128xf32, #tpu.memory_space<vmem>> -> memref<1x128x128xf32, #tpu.memory_space<vmem>>
      %dma_wait3A_212 = tpu.memref_squeeze %dma_wait3A_211 : memref<1x128x128xf32, #tpu.memory_space<vmem>> -> memref<128x128xf32, #tpu.memory_space<vmem>>
      %dma_wait3A_213 = arith.constant 0 : i32
      %dma_wait3A_214 = arith.constant 0 : i32
      %dma_wait3A_215 = tpu.memref_slice %arg2[%dma_wait3A_213, %dma_wait3A_214] : memref<262144x128xf32, #tpu.memory_space<hbm>> -> memref<128x128xf32, #tpu.memory_space<hbm>>
      %dma_wait3A_216 = arith.constant 0 : i32
      %dma_wait3A_217 = arith.constant 0 : i32
      %dma_wait3A_218 = tpu.memref_slice %arg6[%dma_wait3A_208, %dma_wait3A_216, %dma_wait3A_217] : memref<4x128x128xf32, #tpu.memory_space<vmem>> -> memref<1x128x128xf32, #tpu.memory_space<vmem>>
      %dma_wait3A_219 = tpu.memref_squeeze %dma_wait3A_218 : memref<1x128x128xf32, #tpu.memory_space<vmem>> -> memref<128x128xf32, #tpu.memory_space<vmem>>
      %dma_wait3A_220 = arith.constant 0 : i32
      %dma_wait3A_221 = arith.constant 0 : i32
      %dma_wait3A_222 = tpu.memref_slice %arg2[%dma_wait3A_220, %dma_wait3A_221] : memref<262144x128xf32, #tpu.memory_space<hbm>> -> memref<128x128xf32, #tpu.memory_space<hbm>>
      tpu.wait_dma2 semaphore(%arg10 : memref<!tpu.dma_semaphore, #tpu.memory_space<semaphore_mem>>) src(%dma_wait3A_222 : memref<128x128xf32, #tpu.memory_space<hbm>>) dst(%dma_wait3A_219 : memref<128x128xf32, #tpu.memory_space<vmem>>)
      %ge3A_223 = arith.constant 4 : i32
      %ge3A_224 = arith.cmpi sge, %add3A_198, %ge3A_223 : i32
      %convert_element_type3A_225 = arith.extui %ge3A_224 : i1 to i32
      %cond3A_226 = arith.constant 0 : i32
      %cond3A_227 = arith.cmpi ne, %convert_element_type3A_225, %cond3A_226 : i32
      scf.if %cond3A_227 {
        %dma_wait3A_297 = arith.constant 2 : i32
        %dma_wait3A_298 = arith.constant 0 : i32
        %dma_wait3A_299 = arith.constant 0 : i32
        %dma_wait3A_300 = tpu.memref_slice %arg7[%dma_wait3A_297, %dma_wait3A_298, %dma_wait3A_299] : memref<4x32x128xf32, #tpu.memory_space<vmem>> -> memref<1x32x128xf32, #tpu.memory_space<vmem>>
        %dma_wait3A_301 = tpu.memref_squeeze %dma_wait3A_300 : memref<1x32x128xf32, #tpu.memory_space<vmem>> -> memref<32x128xf32, #tpu.memory_space<vmem>>
        %dma_wait3A_302 = arith.constant 0 : i32
        %dma_wait3A_303 = tpu.memref_slice %arg4[%mul3A_4, %dma_wait3A_302] : memref<65536x128xf32, #tpu.memory_space<hbm>> -> memref<32x128xf32, #tpu.memory_space<hbm>>
        %dma_wait3A_304 = arith.constant 0 : i32
        %dma_wait3A_305 = tpu.memref_slice %arg4[%mul3A_4, %dma_wait3A_304] : memref<65536x128xf32, #tpu.memory_space<hbm>> -> memref<32x128xf32, #tpu.memory_space<hbm>>
        %dma_wait3A_306 = arith.constant 0 : i32
        %dma_wait3A_307 = arith.constant 0 : i32
        %dma_wait3A_308 = tpu.memref_slice %arg7[%dma_wait3A_297, %dma_wait3A_306, %dma_wait3A_307] : memref<4x32x128xf32, #tpu.memory_space<vmem>> -> memref<1x32x128xf32, #tpu.memory_space<vmem>>
        %dma_wait3A_309 = tpu.memref_squeeze %dma_wait3A_308 : memref<1x32x128xf32, #tpu.memory_space<vmem>> -> memref<32x128xf32, #tpu.memory_space<vmem>>
        tpu.wait_dma2 semaphore(%arg14 : memref<!tpu.dma_semaphore, #tpu.memory_space<semaphore_mem>>) src(%dma_wait3A_309 : memref<32x128xf32, #tpu.memory_space<vmem>>) dst(%dma_wait3A_305 : memref<32x128xf32, #tpu.memory_space<hbm>>)
      } else {
      }
      %parallel_loop3A_228 = arith.constant 0 : i32
      %parallel_loop3A_229 = arith.constant 32 : i32
      %parallel_loop3A_230 = arith.constant 1 : i32
      scf.for %parallel_loop3A_297 = %parallel_loop3A_228 to %parallel_loop3A_229 step %parallel_loop3A_230  : i32 {
        %parallel_loop3A_298 = arith.constant 4 : i32
        %parallel_loop3A_299 = arith.muli %parallel_loop3A_297, %parallel_loop3A_298 : i32
        %parallel_loop3A_300 = arith.constant 2 : i32
        %parallel_loop3A_301 = arith.index_cast %parallel_loop3A_300 : i32 to index
        %parallel_loop3A_302 = arith.index_cast %parallel_loop3A_299 : i32 to index
        %parallel_loop3A_303 = arith.constant 0 : index
        %parallel_loop3A_304 = tpu.vector_load %arg6[%parallel_loop3A_301, %parallel_loop3A_302, %parallel_loop3A_303] {strides = array<i32>} : memref<4x128x128xf32, #tpu.memory_space<vmem>>, vector<16xf32>,
        %parallel_loop3A_305 = arith.constant 1 : i32
        %parallel_loop3A_306 = arith.addi %parallel_loop3A_299, %parallel_loop3A_305 : i32
        %parallel_loop3A_307 = arith.constant 2 : i32
        %parallel_loop3A_308 = arith.index_cast %parallel_loop3A_307 : i32 to index
        %parallel_loop3A_309 = arith.index_cast %parallel_loop3A_306 : i32 to index
        %parallel_loop3A_310 = arith.constant 0 : index
        %parallel_loop3A_311 = tpu.vector_load %arg6[%parallel_loop3A_308, %parallel_loop3A_309, %parallel_loop3A_310] {strides = array<i32>} : memref<4x128x128xf32, #tpu.memory_space<vmem>>, vector<16xf32>,
        %parallel_loop3A_312 = arith.maximumf %parallel_loop3A_304, %parallel_loop3A_311 : vector<16xf32>
        %parallel_loop3A_313 = arith.constant 2 : i32
        %parallel_loop3A_314 = arith.addi %parallel_loop3A_299, %parallel_loop3A_313 : i32
        %parallel_loop3A_315 = arith.constant 2 : i32
        %parallel_loop3A_316 = arith.index_cast %parallel_loop3A_315 : i32 to index
        %parallel_loop3A_317 = arith.index_cast %parallel_loop3A_314 : i32 to index
        %parallel_loop3A_318 = arith.constant 0 : index
        %parallel_loop3A_319 = tpu.vector_load %arg6[%parallel_loop3A_316, %parallel_loop3A_317, %parallel_loop3A_318] {strides = array<i32>} : memref<4x128x128xf32, #tpu.memory_space<vmem>>, vector<16xf32>,
        %parallel_loop3A_320 = arith.constant 3 : i32
        %parallel_loop3A_321 = arith.addi %parallel_loop3A_299, %parallel_loop3A_320 : i32
        %parallel_loop3A_322 = arith.constant 2 : i32
        %parallel_loop3A_323 = arith.index_cast %parallel_loop3A_322 : i32 to index
        %parallel_loop3A_324 = arith.index_cast %parallel_loop3A_321 : i32 to index
        %parallel_loop3A_325 = arith.constant 0 : index
        %parallel_loop3A_326 = tpu.vector_load %arg6[%parallel_loop3A_323, %parallel_loop3A_324, %parallel_loop3A_325] {strides = array<i32>} : memref<4x128x128xf32, #tpu.memory_space<vmem>>, vector<16xf32>,
        %parallel_loop3A_327 = arith.maximumf %parallel_loop3A_319, %parallel_loop3A_326 : vector<16xf32>
        %parallel_loop3A_328 = arith.maximumf %parallel_loop3A_312, %parallel_loop3A_327 : vector<16xf32>
        %parallel_loop3A_329 = arith.constant 2 : i32
        %parallel_loop3A_330 = arith.index_cast %parallel_loop3A_329 : i32 to index
        %parallel_loop3A_331 = arith.index_cast %parallel_loop3A_297 : i32 to index
        %parallel_loop3A_332 = arith.constant 0 : index
        %parallel_loop3A_333 = tpu.vector_load %arg7[%parallel_loop3A_330, %parallel_loop3A_331, %parallel_loop3A_332] {strides = array<i32>} : memref<4x32x128xf32, #tpu.memory_space<vmem>>, vector<16xf32>,
        tpu.vector_store %arg7[%parallel_loop3A_330, %parallel_loop3A_331, %parallel_loop3A_332], %parallel_loop3A_328 {strides = array<i32>} : memref<4x32x128xf32, #tpu.memory_space<vmem>>, vector<16xf32>,
        %parallel_loop3A_334 = arith.constant 2 : i32
        %parallel_loop3A_335 = arith.index_cast %parallel_loop3A_334 : i32 to index
        %parallel_loop3A_336 = arith.index_cast %parallel_loop3A_299 : i32 to index
        %parallel_loop3A_337 = arith.constant 16 : index
        %parallel_loop3A_338 = tpu.vector_load %arg6[%parallel_loop3A_335, %parallel_loop3A_336, %parallel_loop3A_337] {strides = array<i32>} : memref<4x128x128xf32, #tpu.memory_space<vmem>>, vector<16xf32>,
        %parallel_loop3A_339 = arith.constant 1 : i32
        %parallel_loop3A_340 = arith.addi %parallel_loop3A_299, %parallel_loop3A_339 : i32
        %parallel_loop3A_341 = arith.constant 2 : i32
        %parallel_loop3A_342 = arith.index_cast %parallel_loop3A_341 : i32 to index
        %parallel_loop3A_343 = arith.index_cast %parallel_loop3A_340 : i32 to index
        %parallel_loop3A_344 = arith.constant 16 : index
        %parallel_loop3A_345 = tpu.vector_load %arg6[%parallel_loop3A_342, %parallel_loop3A_343, %parallel_loop3A_344] {strides = array<i32>} : memref<4x128x128xf32, #tpu.memory_space<vmem>>, vector<16xf32>,
        %parallel_loop3A_346 = arith.maximumf %parallel_loop3A_338, %parallel_loop3A_345 : vector<16xf32>
        %parallel_loop3A_347 = arith.constant 2 : i32
        %parallel_loop3A_348 = arith.addi %parallel_loop3A_299, %parallel_loop3A_347 : i32
        %parallel_loop3A_349 = arith.constant 2 : i32
        %parallel_loop3A_350 = arith.index_cast %parallel_loop3A_349 : i32 to index
        %parallel_loop3A_351 = arith.index_cast %parallel_loop3A_348 : i32 to index
        %parallel_loop3A_352 = arith.constant 16 : index
        %parallel_loop3A_353 = tpu.vector_load %arg6[%parallel_loop3A_350, %parallel_loop3A_351, %parallel_loop3A_352] {strides = array<i32>} : memref<4x128x128xf32, #tpu.memory_space<vmem>>, vector<16xf32>,
        %parallel_loop3A_354 = arith.constant 3 : i32
        %parallel_loop3A_355 = arith.addi %parallel_loop3A_299, %parallel_loop3A_354 : i32
        %parallel_loop3A_356 = arith.constant 2 : i32
        %parallel_loop3A_357 = arith.index_cast %parallel_loop3A_356 : i32 to index
        %parallel_loop3A_358 = arith.index_cast %parallel_loop3A_355 : i32 to index
        %parallel_loop3A_359 = arith.constant 16 : index
        %parallel_loop3A_360 = tpu.vector_load %arg6[%parallel_loop3A_357, %parallel_loop3A_358, %parallel_loop3A_359] {strides = array<i32>} : memref<4x128x128xf32, #tpu.memory_space<vmem>>, vector<16xf32>,
        %parallel_loop3A_361 = arith.maximumf %parallel_loop3A_353, %parallel_loop3A_360 : vector<16xf32>
        %parallel_loop3A_362 = arith.maximumf %parallel_loop3A_346, %parallel_loop3A_361 : vector<16xf32>
        %parallel_loop3A_363 = arith.constant 2 : i32
        %parallel_loop3A_364 = arith.index_cast %parallel_loop3A_363 : i32 to index
        %parallel_loop3A_365 = arith.index_cast %parallel_loop3A_297 : i32 to index
        %parallel_loop3A_366 = arith.constant 16 : index
        %parallel_loop3A_367 = tpu.vector_load %arg7[%parallel_loop3A_364, %parallel_loop3A_365, %parallel_loop3A_366] {strides = array<i32>} : memref<4x32x128xf32, #tpu.memory_space<vmem>>, vector<16xf32>,
        tpu.vector_store %arg7[%parallel_loop3A_364, %parallel_loop3A_365, %parallel_loop3A_366], %parallel_loop3A_362 {strides = array<i32>} : memref<4x32x128xf32, #tpu.memory_space<vmem>>, vector<16xf32>,
        %parallel_loop3A_368 = arith.constant 2 : i32
        %parallel_loop3A_369 = arith.index_cast %parallel_loop3A_368 : i32 to index
        %parallel_loop3A_370 = arith.index_cast %parallel_loop3A_299 : i32 to index
        %parallel_loop3A_371 = arith.constant 32 : index
        %parallel_loop3A_372 = tpu.vector_load %arg6[%parallel_loop3A_369, %parallel_loop3A_370, %parallel_loop3A_371] {strides = array<i32>} : memref<4x128x128xf32, #tpu.memory_space<vmem>>, vector<16xf32>,
        %parallel_loop3A_373 = arith.constant 1 : i32
        %parallel_loop3A_374 = arith.addi %parallel_loop3A_299, %parallel_loop3A_373 : i32
        %parallel_loop3A_375 = arith.constant 2 : i32
        %parallel_loop3A_376 = arith.index_cast %parallel_loop3A_375 : i32 to index
        %parallel_loop3A_377 = arith.index_cast %parallel_loop3A_374 : i32 to index
        %parallel_loop3A_378 = arith.constant 32 : index
        %parallel_loop3A_379 = tpu.vector_load %arg6[%parallel_loop3A_376, %parallel_loop3A_377, %parallel_loop3A_378] {strides = array<i32>} : memref<4x128x128xf32, #tpu.memory_space<vmem>>, vector<16xf32>,
        %parallel_loop3A_380 = arith.maximumf %parallel_loop3A_372, %parallel_loop3A_379 : vector<16xf32>
        %parallel_loop3A_381 = arith.constant 2 : i32
        %parallel_loop3A_382 = arith.addi %parallel_loop3A_299, %parallel_loop3A_381 : i32
        %parallel_loop3A_383 = arith.constant 2 : i32
        %parallel_loop3A_384 = arith.index_cast %parallel_loop3A_383 : i32 to index
        %parallel_loop3A_385 = arith.index_cast %parallel_loop3A_382 : i32 to index
        %parallel_loop3A_386 = arith.constant 32 : index
        %parallel_loop3A_387 = tpu.vector_load %arg6[%parallel_loop3A_384, %parallel_loop3A_385, %parallel_loop3A_386] {strides = array<i32>} : memref<4x128x128xf32, #tpu.memory_space<vmem>>, vector<16xf32>,
        %parallel_loop3A_388 = arith.constant 3 : i32
        %parallel_loop3A_389 = arith.addi %parallel_loop3A_299, %parallel_loop3A_388 : i32
        %parallel_loop3A_390 = arith.constant 2 : i32
        %parallel_loop3A_391 = arith.index_cast %parallel_loop3A_390 : i32 to index
        %parallel_loop3A_392 = arith.index_cast %parallel_loop3A_389 : i32 to index
        %parallel_loop3A_393 = arith.constant 32 : index
        %parallel_loop3A_394 = tpu.vector_load %arg6[%parallel_loop3A_391, %parallel_loop3A_392, %parallel_loop3A_393] {strides = array<i32>} : memref<4x128x128xf32, #tpu.memory_space<vmem>>, vector<16xf32>,
        %parallel_loop3A_395 = arith.maximumf %parallel_loop3A_387, %parallel_loop3A_394 : vector<16xf32>
        %parallel_loop3A_396 = arith.maximumf %parallel_loop3A_380, %parallel_loop3A_395 : vector<16xf32>
        %parallel_loop3A_397 = arith.constant 2 : i32
        %parallel_loop3A_398 = arith.index_cast %parallel_loop3A_397 : i32 to index
        %parallel_loop3A_399 = arith.index_cast %parallel_loop3A_297 : i32 to index
        %parallel_loop3A_400 = arith.constant 32 : index
        %parallel_loop3A_401 = tpu.vector_load %arg7[%parallel_loop3A_398, %parallel_loop3A_399, %parallel_loop3A_400] {strides = array<i32>} : memref<4x32x128xf32, #tpu.memory_space<vmem>>, vector<16xf32>,
        tpu.vector_store %arg7[%parallel_loop3A_398, %parallel_loop3A_399, %parallel_loop3A_400], %parallel_loop3A_396 {strides = array<i32>} : memref<4x32x128xf32, #tpu.memory_space<vmem>>, vector<16xf32>,
        %parallel_loop3A_402 = arith.constant 2 : i32
        %parallel_loop3A_403 = arith.index_cast %parallel_loop3A_402 : i32 to index
        %parallel_loop3A_404 = arith.index_cast %parallel_loop3A_299 : i32 to index
        %parallel_loop3A_405 = arith.constant 48 : index
        %parallel_loop3A_406 = tpu.vector_load %arg6[%parallel_loop3A_403, %parallel_loop3A_404, %parallel_loop3A_405] {strides = array<i32>} : memref<4x128x128xf32, #tpu.memory_space<vmem>>, vector<16xf32>,
        %parallel_loop3A_407 = arith.constant 1 : i32
        %parallel_loop3A_408 = arith.addi %parallel_loop3A_299, %parallel_loop3A_407 : i32
        %parallel_loop3A_409 = arith.constant 2 : i32
        %parallel_loop3A_410 = arith.index_cast %parallel_loop3A_409 : i32 to index
        %parallel_loop3A_411 = arith.index_cast %parallel_loop3A_408 : i32 to index
        %parallel_loop3A_412 = arith.constant 48 : index
        %parallel_loop3A_413 = tpu.vector_load %arg6[%parallel_loop3A_410, %parallel_loop3A_411, %parallel_loop3A_412] {strides = array<i32>} : memref<4x128x128xf32, #tpu.memory_space<vmem>>, vector<16xf32>,
        %parallel_loop3A_414 = arith.maximumf %parallel_loop3A_406, %parallel_loop3A_413 : vector<16xf32>
        %parallel_loop3A_415 = arith.constant 2 : i32
        %parallel_loop3A_416 = arith.addi %parallel_loop3A_299, %parallel_loop3A_415 : i32
        %parallel_loop3A_417 = arith.constant 2 : i32
        %parallel_loop3A_418 = arith.index_cast %parallel_loop3A_417 : i32 to index
        %parallel_loop3A_419 = arith.index_cast %parallel_loop3A_416 : i32 to index
        %parallel_loop3A_420 = arith.constant 48 : index
        %parallel_loop3A_421 = tpu.vector_load %arg6[%parallel_loop3A_418, %parallel_loop3A_419, %parallel_loop3A_420] {strides = array<i32>} : memref<4x128x128xf32, #tpu.memory_space<vmem>>, vector<16xf32>,
        %parallel_loop3A_422 = arith.constant 3 : i32
        %parallel_loop3A_423 = arith.addi %parallel_loop3A_299, %parallel_loop3A_422 : i32
        %parallel_loop3A_424 = arith.constant 2 : i32
        %parallel_loop3A_425 = arith.index_cast %parallel_loop3A_424 : i32 to index
        %parallel_loop3A_426 = arith.index_cast %parallel_loop3A_423 : i32 to index
        %parallel_loop3A_427 = arith.constant 48 : index
        %parallel_loop3A_428 = tpu.vector_load %arg6[%parallel_loop3A_425, %parallel_loop3A_426, %parallel_loop3A_427] {strides = array<i32>} : memref<4x128x128xf32, #tpu.memory_space<vmem>>, vector<16xf32>,
        %parallel_loop3A_429 = arith.maximumf %parallel_loop3A_421, %parallel_loop3A_428 : vector<16xf32>
        %parallel_loop3A_430 = arith.maximumf %parallel_loop3A_414, %parallel_loop3A_429 : vector<16xf32>
        %parallel_loop3A_431 = arith.constant 2 : i32
        %parallel_loop3A_432 = arith.index_cast %parallel_loop3A_431 : i32 to index
        %parallel_loop3A_433 = arith.index_cast %parallel_loop3A_297 : i32 to index
        %parallel_loop3A_434 = arith.constant 48 : index
        %parallel_loop3A_435 = tpu.vector_load %arg7[%parallel_loop3A_432, %parallel_loop3A_433, %parallel_loop3A_434] {strides = array<i32>} : memref<4x32x128xf32, #tpu.memory_space<vmem>>, vector<16xf32>,
        tpu.vector_store %arg7[%parallel_loop3A_432, %parallel_loop3A_433, %parallel_loop3A_434], %parallel_loop3A_430 {strides = array<i32>} : memref<4x32x128xf32, #tpu.memory_space<vmem>>, vector<16xf32>,
        %parallel_loop3A_436 = arith.constant 2 : i32
        %parallel_loop3A_437 = arith.index_cast %parallel_loop3A_436 : i32 to index
        %parallel_loop3A_438 = arith.index_cast %parallel_loop3A_299 : i32 to index
        %parallel_loop3A_439 = arith.constant 64 : index
        %parallel_loop3A_440 = tpu.vector_load %arg6[%parallel_loop3A_437, %parallel_loop3A_438, %parallel_loop3A_439] {strides = array<i32>} : memref<4x128x128xf32, #tpu.memory_space<vmem>>, vector<16xf32>,
        %parallel_loop3A_441 = arith.constant 1 : i32
        %parallel_loop3A_442 = arith.addi %parallel_loop3A_299, %parallel_loop3A_441 : i32
        %parallel_loop3A_443 = arith.constant 2 : i32
        %parallel_loop3A_444 = arith.index_cast %parallel_loop3A_443 : i32 to index
        %parallel_loop3A_445 = arith.index_cast %parallel_loop3A_442 : i32 to index
        %parallel_loop3A_446 = arith.constant 64 : index
        %parallel_loop3A_447 = tpu.vector_load %arg6[%parallel_loop3A_444, %parallel_loop3A_445, %parallel_loop3A_446] {strides = array<i32>} : memref<4x128x128xf32, #tpu.memory_space<vmem>>, vector<16xf32>,
        %parallel_loop3A_448 = arith.maximumf %parallel_loop3A_440, %parallel_loop3A_447 : vector<16xf32>
        %parallel_loop3A_449 = arith.constant 2 : i32
        %parallel_loop3A_450 = arith.addi %parallel_loop3A_299, %parallel_loop3A_449 : i32
        %parallel_loop3A_451 = arith.constant 2 : i32
        %parallel_loop3A_452 = arith.index_cast %parallel_loop3A_451 : i32 to index
        %parallel_loop3A_453 = arith.index_cast %parallel_loop3A_450 : i32 to index
        %parallel_loop3A_454 = arith.constant 64 : index
        %parallel_loop3A_455 = tpu.vector_load %arg6[%parallel_loop3A_452, %parallel_loop3A_453, %parallel_loop3A_454] {strides = array<i32>} : memref<4x128x128xf32, #tpu.memory_space<vmem>>, vector<16xf32>,
        %parallel_loop3A_456 = arith.constant 3 : i32
        %parallel_loop3A_457 = arith.addi %parallel_loop3A_299, %parallel_loop3A_456 : i32
        %parallel_loop3A_458 = arith.constant 2 : i32
        %parallel_loop3A_459 = arith.index_cast %parallel_loop3A_458 : i32 to index
        %parallel_loop3A_460 = arith.index_cast %parallel_loop3A_457 : i32 to index
        %parallel_loop3A_461 = arith.constant 64 : index
        %parallel_loop3A_462 = tpu.vector_load %arg6[%parallel_loop3A_459, %parallel_loop3A_460, %parallel_loop3A_461] {strides = array<i32>} : memref<4x128x128xf32, #tpu.memory_space<vmem>>, vector<16xf32>,
        %parallel_loop3A_463 = arith.maximumf %parallel_loop3A_455, %parallel_loop3A_462 : vector<16xf32>
        %parallel_loop3A_464 = arith.maximumf %parallel_loop3A_448, %parallel_loop3A_463 : vector<16xf32>
        %parallel_loop3A_465 = arith.constant 2 : i32
        %parallel_loop3A_466 = arith.index_cast %parallel_loop3A_465 : i32 to index
        %parallel_loop3A_467 = arith.index_cast %parallel_loop3A_297 : i32 to index
        %parallel_loop3A_468 = arith.constant 64 : index
        %parallel_loop3A_469 = tpu.vector_load %arg7[%parallel_loop3A_466, %parallel_loop3A_467, %parallel_loop3A_468] {strides = array<i32>} : memref<4x32x128xf32, #tpu.memory_space<vmem>>, vector<16xf32>,
        tpu.vector_store %arg7[%parallel_loop3A_466, %parallel_loop3A_467, %parallel_loop3A_468], %parallel_loop3A_464 {strides = array<i32>} : memref<4x32x128xf32, #tpu.memory_space<vmem>>, vector<16xf32>,
        %parallel_loop3A_470 = arith.constant 2 : i32
        %parallel_loop3A_471 = arith.index_cast %parallel_loop3A_470 : i32 to index
        %parallel_loop3A_472 = arith.index_cast %parallel_loop3A_299 : i32 to index
        %parallel_loop3A_473 = arith.constant 80 : index
        %parallel_loop3A_474 = tpu.vector_load %arg6[%parallel_loop3A_471, %parallel_loop3A_472, %parallel_loop3A_473] {strides = array<i32>} : memref<4x128x128xf32, #tpu.memory_space<vmem>>, vector<16xf32>,
        %parallel_loop3A_475 = arith.constant 1 : i32
        %parallel_loop3A_476 = arith.addi %parallel_loop3A_299, %parallel_loop3A_475 : i32
        %parallel_loop3A_477 = arith.constant 2 : i32
        %parallel_loop3A_478 = arith.index_cast %parallel_loop3A_477 : i32 to index
        %parallel_loop3A_479 = arith.index_cast %parallel_loop3A_476 : i32 to index
        %parallel_loop3A_480 = arith.constant 80 : index
        %parallel_loop3A_481 = tpu.vector_load %arg6[%parallel_loop3A_478, %parallel_loop3A_479, %parallel_loop3A_480] {strides = array<i32>} : memref<4x128x128xf32, #tpu.memory_space<vmem>>, vector<16xf32>,
        %parallel_loop3A_482 = arith.maximumf %parallel_loop3A_474, %parallel_loop3A_481 : vector<16xf32>
        %parallel_loop3A_483 = arith.constant 2 : i32
        %parallel_loop3A_484 = arith.addi %parallel_loop3A_299, %parallel_loop3A_483 : i32
        %parallel_loop3A_485 = arith.constant 2 : i32
        %parallel_loop3A_486 = arith.index_cast %parallel_loop3A_485 : i32 to index
        %parallel_loop3A_487 = arith.index_cast %parallel_loop3A_484 : i32 to index
        %parallel_loop3A_488 = arith.constant 80 : index
        %parallel_loop3A_489 = tpu.vector_load %arg6[%parallel_loop3A_486, %parallel_loop3A_487, %parallel_loop3A_488] {strides = array<i32>} : memref<4x128x128xf32, #tpu.memory_space<vmem>>, vector<16xf32>,
        %parallel_loop3A_490 = arith.constant 3 : i32
        %parallel_loop3A_491 = arith.addi %parallel_loop3A_299, %parallel_loop3A_490 : i32
        %parallel_loop3A_492 = arith.constant 2 : i32
        %parallel_loop3A_493 = arith.index_cast %parallel_loop3A_492 : i32 to index
        %parallel_loop3A_494 = arith.index_cast %parallel_loop3A_491 : i32 to index
        %parallel_loop3A_495 = arith.constant 80 : index
        %parallel_loop3A_496 = tpu.vector_load %arg6[%parallel_loop3A_493, %parallel_loop3A_494, %parallel_loop3A_495] {strides = array<i32>} : memref<4x128x128xf32, #tpu.memory_space<vmem>>, vector<16xf32>,
        %parallel_loop3A_497 = arith.maximumf %parallel_loop3A_489, %parallel_loop3A_496 : vector<16xf32>
        %parallel_loop3A_498 = arith.maximumf %parallel_loop3A_482, %parallel_loop3A_497 : vector<16xf32>
        %parallel_loop3A_499 = arith.constant 2 : i32
        %parallel_loop3A_500 = arith.index_cast %parallel_loop3A_499 : i32 to index
        %parallel_loop3A_501 = arith.index_cast %parallel_loop3A_297 : i32 to index
        %parallel_loop3A_502 = arith.constant 80 : index
        %parallel_loop3A_503 = tpu.vector_load %arg7[%parallel_loop3A_500, %parallel_loop3A_501, %parallel_loop3A_502] {strides = array<i32>} : memref<4x32x128xf32, #tpu.memory_space<vmem>>, vector<16xf32>,
        tpu.vector_store %arg7[%parallel_loop3A_500, %parallel_loop3A_501, %parallel_loop3A_502], %parallel_loop3A_498 {strides = array<i32>} : memref<4x32x128xf32, #tpu.memory_space<vmem>>, vector<16xf32>,
        %parallel_loop3A_504 = arith.constant 2 : i32
        %parallel_loop3A_505 = arith.index_cast %parallel_loop3A_504 : i32 to index
        %parallel_loop3A_506 = arith.index_cast %parallel_loop3A_299 : i32 to index
        %parallel_loop3A_507 = arith.constant 96 : index
        %parallel_loop3A_508 = tpu.vector_load %arg6[%parallel_loop3A_505, %parallel_loop3A_506, %parallel_loop3A_507] {strides = array<i32>} : memref<4x128x128xf32, #tpu.memory_space<vmem>>, vector<16xf32>,
        %parallel_loop3A_509 = arith.constant 1 : i32
        %parallel_loop3A_510 = arith.addi %parallel_loop3A_299, %parallel_loop3A_509 : i32
        %parallel_loop3A_511 = arith.constant 2 : i32
        %parallel_loop3A_512 = arith.index_cast %parallel_loop3A_511 : i32 to index
        %parallel_loop3A_513 = arith.index_cast %parallel_loop3A_510 : i32 to index
        %parallel_loop3A_514 = arith.constant 96 : index
        %parallel_loop3A_515 = tpu.vector_load %arg6[%parallel_loop3A_512, %parallel_loop3A_513, %parallel_loop3A_514] {strides = array<i32>} : memref<4x128x128xf32, #tpu.memory_space<vmem>>, vector<16xf32>,
        %parallel_loop3A_516 = arith.maximumf %parallel_loop3A_508, %parallel_loop3A_515 : vector<16xf32>
        %parallel_loop3A_517 = arith.constant 2 : i32
        %parallel_loop3A_518 = arith.addi %parallel_loop3A_299, %parallel_loop3A_517 : i32
        %parallel_loop3A_519 = arith.constant 2 : i32
        %parallel_loop3A_520 = arith.index_cast %parallel_loop3A_519 : i32 to index
        %parallel_loop3A_521 = arith.index_cast %parallel_loop3A_518 : i32 to index
        %parallel_loop3A_522 = arith.constant 96 : index
        %parallel_loop3A_523 = tpu.vector_load %arg6[%parallel_loop3A_520, %parallel_loop3A_521, %parallel_loop3A_522] {strides = array<i32>} : memref<4x128x128xf32, #tpu.memory_space<vmem>>, vector<16xf32>,
        %parallel_loop3A_524 = arith.constant 3 : i32
        %parallel_loop3A_525 = arith.addi %parallel_loop3A_299, %parallel_loop3A_524 : i32
        %parallel_loop3A_526 = arith.constant 2 : i32
        %parallel_loop3A_527 = arith.index_cast %parallel_loop3A_526 : i32 to index
        %parallel_loop3A_528 = arith.index_cast %parallel_loop3A_525 : i32 to index
        %parallel_loop3A_529 = arith.constant 96 : index
        %parallel_loop3A_530 = tpu.vector_load %arg6[%parallel_loop3A_527, %parallel_loop3A_528, %parallel_loop3A_529] {strides = array<i32>} : memref<4x128x128xf32, #tpu.memory_space<vmem>>, vector<16xf32>,
        %parallel_loop3A_531 = arith.maximumf %parallel_loop3A_523, %parallel_loop3A_530 : vector<16xf32>
        %parallel_loop3A_532 = arith.maximumf %parallel_loop3A_516, %parallel_loop3A_531 : vector<16xf32>
        %parallel_loop3A_533 = arith.constant 2 : i32
        %parallel_loop3A_534 = arith.index_cast %parallel_loop3A_533 : i32 to index
        %parallel_loop3A_535 = arith.index_cast %parallel_loop3A_297 : i32 to index
        %parallel_loop3A_536 = arith.constant 96 : index
        %parallel_loop3A_537 = tpu.vector_load %arg7[%parallel_loop3A_534, %parallel_loop3A_535, %parallel_loop3A_536] {strides = array<i32>} : memref<4x32x128xf32, #tpu.memory_space<vmem>>, vector<16xf32>,
        tpu.vector_store %arg7[%parallel_loop3A_534, %parallel_loop3A_535, %parallel_loop3A_536], %parallel_loop3A_532 {strides = array<i32>} : memref<4x32x128xf32, #tpu.memory_space<vmem>>, vector<16xf32>,
        %parallel_loop3A_538 = arith.constant 2 : i32
        %parallel_loop3A_539 = arith.index_cast %parallel_loop3A_538 : i32 to index
        %parallel_loop3A_540 = arith.index_cast %parallel_loop3A_299 : i32 to index
        %parallel_loop3A_541 = arith.constant 112 : index
        %parallel_loop3A_542 = tpu.vector_load %arg6[%parallel_loop3A_539, %parallel_loop3A_540, %parallel_loop3A_541] {strides = array<i32>} : memref<4x128x128xf32, #tpu.memory_space<vmem>>, vector<16xf32>,
        %parallel_loop3A_543 = arith.constant 1 : i32
        %parallel_loop3A_544 = arith.addi %parallel_loop3A_299, %parallel_loop3A_543 : i32
        %parallel_loop3A_545 = arith.constant 2 : i32
        %parallel_loop3A_546 = arith.index_cast %parallel_loop3A_545 : i32 to index
        %parallel_loop3A_547 = arith.index_cast %parallel_loop3A_544 : i32 to index
        %parallel_loop3A_548 = arith.constant 112 : index
        %parallel_loop3A_549 = tpu.vector_load %arg6[%parallel_loop3A_546, %parallel_loop3A_547, %parallel_loop3A_548] {strides = array<i32>} : memref<4x128x128xf32, #tpu.memory_space<vmem>>, vector<16xf32>,
        %parallel_loop3A_550 = arith.maximumf %parallel_loop3A_542, %parallel_loop3A_549 : vector<16xf32>
        %parallel_loop3A_551 = arith.constant 2 : i32
        %parallel_loop3A_552 = arith.addi %parallel_loop3A_299, %parallel_loop3A_551 : i32
        %parallel_loop3A_553 = arith.constant 2 : i32
        %parallel_loop3A_554 = arith.index_cast %parallel_loop3A_553 : i32 to index
        %parallel_loop3A_555 = arith.index_cast %parallel_loop3A_552 : i32 to index
        %parallel_loop3A_556 = arith.constant 112 : index
        %parallel_loop3A_557 = tpu.vector_load %arg6[%parallel_loop3A_554, %parallel_loop3A_555, %parallel_loop3A_556] {strides = array<i32>} : memref<4x128x128xf32, #tpu.memory_space<vmem>>, vector<16xf32>,
        %parallel_loop3A_558 = arith.constant 3 : i32
        %parallel_loop3A_559 = arith.addi %parallel_loop3A_299, %parallel_loop3A_558 : i32
        %parallel_loop3A_560 = arith.constant 2 : i32
        %parallel_loop3A_561 = arith.index_cast %parallel_loop3A_560 : i32 to index
        %parallel_loop3A_562 = arith.index_cast %parallel_loop3A_559 : i32 to index
        %parallel_loop3A_563 = arith.constant 112 : index
        %parallel_loop3A_564 = tpu.vector_load %arg6[%parallel_loop3A_561, %parallel_loop3A_562, %parallel_loop3A_563] {strides = array<i32>} : memref<4x128x128xf32, #tpu.memory_space<vmem>>, vector<16xf32>,
        %parallel_loop3A_565 = arith.maximumf %parallel_loop3A_557, %parallel_loop3A_564 : vector<16xf32>
        %parallel_loop3A_566 = arith.maximumf %parallel_loop3A_550, %parallel_loop3A_565 : vector<16xf32>
        %parallel_loop3A_567 = arith.constant 2 : i32
        %parallel_loop3A_568 = arith.index_cast %parallel_loop3A_567 : i32 to index
        %parallel_loop3A_569 = arith.index_cast %parallel_loop3A_297 : i32 to index
        %parallel_loop3A_570 = arith.constant 112 : index
        %parallel_loop3A_571 = tpu.vector_load %arg7[%parallel_loop3A_568, %parallel_loop3A_569, %parallel_loop3A_570] {strides = array<i32>} : memref<4x32x128xf32, #tpu.memory_space<vmem>>, vector<16xf32>,
        tpu.vector_store %arg7[%parallel_loop3A_568, %parallel_loop3A_569, %parallel_loop3A_570], %parallel_loop3A_566 {strides = array<i32>} : memref<4x32x128xf32, #tpu.memory_space<vmem>>, vector<16xf32>,
      } {sc.loop_unroll_factor = 4 : i64, sc.parallel_access}
      %mul3A_231 = arith.constant 32 : i32
      %mul3A_232 = arith.muli %add3A_198, %mul3A_231 : i32
      %add3A_233 = arith.addi %mul3A_4, %mul3A_232 : i32
      %dma_start3A_234 = arith.constant 2 : i32
      %dma_start3A_235 = arith.constant 0 : i32
      %dma_start3A_236 = arith.constant 0 : i32
      %dma_start3A_237 = tpu.memref_slice %arg7[%dma_start3A_234, %dma_start3A_235, %dma_start3A_236] : memref<4x32x128xf32, #tpu.memory_space<vmem>> -> memref<1x32x128xf32, #tpu.memory_space<vmem>>
      %dma_start3A_238 = tpu.memref_squeeze %dma_start3A_237 : memref<1x32x128xf32, #tpu.memory_space<vmem>> -> memref<32x128xf32, #tpu.memory_space<vmem>>
      %dma_start3A_239 = arith.constant 0 : i32
      %dma_start3A_240 = tpu.memref_slice %arg4[%add3A_233, %dma_start3A_239] : memref<65536x128xf32, #tpu.memory_space<hbm>> -> memref<32x128xf32, #tpu.memory_space<hbm>>
      %dma_start3A_241 = arith.constant 0 : i32
      %dma_start3A_242 = tpu.memref_slice %arg4[%add3A_233, %dma_start3A_241] : memref<65536x128xf32, #tpu.memory_space<hbm>> -> memref<32x128xf32, #tpu.memory_space<hbm>>
      %dma_start3A_243 = arith.constant 0 : i32
      %dma_start3A_244 = arith.constant 0 : i32
      %dma_start3A_245 = tpu.memref_slice %arg7[%dma_start3A_234, %dma_start3A_243, %dma_start3A_244] : memref<4x32x128xf32, #tpu.memory_space<vmem>> -> memref<1x32x128xf32, #tpu.memory_space<vmem>>
      %dma_start3A_246 = tpu.memref_squeeze %dma_start3A_245 : memref<1x32x128xf32, #tpu.memory_space<vmem>> -> memref<32x128xf32, #tpu.memory_space<vmem>>
      tpu.enqueue_dma source(%dma_start3A_246 : memref<32x128xf32, #tpu.memory_space<vmem>>) target(%dma_start3A_242 : memref<32x128xf32, #tpu.memory_space<hbm>>) target_semaphore(%arg14 : memref<!tpu.dma_semaphore, #tpu.memory_space<semaphore_mem>>)
      %add3A_247 = arith.constant 3 : i32
      %add3A_248 = arith.addi %add3A_101, %add3A_247 : i32
      %add3A_249 = arith.constant 4 : i32
      %add3A_250 = arith.addi %add3A_248, %add3A_249 : i32
      %sub3A_251 = arith.constant 1 : i32
      %sub3A_252 = arith.subi %add3A_250, %sub3A_251 : i32
      %lt3A_253 = arith.constant 64 : i32
      %lt3A_254 = arith.cmpi slt, %sub3A_252, %lt3A_253 : i32
      %convert_element_type3A_255 = arith.extui %lt3A_254 : i1 to i32
      %cond3A_256 = arith.constant 0 : i32
      %cond3A_257 = arith.cmpi ne, %convert_element_type3A_255, %cond3A_256 : i32
      scf.if %cond3A_257 {
        %dma_start3A_297 = arith.constant 2 : i32
        %dma_start3A_298 = arith.constant 0 : i32
        %dma_start3A_299 = arith.constant 0 : i32
        %dma_start3A_300 = tpu.memref_slice %arg6[%dma_start3A_297, %dma_start3A_298, %dma_start3A_299] : memref<4x128x128xf32, #tpu.memory_space<vmem>> -> memref<1x128x128xf32, #tpu.memory_space<vmem>>
        %dma_start3A_301 = tpu.memref_squeeze %dma_start3A_300 : memref<1x128x128xf32, #tpu.memory_space<vmem>> -> memref<128x128xf32, #tpu.memory_space<vmem>>
        %dma_start3A_302 = arith.constant 0 : i32
        %dma_start3A_303 = tpu.memref_slice %arg5[%sub3A_252, %dma_start3A_302] : memref<64x128xi32, #tpu.memory_space<vmem>> -> memref<1x128xi32, #tpu.memory_space<vmem>>
        %dma_start3A_304 = tpu.memref_squeeze %dma_start3A_303 : memref<1x128xi32, #tpu.memory_space<vmem>> -> memref<128xi32, #tpu.memory_space<vmem>>
        %dma_start3A_305 = arith.constant 0 : i32
        %dma_start3A_306 = arith.constant 0 : i32
        %dma_start3A_307 = tpu.memref_slice %arg2[%dma_start3A_305, %dma_start3A_306] : memref<262144x128xf32, #tpu.memory_space<hbm>> -> memref<262144x128xf32, #tpu.memory_space<hbm>>
        tpu.enqueue_indirect_dma source(%dma_start3A_307 : memref<262144x128xf32, #tpu.memory_space<hbm>>) target(%dma_start3A_301 : memref<128x128xf32, #tpu.memory_space<vmem>>) offsets(%dma_start3A_304 : memref<128xi32, #tpu.memory_space<vmem>>) semaphore(%arg10 : memref<!tpu.dma_semaphore, #tpu.memory_space<semaphore_mem>>)
      } else {
      }
      %dma_wait3A_258 = arith.constant 3 : i32
      %dma_wait3A_259 = arith.constant 0 : i32
      %dma_wait3A_260 = arith.constant 0 : i32
      %dma_wait3A_261 = tpu.memref_slice %arg6[%dma_wait3A_258, %dma_wait3A_259, %dma_wait3A_260] : memref<4x128x128xf32, #tpu.memory_space<vmem>> -> memref<1x128x128xf32, #tpu.memory_space<vmem>>
      %dma_wait3A_262 = tpu.memref_squeeze %dma_wait3A_261 : memref<1x128x128xf32, #tpu.memory_space<vmem>> -> memref<128x128xf32, #tpu.memory_space<vmem>>
      %dma_wait3A_263 = arith.constant 0 : i32
      %dma_wait3A_264 = arith.constant 0 : i32
      %dma_wait3A_265 = tpu.memref_slice %arg2[%dma_wait3A_263, %dma_wait3A_264] : memref<262144x128xf32, #tpu.memory_space<hbm>> -> memref<128x128xf32, #tpu.memory_space<hbm>>
      %dma_wait3A_266 = arith.constant 0 : i32
      %dma_wait3A_267 = arith.constant 0 : i32
      %dma_wait3A_268 = tpu.memref_slice %arg6[%dma_wait3A_258, %dma_wait3A_266, %dma_wait3A_267] : memref<4x128x128xf32, #tpu.memory_space<vmem>> -> memref<1x128x128xf32, #tpu.memory_space<vmem>>
      %dma_wait3A_269 = tpu.memref_squeeze %dma_wait3A_268 : memref<1x128x128xf32, #tpu.memory_space<vmem>> -> memref<128x128xf32, #tpu.memory_space<vmem>>
      %dma_wait3A_270 = arith.constant 0 : i32
      %dma_wait3A_271 = arith.constant 0 : i32
      %dma_wait3A_272 = tpu.memref_slice %arg2[%dma_wait3A_270, %dma_wait3A_271] : memref<262144x128xf32, #tpu.memory_space<hbm>> -> memref<128x128xf32, #tpu.memory_space<hbm>>
      tpu.wait_dma2 semaphore(%arg11 : memref<!tpu.dma_semaphore, #tpu.memory_space<semaphore_mem>>) src(%dma_wait3A_272 : memref<128x128xf32, #tpu.memory_space<hbm>>) dst(%dma_wait3A_269 : memref<128x128xf32, #tpu.memory_space<vmem>>)
      %ge3A_273 = arith.constant 4 : i32
      %ge3A_274 = arith.cmpi sge, %add3A_248, %ge3A_273 : i32
      %convert_element_type3A_275 = arith.extui %ge3A_274 : i1 to i32
      %cond3A_276 = arith.constant 0 : i32
      %cond3A_277 = arith.cmpi ne, %convert_element_type3A_275, %cond3A_276 : i32
      scf.if %cond3A_277 {
        %dma_wait3A_297 = arith.constant 3 : i32
        %dma_wait3A_298 = arith.constant 0 : i32
        %dma_wait3A_299 = arith.constant 0 : i32
        %dma_wait3A_300 = tpu.memref_slice %arg7[%dma_wait3A_297, %dma_wait3A_298, %dma_wait3A_299] : memref<4x32x128xf32, #tpu.memory_space<vmem>> -> memref<1x32x128xf32, #tpu.memory_space<vmem>>
        %dma_wait3A_301 = tpu.memref_squeeze %dma_wait3A_300 : memref<1x32x128xf32, #tpu.memory_space<vmem>> -> memref<32x128xf32, #tpu.memory_space<vmem>>
        %dma_wait3A_302 = arith.constant 0 : i32
        %dma_wait3A_303 = tpu.memref_slice %arg4[%mul3A_4, %dma_wait3A_302] : memref<65536x128xf32, #tpu.memory_space<hbm>> -> memref<32x128xf32, #tpu.memory_space<hbm>>
        %dma_wait3A_304 = arith.constant 0 : i32
        %dma_wait3A_305 = tpu.memref_slice %arg4[%mul3A_4, %dma_wait3A_304] : memref<65536x128xf32, #tpu.memory_space<hbm>> -> memref<32x128xf32, #tpu.memory_space<hbm>>
        %dma_wait3A_306 = arith.constant 0 : i32
        %dma_wait3A_307 = arith.constant 0 : i32
        %dma_wait3A_308 = tpu.memref_slice %arg7[%dma_wait3A_297, %dma_wait3A_306, %dma_wait3A_307] : memref<4x32x128xf32, #tpu.memory_space<vmem>> -> memref<1x32x128xf32, #tpu.memory_space<vmem>>
        %dma_wait3A_309 = tpu.memref_squeeze %dma_wait3A_308 : memref<1x32x128xf32, #tpu.memory_space<vmem>> -> memref<32x128xf32, #tpu.memory_space<vmem>>
        tpu.wait_dma2 semaphore(%arg15 : memref<!tpu.dma_semaphore, #tpu.memory_space<semaphore_mem>>) src(%dma_wait3A_309 : memref<32x128xf32, #tpu.memory_space<vmem>>) dst(%dma_wait3A_305 : memref<32x128xf32, #tpu.memory_space<hbm>>)
      } else {
      }
      %parallel_loop3A_278 = arith.constant 0 : i32
      %parallel_loop3A_279 = arith.constant 32 : i32
      %parallel_loop3A_280 = arith.constant 1 : i32
      scf.for %parallel_loop3A_297 = %parallel_loop3A_278 to %parallel_loop3A_279 step %parallel_loop3A_280  : i32 {
        %parallel_loop3A_298 = arith.constant 4 : i32
        %parallel_loop3A_299 = arith.muli %parallel_loop3A_297, %parallel_loop3A_298 : i32
        %parallel_loop3A_300 = arith.constant 3 : i32
        %parallel_loop3A_301 = arith.index_cast %parallel_loop3A_300 : i32 to index
        %parallel_loop3A_302 = arith.index_cast %parallel_loop3A_299 : i32 to index
        %parallel_loop3A_303 = arith.constant 0 : index
        %parallel_loop3A_304 = tpu.vector_load %arg6[%parallel_loop3A_301, %parallel_loop3A_302, %parallel_loop3A_303] {strides = array<i32>} : memref<4x128x128xf32, #tpu.memory_space<vmem>>, vector<16xf32>,
        %parallel_loop3A_305 = arith.constant 1 : i32
        %parallel_loop3A_306 = arith.addi %parallel_loop3A_299, %parallel_loop3A_305 : i32
        %parallel_loop3A_307 = arith.constant 3 : i32
        %parallel_loop3A_308 = arith.index_cast %parallel_loop3A_307 : i32 to index
        %parallel_loop3A_309 = arith.index_cast %parallel_loop3A_306 : i32 to index
        %parallel_loop3A_310 = arith.constant 0 : index
        %parallel_loop3A_311 = tpu.vector_load %arg6[%parallel_loop3A_308, %parallel_loop3A_309, %parallel_loop3A_310] {strides = array<i32>} : memref<4x128x128xf32, #tpu.memory_space<vmem>>, vector<16xf32>,
        %parallel_loop3A_312 = arith.maximumf %parallel_loop3A_304, %parallel_loop3A_311 : vector<16xf32>
        %parallel_loop3A_313 = arith.constant 2 : i32
        %parallel_loop3A_314 = arith.addi %parallel_loop3A_299, %parallel_loop3A_313 : i32
        %parallel_loop3A_315 = arith.constant 3 : i32
        %parallel_loop3A_316 = arith.index_cast %parallel_loop3A_315 : i32 to index
        %parallel_loop3A_317 = arith.index_cast %parallel_loop3A_314 : i32 to index
        %parallel_loop3A_318 = arith.constant 0 : index
        %parallel_loop3A_319 = tpu.vector_load %arg6[%parallel_loop3A_316, %parallel_loop3A_317, %parallel_loop3A_318] {strides = array<i32>} : memref<4x128x128xf32, #tpu.memory_space<vmem>>, vector<16xf32>,
        %parallel_loop3A_320 = arith.constant 3 : i32
        %parallel_loop3A_321 = arith.addi %parallel_loop3A_299, %parallel_loop3A_320 : i32
        %parallel_loop3A_322 = arith.constant 3 : i32
        %parallel_loop3A_323 = arith.index_cast %parallel_loop3A_322 : i32 to index
        %parallel_loop3A_324 = arith.index_cast %parallel_loop3A_321 : i32 to index
        %parallel_loop3A_325 = arith.constant 0 : index
        %parallel_loop3A_326 = tpu.vector_load %arg6[%parallel_loop3A_323, %parallel_loop3A_324, %parallel_loop3A_325] {strides = array<i32>} : memref<4x128x128xf32, #tpu.memory_space<vmem>>, vector<16xf32>,
        %parallel_loop3A_327 = arith.maximumf %parallel_loop3A_319, %parallel_loop3A_326 : vector<16xf32>
        %parallel_loop3A_328 = arith.maximumf %parallel_loop3A_312, %parallel_loop3A_327 : vector<16xf32>
        %parallel_loop3A_329 = arith.constant 3 : i32
        %parallel_loop3A_330 = arith.index_cast %parallel_loop3A_329 : i32 to index
        %parallel_loop3A_331 = arith.index_cast %parallel_loop3A_297 : i32 to index
        %parallel_loop3A_332 = arith.constant 0 : index
        %parallel_loop3A_333 = tpu.vector_load %arg7[%parallel_loop3A_330, %parallel_loop3A_331, %parallel_loop3A_332] {strides = array<i32>} : memref<4x32x128xf32, #tpu.memory_space<vmem>>, vector<16xf32>,
        tpu.vector_store %arg7[%parallel_loop3A_330, %parallel_loop3A_331, %parallel_loop3A_332], %parallel_loop3A_328 {strides = array<i32>} : memref<4x32x128xf32, #tpu.memory_space<vmem>>, vector<16xf32>,
        %parallel_loop3A_334 = arith.constant 3 : i32
        %parallel_loop3A_335 = arith.index_cast %parallel_loop3A_334 : i32 to index
        %parallel_loop3A_336 = arith.index_cast %parallel_loop3A_299 : i32 to index
        %parallel_loop3A_337 = arith.constant 16 : index
        %parallel_loop3A_338 = tpu.vector_load %arg6[%parallel_loop3A_335, %parallel_loop3A_336, %parallel_loop3A_337] {strides = array<i32>} : memref<4x128x128xf32, #tpu.memory_space<vmem>>, vector<16xf32>,
        %parallel_loop3A_339 = arith.constant 1 : i32
        %parallel_loop3A_340 = arith.addi %parallel_loop3A_299, %parallel_loop3A_339 : i32
        %parallel_loop3A_341 = arith.constant 3 : i32
        %parallel_loop3A_342 = arith.index_cast %parallel_loop3A_341 : i32 to index
        %parallel_loop3A_343 = arith.index_cast %parallel_loop3A_340 : i32 to index
        %parallel_loop3A_344 = arith.constant 16 : index
        %parallel_loop3A_345 = tpu.vector_load %arg6[%parallel_loop3A_342, %parallel_loop3A_343, %parallel_loop3A_344] {strides = array<i32>} : memref<4x128x128xf32, #tpu.memory_space<vmem>>, vector<16xf32>,
        %parallel_loop3A_346 = arith.maximumf %parallel_loop3A_338, %parallel_loop3A_345 : vector<16xf32>
        %parallel_loop3A_347 = arith.constant 2 : i32
        %parallel_loop3A_348 = arith.addi %parallel_loop3A_299, %parallel_loop3A_347 : i32
        %parallel_loop3A_349 = arith.constant 3 : i32
        %parallel_loop3A_350 = arith.index_cast %parallel_loop3A_349 : i32 to index
        %parallel_loop3A_351 = arith.index_cast %parallel_loop3A_348 : i32 to index
        %parallel_loop3A_352 = arith.constant 16 : index
        %parallel_loop3A_353 = tpu.vector_load %arg6[%parallel_loop3A_350, %parallel_loop3A_351, %parallel_loop3A_352] {strides = array<i32>} : memref<4x128x128xf32, #tpu.memory_space<vmem>>, vector<16xf32>,
        %parallel_loop3A_354 = arith.constant 3 : i32
        %parallel_loop3A_355 = arith.addi %parallel_loop3A_299, %parallel_loop3A_354 : i32
        %parallel_loop3A_356 = arith.constant 3 : i32
        %parallel_loop3A_357 = arith.index_cast %parallel_loop3A_356 : i32 to index
        %parallel_loop3A_358 = arith.index_cast %parallel_loop3A_355 : i32 to index
        %parallel_loop3A_359 = arith.constant 16 : index
        %parallel_loop3A_360 = tpu.vector_load %arg6[%parallel_loop3A_357, %parallel_loop3A_358, %parallel_loop3A_359] {strides = array<i32>} : memref<4x128x128xf32, #tpu.memory_space<vmem>>, vector<16xf32>,
        %parallel_loop3A_361 = arith.maximumf %parallel_loop3A_353, %parallel_loop3A_360 : vector<16xf32>
        %parallel_loop3A_362 = arith.maximumf %parallel_loop3A_346, %parallel_loop3A_361 : vector<16xf32>
        %parallel_loop3A_363 = arith.constant 3 : i32
        %parallel_loop3A_364 = arith.index_cast %parallel_loop3A_363 : i32 to index
        %parallel_loop3A_365 = arith.index_cast %parallel_loop3A_297 : i32 to index
        %parallel_loop3A_366 = arith.constant 16 : index
        %parallel_loop3A_367 = tpu.vector_load %arg7[%parallel_loop3A_364, %parallel_loop3A_365, %parallel_loop3A_366] {strides = array<i32>} : memref<4x32x128xf32, #tpu.memory_space<vmem>>, vector<16xf32>,
        tpu.vector_store %arg7[%parallel_loop3A_364, %parallel_loop3A_365, %parallel_loop3A_366], %parallel_loop3A_362 {strides = array<i32>} : memref<4x32x128xf32, #tpu.memory_space<vmem>>, vector<16xf32>,
        %parallel_loop3A_368 = arith.constant 3 : i32
        %parallel_loop3A_369 = arith.index_cast %parallel_loop3A_368 : i32 to index
        %parallel_loop3A_370 = arith.index_cast %parallel_loop3A_299 : i32 to index
        %parallel_loop3A_371 = arith.constant 32 : index
        %parallel_loop3A_372 = tpu.vector_load %arg6[%parallel_loop3A_369, %parallel_loop3A_370, %parallel_loop3A_371] {strides = array<i32>} : memref<4x128x128xf32, #tpu.memory_space<vmem>>, vector<16xf32>,
        %parallel_loop3A_373 = arith.constant 1 : i32
        %parallel_loop3A_374 = arith.addi %parallel_loop3A_299, %parallel_loop3A_373 : i32
        %parallel_loop3A_375 = arith.constant 3 : i32
        %parallel_loop3A_376 = arith.index_cast %parallel_loop3A_375 : i32 to index
        %parallel_loop3A_377 = arith.index_cast %parallel_loop3A_374 : i32 to index
        %parallel_loop3A_378 = arith.constant 32 : index
        %parallel_loop3A_379 = tpu.vector_load %arg6[%parallel_loop3A_376, %parallel_loop3A_377, %parallel_loop3A_378] {strides = array<i32>} : memref<4x128x128xf32, #tpu.memory_space<vmem>>, vector<16xf32>,
        %parallel_loop3A_380 = arith.maximumf %parallel_loop3A_372, %parallel_loop3A_379 : vector<16xf32>
        %parallel_loop3A_381 = arith.constant 2 : i32
        %parallel_loop3A_382 = arith.addi %parallel_loop3A_299, %parallel_loop3A_381 : i32
        %parallel_loop3A_383 = arith.constant 3 : i32
        %parallel_loop3A_384 = arith.index_cast %parallel_loop3A_383 : i32 to index
        %parallel_loop3A_385 = arith.index_cast %parallel_loop3A_382 : i32 to index
        %parallel_loop3A_386 = arith.constant 32 : index
        %parallel_loop3A_387 = tpu.vector_load %arg6[%parallel_loop3A_384, %parallel_loop3A_385, %parallel_loop3A_386] {strides = array<i32>} : memref<4x128x128xf32, #tpu.memory_space<vmem>>, vector<16xf32>,
        %parallel_loop3A_388 = arith.constant 3 : i32
        %parallel_loop3A_389 = arith.addi %parallel_loop3A_299, %parallel_loop3A_388 : i32
        %parallel_loop3A_390 = arith.constant 3 : i32
        %parallel_loop3A_391 = arith.index_cast %parallel_loop3A_390 : i32 to index
        %parallel_loop3A_392 = arith.index_cast %parallel_loop3A_389 : i32 to index
        %parallel_loop3A_393 = arith.constant 32 : index
        %parallel_loop3A_394 = tpu.vector_load %arg6[%parallel_loop3A_391, %parallel_loop3A_392, %parallel_loop3A_393] {strides = array<i32>} : memref<4x128x128xf32, #tpu.memory_space<vmem>>, vector<16xf32>,
        %parallel_loop3A_395 = arith.maximumf %parallel_loop3A_387, %parallel_loop3A_394 : vector<16xf32>
        %parallel_loop3A_396 = arith.maximumf %parallel_loop3A_380, %parallel_loop3A_395 : vector<16xf32>
        %parallel_loop3A_397 = arith.constant 3 : i32
        %parallel_loop3A_398 = arith.index_cast %parallel_loop3A_397 : i32 to index
        %parallel_loop3A_399 = arith.index_cast %parallel_loop3A_297 : i32 to index
        %parallel_loop3A_400 = arith.constant 32 : index
        %parallel_loop3A_401 = tpu.vector_load %arg7[%parallel_loop3A_398, %parallel_loop3A_399, %parallel_loop3A_400] {strides = array<i32>} : memref<4x32x128xf32, #tpu.memory_space<vmem>>, vector<16xf32>,
        tpu.vector_store %arg7[%parallel_loop3A_398, %parallel_loop3A_399, %parallel_loop3A_400], %parallel_loop3A_396 {strides = array<i32>} : memref<4x32x128xf32, #tpu.memory_space<vmem>>, vector<16xf32>,
        %parallel_loop3A_402 = arith.constant 3 : i32
        %parallel_loop3A_403 = arith.index_cast %parallel_loop3A_402 : i32 to index
        %parallel_loop3A_404 = arith.index_cast %parallel_loop3A_299 : i32 to index
        %parallel_loop3A_405 = arith.constant 48 : index
        %parallel_loop3A_406 = tpu.vector_load %arg6[%parallel_loop3A_403, %parallel_loop3A_404, %parallel_loop3A_405] {strides = array<i32>} : memref<4x128x128xf32, #tpu.memory_space<vmem>>, vector<16xf32>,
        %parallel_loop3A_407 = arith.constant 1 : i32
        %parallel_loop3A_408 = arith.addi %parallel_loop3A_299, %parallel_loop3A_407 : i32
        %parallel_loop3A_409 = arith.constant 3 : i32
        %parallel_loop3A_410 = arith.index_cast %parallel_loop3A_409 : i32 to index
        %parallel_loop3A_411 = arith.index_cast %parallel_loop3A_408 : i32 to index
        %parallel_loop3A_412 = arith.constant 48 : index
        %parallel_loop3A_413 = tpu.vector_load %arg6[%parallel_loop3A_410, %parallel_loop3A_411, %parallel_loop3A_412] {strides = array<i32>} : memref<4x128x128xf32, #tpu.memory_space<vmem>>, vector<16xf32>,
        %parallel_loop3A_414 = arith.maximumf %parallel_loop3A_406, %parallel_loop3A_413 : vector<16xf32>
        %parallel_loop3A_415 = arith.constant 2 : i32
        %parallel_loop3A_416 = arith.addi %parallel_loop3A_299, %parallel_loop3A_415 : i32
        %parallel_loop3A_417 = arith.constant 3 : i32
        %parallel_loop3A_418 = arith.index_cast %parallel_loop3A_417 : i32 to index
        %parallel_loop3A_419 = arith.index_cast %parallel_loop3A_416 : i32 to index
        %parallel_loop3A_420 = arith.constant 48 : index
        %parallel_loop3A_421 = tpu.vector_load %arg6[%parallel_loop3A_418, %parallel_loop3A_419, %parallel_loop3A_420] {strides = array<i32>} : memref<4x128x128xf32, #tpu.memory_space<vmem>>, vector<16xf32>,
        %parallel_loop3A_422 = arith.constant 3 : i32
        %parallel_loop3A_423 = arith.addi %parallel_loop3A_299, %parallel_loop3A_422 : i32
        %parallel_loop3A_424 = arith.constant 3 : i32
        %parallel_loop3A_425 = arith.index_cast %parallel_loop3A_424 : i32 to index
        %parallel_loop3A_426 = arith.index_cast %parallel_loop3A_423 : i32 to index
        %parallel_loop3A_427 = arith.constant 48 : index
        %parallel_loop3A_428 = tpu.vector_load %arg6[%parallel_loop3A_425, %parallel_loop3A_426, %parallel_loop3A_427] {strides = array<i32>} : memref<4x128x128xf32, #tpu.memory_space<vmem>>, vector<16xf32>,
        %parallel_loop3A_429 = arith.maximumf %parallel_loop3A_421, %parallel_loop3A_428 : vector<16xf32>
        %parallel_loop3A_430 = arith.maximumf %parallel_loop3A_414, %parallel_loop3A_429 : vector<16xf32>
        %parallel_loop3A_431 = arith.constant 3 : i32
        %parallel_loop3A_432 = arith.index_cast %parallel_loop3A_431 : i32 to index
        %parallel_loop3A_433 = arith.index_cast %parallel_loop3A_297 : i32 to index
        %parallel_loop3A_434 = arith.constant 48 : index
        %parallel_loop3A_435 = tpu.vector_load %arg7[%parallel_loop3A_432, %parallel_loop3A_433, %parallel_loop3A_434] {strides = array<i32>} : memref<4x32x128xf32, #tpu.memory_space<vmem>>, vector<16xf32>,
        tpu.vector_store %arg7[%parallel_loop3A_432, %parallel_loop3A_433, %parallel_loop3A_434], %parallel_loop3A_430 {strides = array<i32>} : memref<4x32x128xf32, #tpu.memory_space<vmem>>, vector<16xf32>,
        %parallel_loop3A_436 = arith.constant 3 : i32
        %parallel_loop3A_437 = arith.index_cast %parallel_loop3A_436 : i32 to index
        %parallel_loop3A_438 = arith.index_cast %parallel_loop3A_299 : i32 to index
        %parallel_loop3A_439 = arith.constant 64 : index
        %parallel_loop3A_440 = tpu.vector_load %arg6[%parallel_loop3A_437, %parallel_loop3A_438, %parallel_loop3A_439] {strides = array<i32>} : memref<4x128x128xf32, #tpu.memory_space<vmem>>, vector<16xf32>,
        %parallel_loop3A_441 = arith.constant 1 : i32
        %parallel_loop3A_442 = arith.addi %parallel_loop3A_299, %parallel_loop3A_441 : i32
        %parallel_loop3A_443 = arith.constant 3 : i32
        %parallel_loop3A_444 = arith.index_cast %parallel_loop3A_443 : i32 to index
        %parallel_loop3A_445 = arith.index_cast %parallel_loop3A_442 : i32 to index
        %parallel_loop3A_446 = arith.constant 64 : index
        %parallel_loop3A_447 = tpu.vector_load %arg6[%parallel_loop3A_444, %parallel_loop3A_445, %parallel_loop3A_446] {strides = array<i32>} : memref<4x128x128xf32, #tpu.memory_space<vmem>>, vector<16xf32>,
        %parallel_loop3A_448 = arith.maximumf %parallel_loop3A_440, %parallel_loop3A_447 : vector<16xf32>
        %parallel_loop3A_449 = arith.constant 2 : i32
        %parallel_loop3A_450 = arith.addi %parallel_loop3A_299, %parallel_loop3A_449 : i32
        %parallel_loop3A_451 = arith.constant 3 : i32
        %parallel_loop3A_452 = arith.index_cast %parallel_loop3A_451 : i32 to index
        %parallel_loop3A_453 = arith.index_cast %parallel_loop3A_450 : i32 to index
        %parallel_loop3A_454 = arith.constant 64 : index
        %parallel_loop3A_455 = tpu.vector_load %arg6[%parallel_loop3A_452, %parallel_loop3A_453, %parallel_loop3A_454] {strides = array<i32>} : memref<4x128x128xf32, #tpu.memory_space<vmem>>, vector<16xf32>,
        %parallel_loop3A_456 = arith.constant 3 : i32
        %parallel_loop3A_457 = arith.addi %parallel_loop3A_299, %parallel_loop3A_456 : i32
        %parallel_loop3A_458 = arith.constant 3 : i32
        %parallel_loop3A_459 = arith.index_cast %parallel_loop3A_458 : i32 to index
        %parallel_loop3A_460 = arith.index_cast %parallel_loop3A_457 : i32 to index
        %parallel_loop3A_461 = arith.constant 64 : index
        %parallel_loop3A_462 = tpu.vector_load %arg6[%parallel_loop3A_459, %parallel_loop3A_460, %parallel_loop3A_461] {strides = array<i32>} : memref<4x128x128xf32, #tpu.memory_space<vmem>>, vector<16xf32>,
        %parallel_loop3A_463 = arith.maximumf %parallel_loop3A_455, %parallel_loop3A_462 : vector<16xf32>
        %parallel_loop3A_464 = arith.maximumf %parallel_loop3A_448, %parallel_loop3A_463 : vector<16xf32>
        %parallel_loop3A_465 = arith.constant 3 : i32
        %parallel_loop3A_466 = arith.index_cast %parallel_loop3A_465 : i32 to index
        %parallel_loop3A_467 = arith.index_cast %parallel_loop3A_297 : i32 to index
        %parallel_loop3A_468 = arith.constant 64 : index
        %parallel_loop3A_469 = tpu.vector_load %arg7[%parallel_loop3A_466, %parallel_loop3A_467, %parallel_loop3A_468] {strides = array<i32>} : memref<4x32x128xf32, #tpu.memory_space<vmem>>, vector<16xf32>,
        tpu.vector_store %arg7[%parallel_loop3A_466, %parallel_loop3A_467, %parallel_loop3A_468], %parallel_loop3A_464 {strides = array<i32>} : memref<4x32x128xf32, #tpu.memory_space<vmem>>, vector<16xf32>,
        %parallel_loop3A_470 = arith.constant 3 : i32
        %parallel_loop3A_471 = arith.index_cast %parallel_loop3A_470 : i32 to index
        %parallel_loop3A_472 = arith.index_cast %parallel_loop3A_299 : i32 to index
        %parallel_loop3A_473 = arith.constant 80 : index
        %parallel_loop3A_474 = tpu.vector_load %arg6[%parallel_loop3A_471, %parallel_loop3A_472, %parallel_loop3A_473] {strides = array<i32>} : memref<4x128x128xf32, #tpu.memory_space<vmem>>, vector<16xf32>,
        %parallel_loop3A_475 = arith.constant 1 : i32
        %parallel_loop3A_476 = arith.addi %parallel_loop3A_299, %parallel_loop3A_475 : i32
        %parallel_loop3A_477 = arith.constant 3 : i32
        %parallel_loop3A_478 = arith.index_cast %parallel_loop3A_477 : i32 to index
        %parallel_loop3A_479 = arith.index_cast %parallel_loop3A_476 : i32 to index
        %parallel_loop3A_480 = arith.constant 80 : index
        %parallel_loop3A_481 = tpu.vector_load %arg6[%parallel_loop3A_478, %parallel_loop3A_479, %parallel_loop3A_480] {strides = array<i32>} : memref<4x128x128xf32, #tpu.memory_space<vmem>>, vector<16xf32>,
        %parallel_loop3A_482 = arith.maximumf %parallel_loop3A_474, %parallel_loop3A_481 : vector<16xf32>
        %parallel_loop3A_483 = arith.constant 2 : i32
        %parallel_loop3A_484 = arith.addi %parallel_loop3A_299, %parallel_loop3A_483 : i32
        %parallel_loop3A_485 = arith.constant 3 : i32
        %parallel_loop3A_486 = arith.index_cast %parallel_loop3A_485 : i32 to index
        %parallel_loop3A_487 = arith.index_cast %parallel_loop3A_484 : i32 to index
        %parallel_loop3A_488 = arith.constant 80 : index
        %parallel_loop3A_489 = tpu.vector_load %arg6[%parallel_loop3A_486, %parallel_loop3A_487, %parallel_loop3A_488] {strides = array<i32>} : memref<4x128x128xf32, #tpu.memory_space<vmem>>, vector<16xf32>,
        %parallel_loop3A_490 = arith.constant 3 : i32
        %parallel_loop3A_491 = arith.addi %parallel_loop3A_299, %parallel_loop3A_490 : i32
        %parallel_loop3A_492 = arith.constant 3 : i32
        %parallel_loop3A_493 = arith.index_cast %parallel_loop3A_492 : i32 to index
        %parallel_loop3A_494 = arith.index_cast %parallel_loop3A_491 : i32 to index
        %parallel_loop3A_495 = arith.constant 80 : index
        %parallel_loop3A_496 = tpu.vector_load %arg6[%parallel_loop3A_493, %parallel_loop3A_494, %parallel_loop3A_495] {strides = array<i32>} : memref<4x128x128xf32, #tpu.memory_space<vmem>>, vector<16xf32>,
        %parallel_loop3A_497 = arith.maximumf %parallel_loop3A_489, %parallel_loop3A_496 : vector<16xf32>
        %parallel_loop3A_498 = arith.maximumf %parallel_loop3A_482, %parallel_loop3A_497 : vector<16xf32>
        %parallel_loop3A_499 = arith.constant 3 : i32
        %parallel_loop3A_500 = arith.index_cast %parallel_loop3A_499 : i32 to index
        %parallel_loop3A_501 = arith.index_cast %parallel_loop3A_297 : i32 to index
        %parallel_loop3A_502 = arith.constant 80 : index
        %parallel_loop3A_503 = tpu.vector_load %arg7[%parallel_loop3A_500, %parallel_loop3A_501, %parallel_loop3A_502] {strides = array<i32>} : memref<4x32x128xf32, #tpu.memory_space<vmem>>, vector<16xf32>,
        tpu.vector_store %arg7[%parallel_loop3A_500, %parallel_loop3A_501, %parallel_loop3A_502], %parallel_loop3A_498 {strides = array<i32>} : memref<4x32x128xf32, #tpu.memory_space<vmem>>, vector<16xf32>,
        %parallel_loop3A_504 = arith.constant 3 : i32
        %parallel_loop3A_505 = arith.index_cast %parallel_loop3A_504 : i32 to index
        %parallel_loop3A_506 = arith.index_cast %parallel_loop3A_299 : i32 to index
        %parallel_loop3A_507 = arith.constant 96 : index
        %parallel_loop3A_508 = tpu.vector_load %arg6[%parallel_loop3A_505, %parallel_loop3A_506, %parallel_loop3A_507] {strides = array<i32>} : memref<4x128x128xf32, #tpu.memory_space<vmem>>, vector<16xf32>,
        %parallel_loop3A_509 = arith.constant 1 : i32
        %parallel_loop3A_510 = arith.addi %parallel_loop3A_299, %parallel_loop3A_509 : i32
        %parallel_loop3A_511 = arith.constant 3 : i32
        %parallel_loop3A_512 = arith.index_cast %parallel_loop3A_511 : i32 to index
        %parallel_loop3A_513 = arith.index_cast %parallel_loop3A_510 : i32 to index
        %parallel_loop3A_514 = arith.constant 96 : index
        %parallel_loop3A_515 = tpu.vector_load %arg6[%parallel_loop3A_512, %parallel_loop3A_513, %parallel_loop3A_514] {strides = array<i32>} : memref<4x128x128xf32, #tpu.memory_space<vmem>>, vector<16xf32>,
        %parallel_loop3A_516 = arith.maximumf %parallel_loop3A_508, %parallel_loop3A_515 : vector<16xf32>
        %parallel_loop3A_517 = arith.constant 2 : i32
        %parallel_loop3A_518 = arith.addi %parallel_loop3A_299, %parallel_loop3A_517 : i32
        %parallel_loop3A_519 = arith.constant 3 : i32
        %parallel_loop3A_520 = arith.index_cast %parallel_loop3A_519 : i32 to index
        %parallel_loop3A_521 = arith.index_cast %parallel_loop3A_518 : i32 to index
        %parallel_loop3A_522 = arith.constant 96 : index
        %parallel_loop3A_523 = tpu.vector_load %arg6[%parallel_loop3A_520, %parallel_loop3A_521, %parallel_loop3A_522] {strides = array<i32>} : memref<4x128x128xf32, #tpu.memory_space<vmem>>, vector<16xf32>,
        %parallel_loop3A_524 = arith.constant 3 : i32
        %parallel_loop3A_525 = arith.addi %parallel_loop3A_299, %parallel_loop3A_524 : i32
        %parallel_loop3A_526 = arith.constant 3 : i32
        %parallel_loop3A_527 = arith.index_cast %parallel_loop3A_526 : i32 to index
        %parallel_loop3A_528 = arith.index_cast %parallel_loop3A_525 : i32 to index
        %parallel_loop3A_529 = arith.constant 96 : index
        %parallel_loop3A_530 = tpu.vector_load %arg6[%parallel_loop3A_527, %parallel_loop3A_528, %parallel_loop3A_529] {strides = array<i32>} : memref<4x128x128xf32, #tpu.memory_space<vmem>>, vector<16xf32>,
        %parallel_loop3A_531 = arith.maximumf %parallel_loop3A_523, %parallel_loop3A_530 : vector<16xf32>
        %parallel_loop3A_532 = arith.maximumf %parallel_loop3A_516, %parallel_loop3A_531 : vector<16xf32>
        %parallel_loop3A_533 = arith.constant 3 : i32
        %parallel_loop3A_534 = arith.index_cast %parallel_loop3A_533 : i32 to index
        %parallel_loop3A_535 = arith.index_cast %parallel_loop3A_297 : i32 to index
        %parallel_loop3A_536 = arith.constant 96 : index
        %parallel_loop3A_537 = tpu.vector_load %arg7[%parallel_loop3A_534, %parallel_loop3A_535, %parallel_loop3A_536] {strides = array<i32>} : memref<4x32x128xf32, #tpu.memory_space<vmem>>, vector<16xf32>,
        tpu.vector_store %arg7[%parallel_loop3A_534, %parallel_loop3A_535, %parallel_loop3A_536], %parallel_loop3A_532 {strides = array<i32>} : memref<4x32x128xf32, #tpu.memory_space<vmem>>, vector<16xf32>,
        %parallel_loop3A_538 = arith.constant 3 : i32
        %parallel_loop3A_539 = arith.index_cast %parallel_loop3A_538 : i32 to index
        %parallel_loop3A_540 = arith.index_cast %parallel_loop3A_299 : i32 to index
        %parallel_loop3A_541 = arith.constant 112 : index
        %parallel_loop3A_542 = tpu.vector_load %arg6[%parallel_loop3A_539, %parallel_loop3A_540, %parallel_loop3A_541] {strides = array<i32>} : memref<4x128x128xf32, #tpu.memory_space<vmem>>, vector<16xf32>,
        %parallel_loop3A_543 = arith.constant 1 : i32
        %parallel_loop3A_544 = arith.addi %parallel_loop3A_299, %parallel_loop3A_543 : i32
        %parallel_loop3A_545 = arith.constant 3 : i32
        %parallel_loop3A_546 = arith.index_cast %parallel_loop3A_545 : i32 to index
        %parallel_loop3A_547 = arith.index_cast %parallel_loop3A_544 : i32 to index
        %parallel_loop3A_548 = arith.constant 112 : index
        %parallel_loop3A_549 = tpu.vector_load %arg6[%parallel_loop3A_546, %parallel_loop3A_547, %parallel_loop3A_548] {strides = array<i32>} : memref<4x128x128xf32, #tpu.memory_space<vmem>>, vector<16xf32>,
        %parallel_loop3A_550 = arith.maximumf %parallel_loop3A_542, %parallel_loop3A_549 : vector<16xf32>
        %parallel_loop3A_551 = arith.constant 2 : i32
        %parallel_loop3A_552 = arith.addi %parallel_loop3A_299, %parallel_loop3A_551 : i32
        %parallel_loop3A_553 = arith.constant 3 : i32
        %parallel_loop3A_554 = arith.index_cast %parallel_loop3A_553 : i32 to index
        %parallel_loop3A_555 = arith.index_cast %parallel_loop3A_552 : i32 to index
        %parallel_loop3A_556 = arith.constant 112 : index
        %parallel_loop3A_557 = tpu.vector_load %arg6[%parallel_loop3A_554, %parallel_loop3A_555, %parallel_loop3A_556] {strides = array<i32>} : memref<4x128x128xf32, #tpu.memory_space<vmem>>, vector<16xf32>,
        %parallel_loop3A_558 = arith.constant 3 : i32
        %parallel_loop3A_559 = arith.addi %parallel_loop3A_299, %parallel_loop3A_558 : i32
        %parallel_loop3A_560 = arith.constant 3 : i32
        %parallel_loop3A_561 = arith.index_cast %parallel_loop3A_560 : i32 to index
        %parallel_loop3A_562 = arith.index_cast %parallel_loop3A_559 : i32 to index
        %parallel_loop3A_563 = arith.constant 112 : index
        %parallel_loop3A_564 = tpu.vector_load %arg6[%parallel_loop3A_561, %parallel_loop3A_562, %parallel_loop3A_563] {strides = array<i32>} : memref<4x128x128xf32, #tpu.memory_space<vmem>>, vector<16xf32>,
        %parallel_loop3A_565 = arith.maximumf %parallel_loop3A_557, %parallel_loop3A_564 : vector<16xf32>
        %parallel_loop3A_566 = arith.maximumf %parallel_loop3A_550, %parallel_loop3A_565 : vector<16xf32>
        %parallel_loop3A_567 = arith.constant 3 : i32
        %parallel_loop3A_568 = arith.index_cast %parallel_loop3A_567 : i32 to index
        %parallel_loop3A_569 = arith.index_cast %parallel_loop3A_297 : i32 to index
        %parallel_loop3A_570 = arith.constant 112 : index
        %parallel_loop3A_571 = tpu.vector_load %arg7[%parallel_loop3A_568, %parallel_loop3A_569, %parallel_loop3A_570] {strides = array<i32>} : memref<4x32x128xf32, #tpu.memory_space<vmem>>, vector<16xf32>,
        tpu.vector_store %arg7[%parallel_loop3A_568, %parallel_loop3A_569, %parallel_loop3A_570], %parallel_loop3A_566 {strides = array<i32>} : memref<4x32x128xf32, #tpu.memory_space<vmem>>, vector<16xf32>,
      } {sc.loop_unroll_factor = 4 : i64, sc.parallel_access}
      %mul3A_281 = arith.constant 32 : i32
      %mul3A_282 = arith.muli %add3A_248, %mul3A_281 : i32
      %add3A_283 = arith.addi %mul3A_4, %mul3A_282 : i32
      %dma_start3A_284 = arith.constant 3 : i32
      %dma_start3A_285 = arith.constant 0 : i32
      %dma_start3A_286 = arith.constant 0 : i32
      %dma_start3A_287 = tpu.memref_slice %arg7[%dma_start3A_284, %dma_start3A_285, %dma_start3A_286] : memref<4x32x128xf32, #tpu.memory_space<vmem>> -> memref<1x32x128xf32, #tpu.memory_space<vmem>>
      %dma_start3A_288 = tpu.memref_squeeze %dma_start3A_287 : memref<1x32x128xf32, #tpu.memory_space<vmem>> -> memref<32x128xf32, #tpu.memory_space<vmem>>
      %dma_start3A_289 = arith.constant 0 : i32
      %dma_start3A_290 = tpu.memref_slice %arg4[%add3A_283, %dma_start3A_289] : memref<65536x128xf32, #tpu.memory_space<hbm>> -> memref<32x128xf32, #tpu.memory_space<hbm>>
      %dma_start3A_291 = arith.constant 0 : i32
      %dma_start3A_292 = tpu.memref_slice %arg4[%add3A_283, %dma_start3A_291] : memref<65536x128xf32, #tpu.memory_space<hbm>> -> memref<32x128xf32, #tpu.memory_space<hbm>>
      %dma_start3A_293 = arith.constant 0 : i32
      %dma_start3A_294 = arith.constant 0 : i32
      %dma_start3A_295 = tpu.memref_slice %arg7[%dma_start3A_284, %dma_start3A_293, %dma_start3A_294] : memref<4x32x128xf32, #tpu.memory_space<vmem>> -> memref<1x32x128xf32, #tpu.memory_space<vmem>>
      %dma_start3A_296 = tpu.memref_squeeze %dma_start3A_295 : memref<1x32x128xf32, #tpu.memory_space<vmem>> -> memref<32x128xf32, #tpu.memory_space<vmem>>
      tpu.enqueue_dma source(%dma_start3A_296 : memref<32x128xf32, #tpu.memory_space<vmem>>) target(%dma_start3A_292 : memref<32x128xf32, #tpu.memory_space<hbm>>) target_semaphore(%arg15 : memref<!tpu.dma_semaphore, #tpu.memory_space<semaphore_mem>>)
    }
    %scan3A_45 = arith.constant 16 : i32
    %dma_wait3A = arith.constant 0 : i32
    %dma_wait3A_46 = arith.constant 0 : i32
    %dma_wait3A_47 = arith.constant 0 : i32
    %dma_wait3A_48 = tpu.memref_slice %arg7[%dma_wait3A, %dma_wait3A_46, %dma_wait3A_47] : memref<4x32x128xf32, #tpu.memory_space<vmem>> -> memref<1x32x128xf32, #tpu.memory_space<vmem>>
    %dma_wait3A_49 = tpu.memref_squeeze %dma_wait3A_48 : memref<1x32x128xf32, #tpu.memory_space<vmem>> -> memref<32x128xf32, #tpu.memory_space<vmem>>
    %dma_wait3A_50 = arith.constant 0 : i32
    %dma_wait3A_51 = tpu.memref_slice %arg4[%mul3A_4, %dma_wait3A_50] : memref<65536x128xf32, #tpu.memory_space<hbm>> -> memref<32x128xf32, #tpu.memory_space<hbm>>
    %dma_wait3A_52 = arith.constant 0 : i32
    %dma_wait3A_53 = tpu.memref_slice %arg4[%mul3A_4, %dma_wait3A_52] : memref<65536x128xf32, #tpu.memory_space<hbm>> -> memref<32x128xf32, #tpu.memory_space<hbm>>
    %dma_wait3A_54 = arith.constant 0 : i32
    %dma_wait3A_55 = arith.constant 0 : i32
    %dma_wait3A_56 = tpu.memref_slice %arg7[%dma_wait3A, %dma_wait3A_54, %dma_wait3A_55] : memref<4x32x128xf32, #tpu.memory_space<vmem>> -> memref<1x32x128xf32, #tpu.memory_space<vmem>>
    %dma_wait3A_57 = tpu.memref_squeeze %dma_wait3A_56 : memref<1x32x128xf32, #tpu.memory_space<vmem>> -> memref<32x128xf32, #tpu.memory_space<vmem>>
    tpu.wait_dma2 semaphore(%arg12 : memref<!tpu.dma_semaphore, #tpu.memory_space<semaphore_mem>>) src(%dma_wait3A_57 : memref<32x128xf32, #tpu.memory_space<vmem>>) dst(%dma_wait3A_53 : memref<32x128xf32, #tpu.memory_space<hbm>>)
    %dma_wait3A_58 = arith.constant 1 : i32
    %dma_wait3A_59 = arith.constant 0 : i32
    %dma_wait3A_60 = arith.constant 0 : i32
    %dma_wait3A_61 = tpu.memref_slice %arg7[%dma_wait3A_58, %dma_wait3A_59, %dma_wait3A_60] : memref<4x32x128xf32, #tpu.memory_space<vmem>> -> memref<1x32x128xf32, #tpu.memory_space<vmem>>
    %dma_wait3A_62 = tpu.memref_squeeze %dma_wait3A_61 : memref<1x32x128xf32, #tpu.memory_space<vmem>> -> memref<32x128xf32, #tpu.memory_space<vmem>>
    %dma_wait3A_63 = arith.constant 0 : i32
    %dma_wait3A_64 = tpu.memref_slice %arg4[%mul3A_4, %dma_wait3A_63] : memref<65536x128xf32, #tpu.memory_space<hbm>> -> memref<32x128xf32, #tpu.memory_space<hbm>>
    %dma_wait3A_65 = arith.constant 0 : i32
    %dma_wait3A_66 = tpu.memref_slice %arg4[%mul3A_4, %dma_wait3A_65] : memref<65536x128xf32, #tpu.memory_space<hbm>> -> memref<32x128xf32, #tpu.memory_space<hbm>>
    %dma_wait3A_67 = arith.constant 0 : i32
    %dma_wait3A_68 = arith.constant 0 : i32
    %dma_wait3A_69 = tpu.memref_slice %arg7[%dma_wait3A_58, %dma_wait3A_67, %dma_wait3A_68] : memref<4x32x128xf32, #tpu.memory_space<vmem>> -> memref<1x32x128xf32, #tpu.memory_space<vmem>>
    %dma_wait3A_70 = tpu.memref_squeeze %dma_wait3A_69 : memref<1x32x128xf32, #tpu.memory_space<vmem>> -> memref<32x128xf32, #tpu.memory_space<vmem>>
    tpu.wait_dma2 semaphore(%arg13 : memref<!tpu.dma_semaphore, #tpu.memory_space<semaphore_mem>>) src(%dma_wait3A_70 : memref<32x128xf32, #tpu.memory_space<vmem>>) dst(%dma_wait3A_66 : memref<32x128xf32, #tpu.memory_space<hbm>>)
    %dma_wait3A_71 = arith.constant 2 : i32
    %dma_wait3A_72 = arith.constant 0 : i32
    %dma_wait3A_73 = arith.constant 0 : i32
    %dma_wait3A_74 = tpu.memref_slice %arg7[%dma_wait3A_71, %dma_wait3A_72, %dma_wait3A_73] : memref<4x32x128xf32, #tpu.memory_space<vmem>> -> memref<1x32x128xf32, #tpu.memory_space<vmem>>
    %dma_wait3A_75 = tpu.memref_squeeze %dma_wait3A_74 : memref<1x32x128xf32, #tpu.memory_space<vmem>> -> memref<32x128xf32, #tpu.memory_space<vmem>>
    %dma_wait3A_76 = arith.constant 0 : i32
    %dma_wait3A_77 = tpu.memref_slice %arg4[%mul3A_4, %dma_wait3A_76] : memref<65536x128xf32, #tpu.memory_space<hbm>> -> memref<32x128xf32, #tpu.memory_space<hbm>>
    %dma_wait3A_78 = arith.constant 0 : i32
    %dma_wait3A_79 = tpu.memref_slice %arg4[%mul3A_4, %dma_wait3A_78] : memref<65536x128xf32, #tpu.memory_space<hbm>> -> memref<32x128xf32, #tpu.memory_space<hbm>>
    %dma_wait3A_80 = arith.constant 0 : i32
    %dma_wait3A_81 = arith.constant 0 : i32
    %dma_wait3A_82 = tpu.memref_slice %arg7[%dma_wait3A_71, %dma_wait3A_80, %dma_wait3A_81] : memref<4x32x128xf32, #tpu.memory_space<vmem>> -> memref<1x32x128xf32, #tpu.memory_space<vmem>>
    %dma_wait3A_83 = tpu.memref_squeeze %dma_wait3A_82 : memref<1x32x128xf32, #tpu.memory_space<vmem>> -> memref<32x128xf32, #tpu.memory_space<vmem>>
    tpu.wait_dma2 semaphore(%arg14 : memref<!tpu.dma_semaphore, #tpu.memory_space<semaphore_mem>>) src(%dma_wait3A_83 : memref<32x128xf32, #tpu.memory_space<vmem>>) dst(%dma_wait3A_79 : memref<32x128xf32, #tpu.memory_space<hbm>>)
    %dma_wait3A_84 = arith.constant 3 : i32
    %dma_wait3A_85 = arith.constant 0 : i32
    %dma_wait3A_86 = arith.constant 0 : i32
    %dma_wait3A_87 = tpu.memref_slice %arg7[%dma_wait3A_84, %dma_wait3A_85, %dma_wait3A_86] : memref<4x32x128xf32, #tpu.memory_space<vmem>> -> memref<1x32x128xf32, #tpu.memory_space<vmem>>
    %dma_wait3A_88 = tpu.memref_squeeze %dma_wait3A_87 : memref<1x32x128xf32, #tpu.memory_space<vmem>> -> memref<32x128xf32, #tpu.memory_space<vmem>>
    %dma_wait3A_89 = arith.constant 0 : i32
    %dma_wait3A_90 = tpu.memref_slice %arg4[%mul3A_4, %dma_wait3A_89] : memref<65536x128xf32, #tpu.memory_space<hbm>> -> memref<32x128xf32, #tpu.memory_space<hbm>>
    %dma_wait3A_91 = arith.constant 0 : i32
    %dma_wait3A_92 = tpu.memref_slice %arg4[%mul3A_4, %dma_wait3A_91] : memref<65536x128xf32, #tpu.memory_space<hbm>> -> memref<32x128xf32, #tpu.memory_space<hbm>>
    %dma_wait3A_93 = arith.constant 0 : i32
    %dma_wait3A_94 = arith.constant 0 : i32
    %dma_wait3A_95 = tpu.memref_slice %arg7[%dma_wait3A_84, %dma_wait3A_93, %dma_wait3A_94] : memref<4x32x128xf32, #tpu.memory_space<vmem>> -> memref<1x32x128xf32, #tpu.memory_space<vmem>>
    %dma_wait3A_96 = tpu.memref_squeeze %dma_wait3A_95 : memref<1x32x128xf32, #tpu.memory_space<vmem>> -> memref<32x128xf32, #tpu.memory_space<vmem>>
    tpu.wait_dma2 semaphore(%arg15 : memref<!tpu.dma_semaphore, #tpu.memory_space<semaphore_mem>>) src(%dma_wait3A_96 : memref<32x128xf32, #tpu.memory_space<vmem>>) dst(%dma_wait3A_92 : memref<32x128xf32, #tpu.memory_space<hbm>>)
    return
  }
}

</mosaic_0001>

<sc_bundles>
// kernel: kernel.3.cloned.1.call-start
scs
__scs_entry_jumppad:
0x0: {  	(pc) =	sbr.rel $0x88, $3  }
0x1: {  	(tag) =	ssettag $0x0;
	lr =	simm.s32 $0x1  }
0x2: {  	[smem:$0x3FA0] =	sst lr;
	_ =	strace $0xD0000000  }
0x3: {  	_ = 	snop  }
0x4: {  	_ = 	snop  }
0x5: {  	_ = 	snop  }
0x6: {  	_ = 	snop  }
0x7: {  	_ = 	snop  }
__scs_overlays_trampoline_lowered:
0x8: {  	[smem:$0x3FAF] =	sst s0  }
0x9: {  	[smem:$0x3FB0] =	sst s1  }
0xa: {  	[smem:$0x3FB1] =	sst s2  }
0xb: {  	[smem:$0x3FB2] =	sst s3  }
0xc: {  	[smem:$0x3FB3] =	sst s4  }
0xd: {  	[smem:$0x3FB4] =	sst s5  }
0xe: {  	[smem:$0x3FB5] =	sst s6  }
0xf: {  	[smem:$0x3FB6] =	sst s7  }
0x10: {  	[smem:$0x3FB7] =	sst s8  }
0x11: {  	[smem:$0x3FB8] =	sst s9;
	s0 =	simm.s32 @!p0 $0x0  }
0x12: {  	s1 =	sld [smem:$0x3F9E];
	s0 =	simm.s32 @p0 $0x1  }
0x13: {  	[smem:$0x3FB9] =	sst s0;
	s0 =	simm.s32 @!p1 $0x0  }
0x14: {  	s2 =	sld [smem:$0x3F9D];
	s0 =	simm.s32 @p1 $0x1  }
0x15: {  	[smem:$0x3FBA] =	sst s0;
	s0 =	simm.s32 @!p2 $0x0  }
0x16: {  	s3 =	sld [smem:$0x3FDB];
	s0 =	simm.s32 @p2 $0x1  }
0x17: {  	s4 =	simm.s32 $0x1BF5;
	[smem:$0x3FBC] =	sst s0  }
0x18: {  	s0 =	sld [smem:$0x3F9F];
	_ =	swait.ge [sflag:s4], $0x0  }
0x19: {  	s7 =	sld [smem:$0x3FA0]  }
0x1a: {  	s8 =	sadd.s32 $0xFFFFE003, lr  }
0x1b: {  	s9 =	sadd.s32 $0xFFFFFEF7, lr;
	s5 =	simm.s32 $0xFFFFFFFF;
	p2 =	slt.u32 s8, $0xFFFFF086  }
0x1c: {  	p1 =	slt.u32 s9, $0xF7A;
	s5 =	simm.s32 @!p2 $0x0  }
0x1d: {  	s5 =	simm.s32 @p1 $0x1;
	p0 =	seq.s32 s7, s2  }
0x1e: {  	s7 =	smul.u32 @!p0 $0xF7A, s2;
	p2 =	seq.s32 @!p0 s5, $0x0  }
0x1f: {  	s9 =	smul.u32 $0xF7A, s1;
	s8 =	simm.s32 @!p0 $0x1BF5;
	p2 =	por !p2, p0  }
0x20: {  	[sflag:s8] =	ssyncset.s32 @!p0 $0xFFFFF086;
	s6 =	sadd.s32 @!p0 s3, s7;
	s7 =	simm.s32 @!p0 $0x108  }
0x21: {  	s3 =	sadd.s32 s3, s9;
	s6 =	sadd.s32 @!p0 $0x88, s6;
	s7 =	simm.s32 @p2 $0x1082  }
0x22: {  	[simem:s7], [sflag:s8] =	dma.local @!p0 [hbm:s6], $0xF7A  }
0x23: {  	s9 =	sor.u32 $0xD0000000, s2;
	s6 =	simm.s32 $0x108;
	_ =	swait.ge @!p0 [sflag:s8], $0x0  }
0x24: {  	s3 =	sadd.s32 $0x88, s3;
	s6 =	simm.s32 @!p1 $0x1082;
	[sflag:s4] =	ssyncset.s32 $0xFFFFF086  }
0x25: {  	[simem:s6], [sflag:s4] =	dma.local [hbm:s3], $0xF7A  }
0x26: {  	[smem:$0x3FA0] =	sst s1;
	(tag) =	ssettag s2;
	_ =	strace s9  }
0x27: {  	s1 =	sld [smem:$0x3FB0]  }
0x28: {  	s2 =	sld [smem:$0x3FB1]  }
0x29: {  	s4 =	sld [smem:$0x3FB3]  }
0x2a: {  	p0 =	seq.s32 s5, $0x0;
	s5 =	sld [smem:$0x3FB4]  }
0x2b: {  	s6 =	sld [smem:$0x3FB5]  }
0x2c: {  	s7 =	sld [smem:$0x3FB6]  }
0x2d: {  	s3 =	simm.s32 $0x108;
	s8 =	sld [smem:$0x3FB7]  }
0x2e: {  	s3 =	simm.s32 @!p0 $0x1082;
	s9 =	sld [smem:$0x3FB8]  }
0x2f: {  	lr =	sadd.s32 s0, s3;
	s0 =	sld [smem:$0x3FAF]  }
0x30: {  	s3 =	sld [smem:$0x3FB2]  }
0x31: {  	[smem:$0x3FBB] =	sst s10  }
0x32: {  	s10 =	sld [smem:$0x3FB9];
	_ =	sdelay $0x3  }
0x33: {  	p0 =	seq.s32 s10, $0x1;
	s10 =	sld [smem:$0x3FBB];
	_ =	sdelay $0x3  }
0x34: {  	[smem:$0x3FBB] =	sst s10  }
0x35: {  	s10 =	sld [smem:$0x3FBA];
	_ =	sdelay $0x3  }
0x36: {  	p1 =	seq.s32 s10, $0x1;
	s10 =	sld [smem:$0x3FBB];
	_ =	sdelay $0x3  }
0x37: {  	[smem:$0x3FBB] =	sst s10  }
0x38: {  	s10 =	sld [smem:$0x3FBC]  }
0x39: {  	_ = 	snop;
	(pc) =	sbr.ind lr, $3  }
0x3a: {  	_ = 	snop  }
0x3b: {  	_ = 	snop  }
0x3c: {  	p2 =	seq.s32 s10, $0x1;
	s10 =	sld [smem:$0x3FBB]  }
0x3d: {  	_ =	shalt  }
0x3e: {  	_ =	shalt  }
0x3f: {  	_ =	shalt  }
0x40: {  	_ =	shalt  }
0x41: {  	_ =	shalt  }
0x42: {  	_ =	shalt  }
0x43: {  	_ =	shalt  }
0x44: {  	_ =	shalt  }
0x45: {  	_ =	shalt  }
0x46: {  	_ =	shalt  }
0x47: {  	_ =	shalt  }
0x48: {  	_ =	shalt  }
0x49: {  	_ =	shalt  }
0x4a: {  	_ =	shalt  }
0x4b: {  	_ =	shalt  }
0x4c: {  	_ =	shalt  }
0x4d: {  	_ =	shalt  }
0x4e: {  	_ =	shalt  }
0x4f: {  	_ =	shalt  }
0x50: {  	_ =	shalt  }
0x51: {  	_ =	shalt  }
0x52: {  	_ =	shalt  }
0x53: {  	_ =	shalt  }
0x54: {  	_ =	shalt  }
0x55: {  	_ =	shalt  }
0x56: {  	_ =	shalt  }
0x57: {  	_ =	shalt  }
0x58: {  	_ =	shalt  }
0x59: {  	_ =	shalt  }
0x5a: {  	_ =	shalt  }
0x5b: {  	_ =	shalt  }
0x5c: {  	_ =	shalt  }
0x5d: {  	_ =	shalt  }
0x5e: {  	_ =	shalt  }
0x5f: {  	_ =	shalt  }
0x60: {  	_ =	shalt  }
0x61: {  	_ =	shalt  }
0x62: {  	_ =	shalt  }
0x63: {  	_ =	shalt  }
0x64: {  	_ =	shalt  }
0x65: {  	_ =	shalt  }
0x66: {  	_ =	shalt  }
0x67: {  	_ =	shalt  }
0x68: {  	_ =	shalt  }
0x69: {  	_ =	shalt  }
0x6a: {  	_ =	shalt  }
0x6b: {  	_ =	shalt  }
0x6c: {  	_ =	shalt  }
0x6d: {  	_ =	shalt  }
0x6e: {  	_ =	shalt  }
0x6f: {  	_ =	shalt  }
0x70: {  	_ =	shalt  }
0x71: {  	_ =	shalt  }
0x72: {  	_ =	shalt  }
0x73: {  	_ =	shalt  }
0x74: {  	_ =	shalt  }
0x75: {  	_ =	shalt  }
0x76: {  	_ =	shalt  }
0x77: {  	_ =	shalt  }
0x78: {  	_ =	shalt  }
0x79: {  	_ =	shalt  }
0x7a: {  	_ =	shalt  }
0x7b: {  	_ =	shalt  }
0x7c: {  	_ =	shalt  }
0x7d: {  	_ =	shalt  }
0x7e: {  	_ =	shalt  }
0x7f: {  	_ =	shalt  }
0x80: {  	_ =	shalt  }
0x81: {  	_ =	shalt  }
0x82: {  	_ =	shalt  }
0x83: {  	_ =	shalt  }
0x84: {  	_ =	shalt  }
0x85: {  	_ =	shalt  }
0x86: {  	_ =	shalt  }
0x87: {  	_ =	shalt  }
.Lfunc_end0:
.L_simem_size_0:
called_computation_lowered:
.L_overlay_start_0:
0x88: {  	s2 =	sld [smem:$0x3FD9]  }
0x89: {  	s3 =	sld [smem:$0x3FFE];
	_ =	sdelay $0x1  }
0x8a: {  	s1 =	srdreg.scid  }
0x8b: {  	s0 =	sand.u32 $0x1, s1  }
0x8c: {  	s17 =	sshll.u32 s0, $0xA;
	s2 =	sadd.s32 s3, s2  }
0x8d: {  	s2 =	sadd.s32 s2, s17  }
0x8e: {  	[smem:$0x3FC7] =	sst s2  }
0x8f: {  	_ = 	snop  }
0x90: {  	s2 =	sld [smem:$0x3FC9]  }
0x91: {  	s18 =	sld [smem:$0x3FD0];
	(tm) =	ssettm $0x1  }
0x92: {  	s4 =	sld [smem:$0x3FFB];
	_ =	sdelay $0x3  }
0x93: {  	_ =	strace s4  }
0x94: {  	s4 =	sld [smem:$0x3FFC];
	_ =	sdelay $0x3  }
0x95: {  	_ =	strace s4  }
0x96: {  	s4 =	sld [smem:$0x3FFD];
	_ =	sdelay $0x3  }
0x97: {  	_ =	strace s4  }
0x98: {  	_ =	strace $0x8FFFFFFF  }
0x99: {  	s19 =	sld [smem:$0x3FDB];
	_ =	sdelay $0x1  }
0x9a: {  	s5 =	simm.s32 $_scs_section_size  }
0x9b: {  	s6 =	simm.s32 $_size__tile_overlayer_lowered;
	s7 =	simm.s32 $_tile_overlayer_lowered  }
0x9c: {  	s22 =	simm.s32 $0x1BFF;
	s21 =	sshll.u32 s7, $0x1;
	s4 =	sadd.s32 s5, s19  }
0x9d: {  	s8 =	simm.s32 $0x0;
	s20 =	sshll.u32 s6, $0x1;
	s6 =	sadd.s32 s21, s4  }
0x9e: {  	[timem:s8], [sflag:s22] =	dma.local [hbm:s6], s20  }
0x9f: {  	_ =	swait.ge [sflag:s22], s20  }
0xa0: {  	s5 =	ssub.s32 $0x0, s20;
	[sflag:s22] =	ssyncset.done $0x0  }
0xa1: {  	[sflag:s22] =	ssyncadd.s32 s5;
	_ =	sdelay $0x1  }
0xa2: {  	s23 =	simm.s32 $0x1B8B  }
0xa3: {  	_ =	swait.ge [sflag:s23], $0x1  }
0xa4: {  	[sflag:s23] =	ssyncset.done $0x0  }
0xa5: {  	s25 =	simm.s32 $0x1B8E;
	s24 =	sld [smem:$0x3FFE];
	[sflag:s23] =	ssyncadd.s32 $0xFFFFFFFF  }
0xa6: {  	s26 =	simm.s32 $execute0_lowered;
	[smem:$0x3FD2] =	sst s25  }
0xa7: {  	s6 =	sshll.u32 s26, $0x1;
	_ =	strace $0x80000046;
	[dreg:$0x1] =	wrdreg $0xFFFFFFFF  }
0xa8: {  	s28 =	simm.s32 $_size_execute0_lowered;
	s4 =	sadd.s32 s4, s6;
	[dreg:$0x0] =	wrdreg $0x0  }
0xa9: {  	s6 =	sshll.u32 s28, $0x1;
	[dreg:$0x2] =	wrdreg s4  }
0xaa: {  	[dreg:$0x3] =	wrdreg s6  }
0xab: {  	[dreg:$0x4] =	wrdreg $0xC0  }
0xac: {  	_ =	task [dreg:s8], $0x5FFFF  }
0xad: {  	[dreg:$0x1] =	wrdreg $0xFFFFFFFF  }
0xae: {  	[dreg:$0x0] =	wrdreg $0x60  }
0xaf: {  	[dreg:$0x2] =	wrdreg s2  }
0xb0: {  	[dreg:$0x3] =	wrdreg s24  }
0xb1: {  	[dreg:$0x4] =	wrdreg s18  }
0xb2: {  	[dreg:$0x5] =	wrdreg $0x9  }
0xb3: {  	_ =	task.clear_ibuf [dreg:s8], $0x6FFFF;
	_ =	strace $0x90000046  }
0xb4: {  	s29 =	simm.s32 $0x9;
	_ =	strace $0x80000048  }
0xb5: {  	_ =	swait.ge [sflag:s29], $0x1  }
0xb6: {  	[sflag:s29] =	ssyncadd.s32 $0xFFFFFFFF  }
0xb7: {  	_ =	strace $0x90000048  }
0xb8: {  	_ =	sfence  }
0xb9: {  	s30 =	sld [smem:$0x0];
	_ =	sdelay $0x2  }
0xba: {  	s31 =	sshll.u32 s1, $0xD;
	s1 =	sshrl.u32 s1, $0x2  }
0xbb: {  	s3 =	sand.u32 $0x4000, s31;
	s1 =	sadd.s32 s1, s30  }
0xbc: {  	s0 =	sor.u32 s3, s0;
	s1 =	sshll.u32 s1, $0x11  }
0xbd: {  	s0 =	sor.u32 s1, s0  }
0xbe: {  	s0 =	sadd.s32 $0x8F2B, s0  }
0xbf: {  	[sflag:s0] =	ssyncadd.remote.s32 $0x1  }
0xc0: {  	_ =	sfence.sel $0xFFFF  }
0xc1: {  	[dreg:$0x0] =	wrdreg $0xFFFFFFFF;
	(pc) =	sbr.abs _section_cstart, $3  }
0xc2: {  	[dreg:$0x1] =	wrdreg $0xFFFFFFFF  }
0xc3: {  	_ =	task.clear_ibuf [dreg:s8], $0x2FFFF;
	_ =	strace $0x9FFFFFFF  }
0xc4: {  	(tm) =	ssettm $0x7FFFFFFF  }
0xc5: {  	_ =	shalt  }
tec
execute0_lowered:
.L_overlay_start_1:
0x0: {  	(tag) =	ssettag $0x1  }
0x1: {  	s1 =	rddreg [dreg:$0x0]  }
0x2: {  	s0 =	rddreg [dreg:$0x1]  }
0x3: {  	s3 =	rddreg [dreg:$0x2];
	s2 =	srdreg.scid  }
0x4: {  	s4 =	simm.s32 $0x0;
	s6 =	stileid.u32;
	s11 =	simm.s32 $0x80  }
0x5: {  	s12 =	simm.s32 $0x2000;
	s13 =	simm.s32 $0x6000;
	s15 =	simm.s32 $0xA000  }
0x6: {  	s16 =	simm.s32 $0xE000;
	s17 =	simm.s32 $0x1;
	s18 =	simm.s32 $0x12000  }
0x7: {  	s19 =	simm.s32 $0x2;
	s20 =	simm.s32 $0x6;
	s21 =	simm.s32 $0x13000  }
0x8: {  	s22 =	simm.s32 $0x3;
	s23 =	simm.s32 $0x7;
	s24 =	simm.s32 $0x14000  }
0x9: {  	s25 =	simm.s32 $0x4;
	s26 =	simm.s32 $0x8;
	s28 =	simm.s32 $0x15000  }
0xa: {  	s29 =	simm.s32 $0x5;
	s30 =	simm.s32 $0x0;
	s2 =	sand.u32 $0x1, s2  }
0xb: {  	[smem:$0x7FF] =	sst s4;
	s6 =	sshll.u32 s6, $0x1;
	s5 =	ssub.s32 $0x2, s2  }
0xc: {  	s0 =	sadd.s32 $0x400, s0;
	_ =	strace $0x80000047;
	s7 =	sshrl.u32 s5, $0x1  }
0xd: {  	s2 =	sor.u32 s2, s6;
	[dreg:$0x4] =	wrdreg s0;
	s31 =	ssub.s32 s5, s7  }
0xe: {  	s6 =	sshll.u32 s2, $0xF;
	s2 =	sshll.u32 s2, $0xD;
	s0 =	smax.u32 s31, $0x1  }
0xf: {  	s8 =	sadd.s32 $0x400, s3;
	s7 =	sadd.s32 s3, s6;
	v0 =	vmov s2;
	[dreg:$0x5] =	wrdreg s0  }
.LBB2_1:
0x10: {  	s0 =	rddreg [dreg:$0x4];
	s31 =	simm.s32 $0x9  }
0x11: {  	[tilespmem:s4], [sflag:$0x9] =	stream.linear.gather [hbm4b:s0+s4], $0x2000, $0x38;
	[tilespmem:$0x16000] =	vst v63  }
0x12: {  	_ =	swait.ge [sflag:s31], $0x2000  }
0x13: {  	[sflag:s31] =	ssyncset.done $0x0  }
0x14: {  	[sflag:s31] =	ssyncadd.s32 $0xFFFFE000  }
0x15: {  	v1 =	vld [tilespmem:s11+$0x70]  }
0x16: {  	v2 =	vld [tilespmem:s11+$0xFFFFFF90]  }
0x17: {  	v3 =	vld [tilespmem:s11+$0xFFFFFFA0]  }
0x18: {  	v4 =	vld [tilespmem:s11+$0xFFFFFFB0]  }
0x19: {  	v5 =	vld [tilespmem:s11+$0xFFFFFFC0]  }
0x1a: {  	v6 =	vld [tilespmem:s11+$0xFFFFFFD0];
	v1 =	vadd.s32 v0, v1  }
0x1b: {  	v7 =	vld [tilespmem:s11+$0xFFFFFFE0];
	v2 =	vadd.s32 v0, v2;
	[tilespmem:s11+$0x70] =	vst v1  }
0x1c: {  	[tilespmem:s11+$0xFFFFFF90] =	vst v2;
	v1 =	vadd.s32 v0, v3;
	v2 =	vld [tilespmem:s11+$0xFFFFFFF0]  }
0x1d: {  	v3 =	vld [tilespmem:s11+$0x0];
	[tilespmem:s11+$0xFFFFFFA0] =	vst v1;
	v1 =	vadd.s32 v0, v4  }
0x1e: {  	v4 =	vld [tilespmem:s11+$0x10];
	[tilespmem:s11+$0xFFFFFFB0] =	vst v1;
	v1 =	vadd.s32 v0, v5  }
0x1f: {  	[tilespmem:s11+$0xFFFFFFC0] =	vst v1;
	v1 =	vadd.s32 v0, v6;
	v6 =	vld [tilespmem:s11+$0x20]  }
0x20: {  	v5 =	vadd.s32 v0, v7;
	[tilespmem:s11+$0xFFFFFFD0] =	vst v1;
	v1 =	vld [tilespmem:s11+$0x30]  }
0x21: {  	[tilespmem:s11+$0xFFFFFFE0] =	vst v5;
	v5 =	vadd.s32 v0, v2;
	v2 =	vld [tilespmem:s11+$0x40]  }
0x22: {  	[tilespmem:s11+$0xFFFFFFF0] =	vst v5;
	v5 =	vadd.s32 v0, v3;
	v3 =	vld [tilespmem:s11+$0x50]  }
0x23: {  	v7 =	vadd.s32 v0, v4;
	v4 =	vld [tilespmem:s11+$0x60];
	[tilespmem:s11+$0x0] =	vst v5  }
0x24: {  	s2 =	simm.s32 $0x0;
	s5 =	simm.s32 $0x180;
	s0 =	simm.s32 $0x80;
	v5 =	vld [tilespmem:s11+$0xFFFFFF80];
	[tilespmem:s11+$0x10] =	vst v7;
	v6 =	vadd.s32 v0, v6  }
.LBB2_2:
0x25: {  	v7 =	vld [tilespmem:s5+$0x70];
	s2 =	sadd.s32 $0x2, s2;
	[tilespmem:s0+$0x20] =	vst v6;
	v1 =	vadd.s32 v0, v1  }
0x26: {  	v6 =	vld [tilespmem:s5+$0xFFFFFF90];
	p0 =	slt.u32 s2, $0x3E;
	[tilespmem:s0+$0x30] =	vst v1;
	v1 =	vadd.s32 v0, v2  }
0x27: {  	v2 =	vld [tilespmem:s5+$0xFFFFFFA0];
	[tilespmem:s0+$0x40] =	vst v1;
	v1 =	vadd.s32 v0, v3  }
0x28: {  	v3 =	vld [tilespmem:s5+$0xFFFFFFB0];
	[tilespmem:s0+$0x50] =	vst v1;
	v1 =	vadd.s32 v0, v4  }
0x29: {  	v4 =	vld [tilespmem:s5+$0xFFFFFFC0];
	v5 =	vadd.s32 v0, v5;
	[tilespmem:s0+$0x60] =	vst v1  }
0x2a: {  	v1 =	vld [tilespmem:s5+$0xFFFFFFD0];
	v7 =	vadd.s32 v0, v7;
	[tilespmem:s0+$0xFFFFFF80] =	vst v5;
	s0 =	smov.u32 s5  }
0x2b: {  	v5 =	vadd.s32 v0, v6;
	v6 =	vld [tilespmem:s5+$0xFFFFFFE0];
	[tilespmem:s5+$0x70] =	vst v7  }
0x2c: {  	[tilespmem:s5+$0xFFFFFF90] =	vst v5;
	v2 =	vadd.s32 v0, v2;
	v5 =	vld [tilespmem:s5+$0xFFFFFFF0]  }
0x2d: {  	[tilespmem:s5+$0xFFFFFFA0] =	vst v2;
	v2 =	vadd.s32 v0, v3;
	v3 =	vld [tilespmem:s5+$0x0]  }
0x2e: {  	[tilespmem:s5+$0xFFFFFFB0] =	vst v2;
	v2 =	vadd.s32 v0, v4;
	v4 =	vld [tilespmem:s5+$0x10]  }
0x2f: {  	[tilespmem:s5+$0xFFFFFFC0] =	vst v2;
	v1 =	vadd.s32 v0, v1;
	v7 =	vld [tilespmem:s5+$0x20]  }
.Ltmp0:
0x30: {  	[tilespmem:s5+$0xFFFFFFD0] =	vst v1;
	v2 =	vadd.s32 v0, v6;
	v1 =	vld [tilespmem:s5+$0x30];
	(pc) =	sbr.rel @p0 .LBB2_2-.Ltmp0, $4  }
0x31: {  	[tilespmem:s5+$0xFFFFFFE0] =	vst v2;
	v5 =	vadd.s32 v0, v5;
	v2 =	vld [tilespmem:s5+$0x40]  }
0x32: {  	[tilespmem:s5+$0xFFFFFFF0] =	vst v5;
	v5 =	vadd.s32 v0, v3;
	v3 =	vld [tilespmem:s5+$0x50]  }
0x33: {  	[tilespmem:s5+$0x0] =	vst v5;
	v6 =	vadd.s32 v0, v4;
	v4 =	vld [tilespmem:s5+$0x60]  }
0x34: {  	s5 =	sadd.s32 $0x100, s5;
	v5 =	vld [tilespmem:s0+$0xFFFFFF80];
	[tilespmem:s0+$0x10] =	vst v6;
	v6 =	vadd.s32 v0, v7  }
0x35: {  	[tilespmem:s0+$0x20] =	vst v6;
	v1 =	vadd.s32 v0, v1  }
0x36: {  	[tilespmem:s0+$0x30] =	vst v1;
	v1 =	vadd.s32 v0, v2  }
0x37: {  	[tilespmem:s0+$0x40] =	vst v1;
	v1 =	vadd.s32 v0, v3  }
0x38: {  	[tilespmem:s0+$0x50] =	vst v1;
	v1 =	vadd.s32 v0, v4  }
0x39: {  	v2 =	vadd.s32 v0, v5;
	[tilespmem:s0+$0x60] =	vst v1  }
0x3a: {  	s31 =	simm.s32 $0x0;
	[tilespmem:s0+$0xFFFFFF80] =	vst v2  }
0x3b: {  	[tilespmem:s12], [sflag:$0x1] =	stream.indirect.gather [hbm4b:s1+s11], $0x80, s31, s11, $0xb8;
	[tilespmem:$0x16000] =	vst v63  }
0x3c: {  	_ = 	snop  }
0x3d: {  	[tilespmem:s13], [sflag:$0x2] =	stream.indirect.gather [hbm4b:s1+s11], $0x80, s11, s11, $0xb8;
	[tilespmem:$0x16000] =	vst v63  }
0x3e: {  	s14 =	simm.s32 $0x100  }
0x3f: {  	[tilespmem:s15], [sflag:$0x3] =	stream.indirect.gather [hbm4b:s1+s11], $0x80, s14, s11, $0xb8;
	[tilespmem:$0x16000] =	vst v63  }
.LBB2_4:
0x40: {  	s2 =	sshll.u32 s31, $0xB  }
0x41: {  	s0 =	sor.u32 $0x600, s2  }
0x42: {  	s5 =	sshrl.u32 s0, $0x2  }
0x43: {  	[tilespmem:s16], [sflag:$0x4] =	stream.indirect.gather [hbm4b:s1+s11], $0x80, s5, s11, $0xb8;
	[tilespmem:$0x16000] =	vst v63  }
0x44: {  	_ =	swait.ge [sflag:s17], $0x4000  }
0x45: {  	p0 =	seq.s32 s31, $0x0;
	[sflag:s17] =	ssyncset.done $0x0  }
0x46: {  	s5 =	simm.s32 @!p0 $0x5;
	[sflag:s17] =	ssyncadd.s32 $0xFFFFC000  }
0x47: {  	_ =	swait.ge @!p0 [sflag:s5], $0x1000  }
0x48: {  	[sflag:s5] =	ssyncset.done @!p0 $0x0  }
0x49: {  	s9 =	simm.s32 $0x2400;
	[sflag:s5] =	ssyncadd.s32 @!p0 $0xFFFFF000  }
0x4a: {  	v1 =	vld [tilespmem:s9+$0x200]  }
0x4b: {  	v2 =	vld [tilespmem:s9+$0x280]  }
0x4c: {  	v3 =	vld [tilespmem:s9+$0x300]  }
0x4d: {  	v4 =	vld [tilespmem:s9+$0x380]  }
0x4e: {  	v5 =	vld [tilespmem:s9+$0xFFFFFC80]  }
0x4f: {  	v6 =	vld [tilespmem:s9+$0xFFFFFD00]  }
0x50: {  	v7 =	vld [tilespmem:s9+$0xFFFFFD80]  }
0x51: {  	v8 =	vld [tilespmem:s9+$0xFFFFFE00]  }
0x52: {  	v9 =	vld [tilespmem:s9+$0xFFFFFE80];
	v1 =	vmax.f32 v1, v2;
	v2 =	vmax.f32 v3, v4  }
0x53: {  	s5 =	simm.s32 $0x12100;
	v3 =	vld [tilespmem:s9+$0xFFFFFF00];
	v1 =	vmax.f32 v1, v2  }
0x54: {  	v2 =	vld [tilespmem:s9+$0xFFFFFF80];
	[tilespmem:s5+$0x80] =	vst v1  }
0x55: {  	v1 =	vld [tilespmem:s9+$0x210]  }
0x56: {  	v4 =	vld [tilespmem:s9+$0x290]  }
0x57: {  	v10 =	vld [tilespmem:s9+$0x310]  }
0x58: {  	v11 =	vld [tilespmem:s9+$0x390]  }
0x59: {  	v12 =	vld [tilespmem:s9+$0x0]  }
0x5a: {  	v13 =	vld [tilespmem:s9+$0x80]  }
0x5b: {  	v8 =	vmax.f32 v8, v9;
	v2 =	vmax.f32 v3, v2;
	v3 =	vld [tilespmem:s9+$0x100]  }
0x5c: {  	v2 =	vmax.f32 v8, v2;
	v8 =	vld [tilespmem:s9+$0x180]  }
0x5d: {  	[tilespmem:s5+$0xFFFFFF80] =	vst v2;
	v2 =	vld [tilespmem:s9+$0xFFFFFC00];
	v1 =	vmax.f32 v1, v4;
	v4 =	vmax.f32 v10, v11  }
0x5e: {  	v37 =	vld [tilespmem:s9+$0xFFFFFE10];
	v1 =	vmax.f32 v1, v4  }
0x5f: {  	v4 =	vld [tilespmem:s9+$0xFFFFFE90];
	[tilespmem:s5+$0x90] =	vst v1  }
0x60: {  	v1 =	vld [tilespmem:s9+$0x220]  }
0x61: {  	v6 =	vmax.f32 v6, v7;
	v38 =	vld [tilespmem:s9+$0x2A0]  }
0x62: {  	v12 =	vmax.f32 v12, v13;
	v3 =	vmax.f32 v3, v8;
	v2 =	vmax.f32 v2, v5;
	v5 =	vld [tilespmem:s9+$0x320]  }
0x63: {  	v3 =	vmax.f32 v12, v3;
	v2 =	vmax.f32 v2, v6;
	v6 =	vld [tilespmem:s9+$0x3A0]  }
0x64: {  	[tilespmem:s5+$0x0] =	vst v3;
	v3 =	vld [tilespmem:s9+$0xFFFFFF90]  }
0x65: {  	[tilespmem:s5+$0xFFFFFF00] =	vst v2;
	v2 =	vld [tilespmem:s9+$0xFFFFFF10]  }
0x66: {  	v43 =	vld [tilespmem:s9+$0x90]  }
0x67: {  	v7 =	vld [tilespmem:s9+$0xFFFFFC10]  }
0x68: {  	v39 =	vld [tilespmem:s9+$0xFFFFFC90]  }
0x69: {  	v8 =	vld [tilespmem:s9+$0xFFFFFD10];
	v1 =	vmax.f32 v1, v38;
	v5 =	vmax.f32 v5, v6  }
0x6a: {  	v40 =	vld [tilespmem:s9+$0xFFFFFD90];
	v1 =	vmax.f32 v1, v5  }
0x6b: {  	v5 =	vld [tilespmem:s9+$0x10];
	[tilespmem:s5+$0xA0] =	vst v1  }
0x6c: {  	v1 =	vld [tilespmem:s9+$0x230]  }
0x6d: {  	v6 =	vld [tilespmem:s9+$0x2B0]  }
0x6e: {  	v4 =	vmax.f32 v37, v4;
	v2 =	vmax.f32 v2, v3;
	v41 =	vld [tilespmem:s9+$0x330]  }
0x6f: {  	v7 =	vmax.f32 v7, v39;
	v8 =	vmax.f32 v8, v40;
	v2 =	vmax.f32 v4, v2;
	v42 =	vld [tilespmem:s9+$0x3B0]  }
0x70: {  	v7 =	vmax.f32 v7, v8;
	v8 =	vld [tilespmem:s9+$0x110];
	[tilespmem:s5+$0xFFFFFF90] =	vst v2  }
0x71: {  	[tilespmem:s5+$0xFFFFFF10] =	vst v7;
	v7 =	vld [tilespmem:s9+$0x190]  }
0x72: {  	v47 =	vld [tilespmem:s9+$0xFFFFFE20]  }
0x73: {  	v44 =	vld [tilespmem:s9+$0xFFFFFC20]  }
0x74: {  	v45 =	vld [tilespmem:s9+$0xFFFFFD20]  }
0x75: {  	v46 =	vld [tilespmem:s9+$0xFFFFFDA0]  }
0x76: {  	v1 =	vmax.f32 v1, v6;
	v6 =	vld [tilespmem:s9+$0xFFFFFCA0];
	v10 =	vmax.f32 v41, v42  }
0x77: {  	v5 =	vmax.f32 v5, v43;
	v1 =	vmax.f32 v1, v10;
	v7 =	vmax.f32 v8, v7;
	v8 =	vld [tilespmem:s9+$0xFFFFFEA0]  }
0x78: {  	[tilespmem:s5+$0xB0] =	vst v1;
	v5 =	vmax.f32 v5, v7;
	v7 =	vld [tilespmem:s9+$0xFFFFFF20]  }
0x79: {  	v1 =	vld [tilespmem:s9+$0x240]  }
0x7a: {  	v3 =	vld [tilespmem:s9+$0x2C0]  }
0x7b: {  	v4 =	vld [tilespmem:s9+$0x340]  }
0x7c: {  	v2 =	vld [tilespmem:s9+$0x3C0]  }
0x7d: {  	v10 =	vmax.f32 v45, v46;
	[tilespmem:s5+$0x10] =	vst v5;
	v5 =	vld [tilespmem:s9+$0xFFFFFFA0];
	v6 =	vmax.f32 v44, v6  }
0x7e: {  	v48 =	vld [tilespmem:s9+$0x20];
	v6 =	vmax.f32 v6, v10  }
0x7f: {  	[tilespmem:s5+$0xFFFFFF20] =	vst v6;
	v6 =	vld [tilespmem:s9+$0x1A0]  }
0x80: {  	v1 =	vmax.f32 v1, v3;
	v3 =	vld [tilespmem:s9+$0xA0]  }
0x81: {  	v51 =	vld [tilespmem:s9+$0xFFFFFC30]  }
0x82: {  	v2 =	vmax.f32 v4, v2;
	v5 =	vmax.f32 v7, v5;
	v7 =	vld [tilespmem:s9+$0xFFFFFCB0]  }
0x83: {  	v8 =	vmax.f32 v47, v8;
	v1 =	vmax.f32 v1, v2;
	v2 =	vld [tilespmem:s9+$0x120]  }
0x84: {  	v5 =	vmax.f32 v8, v5;
	v8 =	vld [tilespmem:s9+$0xFFFFFD30];
	[tilespmem:s5+$0xC0] =	vst v1  }
0x85: {  	[tilespmem:s5+$0xFFFFFFA0] =	vst v5;
	v5 =	vld [tilespmem:s9+$0xFFFFFDB0]  }
0x86: {  	v1 =	vld [tilespmem:s9+$0x250]  }
0x87: {  	v4 =	vld [tilespmem:s9+$0x2D0]  }
0x88: {  	v49 =	vld [tilespmem:s9+$0x350]  }
0x89: {  	v50 =	vld [tilespmem:s9+$0x3D0]  }
0x8a: {  	v3 =	vmax.f32 v48, v3;
	v2 =	vmax.f32 v2, v6  }
0x8b: {  	v2 =	vmax.f32 v3, v2;
	v3 =	vld [tilespmem:s9+$0xFFFFFF30]  }
0x8c: {  	[tilespmem:s5+$0x20] =	vst v2;
	v2 =	vld [tilespmem:s9+$0xFFFFFFB0]  }
0x8d: {  	v7 =	vmax.f32 v51, v7;
	v5 =	vmax.f32 v8, v5;
	v55 =	vld [tilespmem:s9+$0x30]  }
0x8e: {  	v1 =	vmax.f32 v1, v4;
	v4 =	vmax.f32 v49, v50;
	v5 =	vmax.f32 v7, v5;
	v8 =	vld [tilespmem:s9+$0xB0]  }
0x8f: {  	v1 =	vmax.f32 v1, v4;
	v7 =	vld [tilespmem:s9+$0x130];
	[tilespmem:s5+$0xFFFFFF30] =	vst v5  }
0x90: {  	v5 =	vld [tilespmem:s9+$0x1B0];
	[tilespmem:s5+$0xD0] =	vst v1  }
0x91: {  	v1 =	vld [tilespmem:s9+$0x260]  }
0x92: {  	v53 =	vld [tilespmem:s9+$0x2E0]  }
0x93: {  	v54 =	vld [tilespmem:s9+$0x360]  }
0x94: {  	v6 =	vld [tilespmem:s9+$0x3E0];
	_ =	sdelay $0x2  }
0x95: {  	v52 =	vld [tilespmem:s9+$0xFFFFFE30]  }
0x96: {  	v4 =	vld [tilespmem:s9+$0xFFFFFEB0];
	v2 =	vmax.f32 v3, v2;
	v8 =	vmax.f32 v55, v8;
	v5 =	vmax.f32 v7, v5  }
0x97: {  	v3 =	vld [tilespmem:s9+$0xFFFFFCC0];
	v5 =	vmax.f32 v8, v5;
	v1 =	vmax.f32 v1, v53;
	v6 =	vmax.f32 v54, v6  }
0x98: {  	[tilespmem:s5+$0x30] =	vst v5;
	v1 =	vmax.f32 v1, v6;
	v6 =	vld [tilespmem:s9+$0xFFFFFC40]  }
0x99: {  	v59 =	vld [tilespmem:s9+$0x40];
	[tilespmem:s5+$0xE0] =	vst v1  }
0x9a: {  	v56 =	vld [tilespmem:s9+$0x270]  }
0x9b: {  	v57 =	vld [tilespmem:s9+$0x2F0]  }
0x9c: {  	v58 =	vld [tilespmem:s9+$0x370]  }
0x9d: {  	v1 =	vmax.f32 v52, v4;
	v14 =	vld [tilespmem:s9+$0x3F0]  }
0x9e: {  	v1 =	vmax.f32 v1, v2;
	v2 =	vld [tilespmem:s9+$0xFFFFFD40]  }
0x9f: {  	[tilespmem:s5+$0xFFFFFFB0] =	vst v1;
	v1 =	vld [tilespmem:s9+$0xFFFFFDC0]  }
0xa0: {  	v4 =	vld [tilespmem:s9+$0xFFFFFE40]  }
0xa1: {  	v7 =	vld [tilespmem:s9+$0xFFFFFEC0]  }
0xa2: {  	v8 =	vld [tilespmem:s9+$0xFFFFFF40]  }
0xa3: {  	v5 =	vld [tilespmem:s9+$0xFFFFFFC0]  }
0xa4: {  	v3 =	vmax.f32 v6, v3;
	v1 =	vmax.f32 v2, v1;
	v2 =	vld [tilespmem:s9+$0xC0]  }
0xa5: {  	v1 =	vmax.f32 v3, v1;
	v3 =	vld [tilespmem:s9+$0x140]  }
0xa6: {  	[tilespmem:s5+$0xFFFFFF40] =	vst v1;
	v1 =	vld [tilespmem:s9+$0x1C0]  }
0xa7: {  	v6 =	vld [tilespmem:s9+$0xFFFFFC50]  }
0xa8: {  	v4 =	vmax.f32 v4, v7;
	v5 =	vmax.f32 v8, v5;
	v7 =	vld [tilespmem:s9+$0xFFFFFCD0]  }
0xa9: {  	v4 =	vmax.f32 v4, v5;
	v5 =	vld [tilespmem:s9+$0xFFFFFD50]  }
0xaa: {  	[tilespmem:s5+$0xFFFFFFC0] =	vst v4;
	v4 =	vld [tilespmem:s9+$0xFFFFFDD0]  }
0xab: {  	v8 =	vld [tilespmem:s9+$0xFFFFFE50]  }
0xac: {  	v2 =	vmax.f32 v59, v2;
	v1 =	vmax.f32 v3, v1;
	v3 =	vld [tilespmem:s9+$0xFFFFFED0]  }
0xad: {  	v1 =	vmax.f32 v2, v1;
	v2 =	vld [tilespmem:s9+$0xFFFFFF50]  }
0xae: {  	[tilespmem:s5+$0x40] =	vst v1;
	v1 =	vld [tilespmem:s9+$0xFFFFFFD0]  }
0xaf: {  	v60 =	vld [tilespmem:s9+$0x50]  }
0xb0: {  	v6 =	vmax.f32 v6, v7;
	v4 =	vmax.f32 v5, v4;
	v5 =	vld [tilespmem:s9+$0xD0]  }
0xb1: {  	v4 =	vmax.f32 v6, v4;
	v6 =	vld [tilespmem:s9+$0x150]  }
0xb2: {  	[tilespmem:s5+$0xFFFFFF50] =	vst v4;
	v4 =	vld [tilespmem:s9+$0x1D0]  }
0xb3: {  	v7 =	vld [tilespmem:s9+$0xFFFFFC60]  }
0xb4: {  	v3 =	vmax.f32 v8, v3;
	v1 =	vmax.f32 v2, v1;
	v2 =	vld [tilespmem:s9+$0xFFFFFCE0]  }
0xb5: {  	v1 =	vmax.f32 v3, v1;
	v3 =	vld [tilespmem:s9+$0xFFFFFD60]  }
0xb6: {  	[tilespmem:s5+$0xFFFFFFD0] =	vst v1;
	v1 =	vld [tilespmem:s9+$0xFFFFFDE0]  }
0xb7: {  	v8 =	vld [tilespmem:s9+$0xFFFFFE60]  }
0xb8: {  	v5 =	vmax.f32 v60, v5;
	v4 =	vmax.f32 v6, v4;
	v6 =	vld [tilespmem:s9+$0xFFFFFEE0]  }
0xb9: {  	v4 =	vmax.f32 v5, v4;
	v5 =	vld [tilespmem:s9+$0xFFFFFF60]  }
0xba: {  	[tilespmem:s5+$0x50] =	vst v4;
	v4 =	vld [tilespmem:s9+$0xFFFFFFE0]  }
0xbb: {  	v61 =	vld [tilespmem:s9+$0x60]  }
0xbc: {  	v2 =	vmax.f32 v7, v2;
	v1 =	vmax.f32 v3, v1;
	v3 =	vld [tilespmem:s9+$0xE0]  }
0xbd: {  	v1 =	vmax.f32 v2, v1;
	v2 =	vld [tilespmem:s9+$0x160]  }
0xbe: {  	[tilespmem:s5+$0xFFFFFF60] =	vst v1;
	v1 =	vld [tilespmem:s9+$0x1E0]  }
0xbf: {  	v7 =	vld [tilespmem:s9+$0xFFFFFC70]  }
0xc0: {  	v6 =	vmax.f32 v8, v6;
	v4 =	vmax.f32 v5, v4;
	v5 =	vld [tilespmem:s9+$0xFFFFFCF0]  }
0xc1: {  	v4 =	vmax.f32 v6, v4;
	v6 =	vld [tilespmem:s9+$0xFFFFFD70]  }
0xc2: {  	[tilespmem:s5+$0xFFFFFFE0] =	vst v4;
	v4 =	vld [tilespmem:s9+$0xFFFFFDF0]  }
0xc3: {  	v8 =	vld [tilespmem:s9+$0xFFFFFE70]  }
0xc4: {  	v62 =	vld [tilespmem:s9+$0xFFFFFEF0];
	v3 =	vmax.f32 v61, v3;
	v1 =	vmax.f32 v2, v1  }
0xc5: {  	v2 =	vmax.f32 v3, v1;
	v1 =	vld [tilespmem:s9+$0xFFFFFF70]  }
0xc6: {  	v3 =	vld [tilespmem:s9+$0xFFFFFFF0];
	[tilespmem:s5+$0x60] =	vst v2  }
0xc7: {  	v10 =	vmax.f32 v56, v57;
	v63 =	vmax.f32 v58, v14;
	v2 =	vld [tilespmem:s9+$0x70]  }
0xc8: {  	v10 =	vmax.f32 v10, v63;
	v5 =	vmax.f32 v7, v5;
	v6 =	vmax.f32 v6, v4;
	v4 =	vld [tilespmem:s9+$0xF0]  }
0xc9: {  	[tilespmem:s5+$0xF0] =	vst v10;
	v6 =	vmax.f32 v5, v6;
	v5 =	vld [tilespmem:s9+$0x170]  }
0xca: {  	s14 =	simm.s32 $0x0;
	v7 =	vmax.f32 v8, v62;
	[tilespmem:s5+$0xFFFFFF70] =	vst v6;
	v6 =	vld [tilespmem:s9+$0x1F0];
	s9 =	simm.s32 $0x2C00  }
.LBB2_5:
0xcb: {  	v8 =	vld [tilespmem:s9+$0x200];
	v1 =	vmax.f32 v1, v3  }
0xcc: {  	v3 =	vld [tilespmem:s9+$0x280];
	v1 =	vmax.f32 v7, v1  }
0xcd: {  	v7 =	vld [tilespmem:s9+$0x300];
	[tilespmem:s5+$0xFFFFFFF0] =	vst v1;
	v1 =	vmax.f32 v2, v4  }
0xce: {  	v2 =	vld [tilespmem:s9+$0x380]  }
0xcf: {  	v4 =	vld [tilespmem:s9+$0xFFFFFC80];
	v5 =	vmax.f32 v5, v6  }
0xd0: {  	v6 =	vld [tilespmem:s9+$0xFFFFFD00];
	v1 =	vmax.f32 v1, v5  }
0xd1: {  	v5 =	vld [tilespmem:s9+$0xFFFFFD80];
	[tilespmem:s5+$0x70] =	vst v1  }
0xd2: {  	v1 =	vld [tilespmem:s9+$0xFFFFFE00]  }
0xd3: {  	v3 =	vmax.f32 v8, v3;
	v9 =	vld [tilespmem:s9+$0xFFFFFE80];
	v2 =	vmax.f32 v7, v2  }
0xd4: {  	s5 =	sadd.s32 $0x200, s5;
	v7 =	vld [tilespmem:s9+$0xFFFFFF00];
	v2 =	vmax.f32 v3, v2  }
0xd5: {  	v3 =	vld [tilespmem:s9+$0xFFFFFF80];
	[tilespmem:s5+$0x80] =	vst v2  }
0xd6: {  	v2 =	vmax.f32 v6, v5;
	v5 =	vld [tilespmem:s9+$0x210]  }
0xd7: {  	v6 =	vld [tilespmem:s9+$0x290]  }
0xd8: {  	v1 =	vmax.f32 v1, v9;
	v8 =	vld [tilespmem:s9+$0x310]  }
0xd9: {  	v9 =	vld [tilespmem:s9+$0x390]  }
0xda: {  	v3 =	vmax.f32 v7, v3;
	v7 =	vld [tilespmem:s9+$0x0]  }
0xdb: {  	v1 =	vmax.f32 v1, v3;
	v3 =	vld [tilespmem:s9+$0x80]  }
0xdc: {  	[tilespmem:s5+$0xFFFFFF80] =	vst v1;
	v1 =	vld [tilespmem:s9+$0x100]  }
0xdd: {  	v10 =	vld [tilespmem:s9+$0x180]  }
0xde: {  	v5 =	vmax.f32 v5, v6;
	v11 =	vld [tilespmem:s9+$0xFFFFFC00];
	v6 =	vmax.f32 v8, v9  }
0xdf: {  	v8 =	vld [tilespmem:s9+$0xFFFFFE10];
	v5 =	vmax.f32 v5, v6  }
0xe0: {  	v6 =	vld [tilespmem:s9+$0xFFFFFE90];
	v3 =	vmax.f32 v7, v3;
	[tilespmem:s5+$0x90] =	vst v5  }
0xe1: {  	v5 =	vld [tilespmem:s9+$0x220]  }
0xe2: {  	v1 =	vmax.f32 v1, v10;
	v7 =	vld [tilespmem:s9+$0x2A0]  }
0xe3: {  	s14 =	sadd.s32 $0x4, s14;
	v4 =	vmax.f32 v11, v4;
	v1 =	vmax.f32 v3, v1;
	v3 =	vld [tilespmem:s9+$0x320]  }
0xe4: {  	p1 =	slt.u32 s14, $0x1C;
	v2 =	vmax.f32 v4, v2;
	[tilespmem:s5+$0x0] =	vst v1;
	v1 =	vld [tilespmem:s9+$0x3A0]  }
0xe5: {  	[tilespmem:s5+$0xFFFFFF00] =	vst v2;
	v2 =	vmax.f32 v8, v6;
	v4 =	vld [tilespmem:s9+$0xFFFFFF10]  }
0xe6: {  	v6 =	vld [tilespmem:s9+$0xFFFFFC10]  }
0xe7: {  	v8 =	vld [tilespmem:s9+$0xFFFFFC90]  }
0xe8: {  	v9 =	vld [tilespmem:s9+$0xFFFFFD10]  }
0xe9: {  	v5 =	vmax.f32 v5, v7;
	v10 =	vld [tilespmem:s9+$0xFFFFFD90];
	v1 =	vmax.f32 v3, v1  }
0xea: {  	v3 =	vld [tilespmem:s9+$0xFFFFFF90];
	v1 =	vmax.f32 v5, v1  }
0xeb: {  	v5 =	vld [tilespmem:s9+$0x10];
	[tilespmem:s5+$0xA0] =	vst v1  }
0xec: {  	v1 =	vmax.f32 v6, v8;
	v6 =	vld [tilespmem:s9+$0x230]  }
0xed: {  	v7 =	vld [tilespmem:s9+$0x2B0]  }
0xee: {  	v8 =	vmax.f32 v9, v10;
	v9 =	vld [tilespmem:s9+$0x330]  }
0xef: {  	v1 =	vmax.f32 v1, v8;
	v3 =	vmax.f32 v4, v3;
	v4 =	vld [tilespmem:s9+$0x3B0]  }
0xf0: {  	[tilespmem:s5+$0xFFFFFF10] =	vst v1;
	v1 =	vmax.f32 v2, v3;
	v2 =	vld [tilespmem:s9+$0x90]  }
0xf1: {  	[tilespmem:s5+$0xFFFFFF90] =	vst v1;
	v1 =	vld [tilespmem:s9+$0x110]  }
0xf2: {  	v3 =	vld [tilespmem:s9+$0x190]  }
0xf3: {  	v8 =	vld [tilespmem:s9+$0xFFFFFC20]  }
0xf4: {  	v6 =	vmax.f32 v6, v7;
	v10 =	vld [tilespmem:s9+$0xFFFFFCA0];
	v4 =	vmax.f32 v9, v4  }
0xf5: {  	v7 =	vld [tilespmem:s9+$0xFFFFFD20];
	v2 =	vmax.f32 v5, v2;
	v4 =	vmax.f32 v6, v4  }
0xf6: {  	v5 =	vld [tilespmem:s9+$0xFFFFFDA0];
	[tilespmem:s5+$0xB0] =	vst v4  }
0xf7: {  	v1 =	vmax.f32 v1, v3;
	v3 =	vld [tilespmem:s9+$0x240]  }
0xf8: {  	v1 =	vmax.f32 v2, v1;
	v2 =	vld [tilespmem:s9+$0x2C0]  }
0xf9: {  	v4 =	vmax.f32 v8, v10;
	[tilespmem:s5+$0x10] =	vst v1;
	v1 =	vld [tilespmem:s9+$0x340]  }
0xfa: {  	v6 =	vld [tilespmem:s9+$0x3C0]  }
0xfb: {  	v5 =	vmax.f32 v7, v5;
	v7 =	vld [tilespmem:s9+$0xFFFFFE20]  }
0xfc: {  	v4 =	vmax.f32 v4, v5;
	v5 =	vld [tilespmem:s9+$0xFFFFFEA0]  }
0xfd: {  	[tilespmem:s5+$0xFFFFFF20] =	vst v4;
	v4 =	vld [tilespmem:s9+$0xFFFFFF20]  }
0xfe: {  	v8 =	vld [tilespmem:s9+$0xFFFFFFA0]  }
0xff: {  	v2 =	vmax.f32 v3, v2;
	v9 =	vld [tilespmem:s9+$0x20];
	v1 =	vmax.f32 v1, v6  }
0x100: {  	v3 =	vld [tilespmem:s9+$0xA0];
	v1 =	vmax.f32 v2, v1  }
0x101: {  	v2 =	vmax.f32 v7, v5;
	v5 =	vld [tilespmem:s9+$0x120];
	[tilespmem:s5+$0xC0] =	vst v1  }
0x102: {  	v1 =	vld [tilespmem:s9+$0x250]  }
0x103: {  	v4 =	vmax.f32 v4, v8;
	v6 =	vld [tilespmem:s9+$0x2D0]  }
0x104: {  	v2 =	vmax.f32 v2, v4;
	v4 =	vld [tilespmem:s9+$0x350]  }
0x105: {  	[tilespmem:s5+$0xFFFFFFA0] =	vst v2;
	v2 =	vmax.f32 v9, v3;
	v3 =	vld [tilespmem:s9+$0x3D0]  }
0x106: {  	v7 =	vld [tilespmem:s9+$0x1A0]  }
0x107: {  	v8 =	vld [tilespmem:s9+$0xFFFFFC30]  }
0x108: {  	v9 =	vld [tilespmem:s9+$0xFFFFFCB0]  }
0x109: {  	v10 =	vld [tilespmem:s9+$0xFFFFFD30]  }
0x10a: {  	v1 =	vmax.f32 v1, v6;
	v11 =	vld [tilespmem:s9+$0xFFFFFDB0];
	v3 =	vmax.f32 v4, v3  }
0x10b: {  	v4 =	vld [tilespmem:s9+$0xFFFFFE30];
	v5 =	vmax.f32 v5, v7;
	v1 =	vmax.f32 v1, v3  }
0x10c: {  	v3 =	vld [tilespmem:s9+$0xFFFFFEB0];
	v2 =	vmax.f32 v2, v5;
	[tilespmem:s5+$0xD0] =	vst v1  }
0x10d: {  	v1 =	vmax.f32 v8, v9;
	[tilespmem:s5+$0x20] =	vst v2;
	v2 =	vld [tilespmem:s9+$0x260]  }
0x10e: {  	v5 =	vld [tilespmem:s9+$0x2E0]  }
0x10f: {  	v6 =	vmax.f32 v10, v11;
	v7 =	vld [tilespmem:s9+$0x360]  }
0x110: {  	v1 =	vmax.f32 v1, v6;
	v6 =	vld [tilespmem:s9+$0x3E0]  }
0x111: {  	[tilespmem:s5+$0xFFFFFF30] =	vst v1;
	v1 =	vmax.f32 v4, v3;
	v3 =	vld [tilespmem:s9+$0xFFFFFF30]  }
0x112: {  	v4 =	vld [tilespmem:s9+$0xFFFFFFB0]  }
0x113: {  	v8 =	vld [tilespmem:s9+$0x30]  }
0x114: {  	v9 =	vld [tilespmem:s9+$0xB0]  }
0x115: {  	v2 =	vmax.f32 v2, v5;
	v10 =	vld [tilespmem:s9+$0x130];
	v5 =	vmax.f32 v7, v6  }
0x116: {  	v6 =	vld [tilespmem:s9+$0x1B0];
	v2 =	vmax.f32 v2, v5  }
0x117: {  	v5 =	vld [tilespmem:s9+$0xFFFFFC40];
	v3 =	vmax.f32 v3, v4;
	[tilespmem:s5+$0xE0] =	vst v2  }
0x118: {  	v1 =	vmax.f32 v1, v3;
	v2 =	vld [tilespmem:s9+$0x270]  }
0x119: {  	[tilespmem:s5+$0xFFFFFFB0] =	vst v1;
	v1 =	vmax.f32 v8, v9;
	v3 =	vld [tilespmem:s9+$0x2F0]  }
0x11a: {  	v4 =	vld [tilespmem:s9+$0x370]  }
0x11b: {  	v6 =	vmax.f32 v10, v6;
	v7 =	vld [tilespmem:s9+$0x3F0]  }
0x11c: {  	v8 =	vld [tilespmem:s9+$0xFFFFFCC0];
	v1 =	vmax.f32 v1, v6  }
0x11d: {  	v6 =	vld [tilespmem:s9+$0xFFFFFD40];
	[tilespmem:s5+$0x30] =	vst v1  }
0x11e: {  	v1 =	vld [tilespmem:s9+$0xFFFFFDC0]  }
0x11f: {  	v9 =	vld [tilespmem:s9+$0xFFFFFE40]  }
0x120: {  	v2 =	vmax.f32 v2, v3;
	v10 =	vld [tilespmem:s9+$0xFFFFFEC0];
	v3 =	vmax.f32 v4, v7  }
0x121: {  	v4 =	vmax.f32 v5, v8;
	v5 =	vld [tilespmem:s9+$0xFFFFFF40];
	v2 =	vmax.f32 v2, v3  }
0x122: {  	v3 =	vld [tilespmem:s9+$0xFFFFFFC0];
	[tilespmem:s5+$0xF0] =	vst v2  }
0x123: {  	v1 =	vmax.f32 v6, v1;
	v2 =	vld [tilespmem:s9+$0x40]  }
0x124: {  	v1 =	vmax.f32 v4, v1;
	v4 =	vld [tilespmem:s9+$0xC0]  }
0x125: {  	[tilespmem:s5+$0xFFFFFF40] =	vst v1;
	v1 =	vmax.f32 v9, v10;
	v6 =	vld [tilespmem:s9+$0x140]  }
0x126: {  	v7 =	vld [tilespmem:s9+$0x1C0]  }
0x127: {  	v8 =	vld [tilespmem:s9+$0xFFFFFC50];
	v3 =	vmax.f32 v5, v3  }
0x128: {  	v5 =	vld [tilespmem:s9+$0xFFFFFCD0];
	v1 =	vmax.f32 v1, v3  }
0x129: {  	v3 =	vld [tilespmem:s9+$0xFFFFFD50];
	[tilespmem:s5+$0xFFFFFFC0] =	vst v1;
	v1 =	vmax.f32 v2, v4  }
0x12a: {  	v2 =	vld [tilespmem:s9+$0xFFFFFDD0]  }
0x12b: {  	v4 =	vld [tilespmem:s9+$0xFFFFFE50];
	v6 =	vmax.f32 v6, v7  }
0x12c: {  	v7 =	vld [tilespmem:s9+$0xFFFFFED0];
	v1 =	vmax.f32 v1, v6  }
0x12d: {  	v5 =	vmax.f32 v8, v5;
	v6 =	vld [tilespmem:s9+$0xFFFFFF50];
	[tilespmem:s5+$0x40] =	vst v1  }
0x12e: {  	v1 =	vld [tilespmem:s9+$0xFFFFFFD0]  }
0x12f: {  	v2 =	vmax.f32 v3, v2;
	v3 =	vld [tilespmem:s9+$0x50]  }
0x130: {  	v2 =	vmax.f32 v5, v2;
	v5 =	vld [tilespmem:s9+$0xD0]  }
0x131: {  	[tilespmem:s5+$0xFFFFFF50] =	vst v2;
	v2 =	vmax.f32 v4, v7;
	v4 =	vld [tilespmem:s9+$0x150]  }
0x132: {  	v7 =	vld [tilespmem:s9+$0x1D0]  }
0x133: {  	v8 =	vld [tilespmem:s9+$0xFFFFFC60];
	v1 =	vmax.f32 v6, v1  }
0x134: {  	v6 =	vld [tilespmem:s9+$0xFFFFFCE0];
	v1 =	vmax.f32 v2, v1  }
0x135: {  	v2 =	vld [tilespmem:s9+$0xFFFFFD60];
	[tilespmem:s5+$0xFFFFFFD0] =	vst v1;
	v1 =	vmax.f32 v3, v5  }
0x136: {  	v3 =	vld [tilespmem:s9+$0xFFFFFDE0]  }
0x137: {  	v5 =	vld [tilespmem:s9+$0xFFFFFE60];
	v4 =	vmax.f32 v4, v7  }
0x138: {  	v7 =	vld [tilespmem:s9+$0xFFFFFEE0];
	v1 =	vmax.f32 v1, v4  }
0x139: {  	v4 =	vmax.f32 v8, v6;
	v6 =	vld [tilespmem:s9+$0xFFFFFF60];
	[tilespmem:s5+$0x50] =	vst v1  }
0x13a: {  	v1 =	vld [tilespmem:s9+$0xFFFFFFE0]  }
0x13b: {  	v2 =	vmax.f32 v2, v3;
	v3 =	vld [tilespmem:s9+$0x60]  }
0x13c: {  	v2 =	vmax.f32 v4, v2;
	v4 =	vld [tilespmem:s9+$0xE0]  }
0x13d: {  	[tilespmem:s5+$0xFFFFFF60] =	vst v2;
	v2 =	vmax.f32 v5, v7;
	v5 =	vld [tilespmem:s9+$0x160]  }
0x13e: {  	v7 =	vld [tilespmem:s9+$0x1E0]  }
0x13f: {  	v8 =	vld [tilespmem:s9+$0xFFFFFC70];
	v1 =	vmax.f32 v6, v1  }
0x140: {  	v6 =	vld [tilespmem:s9+$0xFFFFFCF0];
	v1 =	vmax.f32 v2, v1  }
0x141: {  	v2 =	vld [tilespmem:s9+$0xFFFFFD70];
	[tilespmem:s5+$0xFFFFFFE0] =	vst v1;
	v1 =	vmax.f32 v3, v4  }
0x142: {  	v4 =	vld [tilespmem:s9+$0xFFFFFDF0]  }
0x143: {  	v9 =	vld [tilespmem:s9+$0xFFFFFE70];
	v3 =	vmax.f32 v5, v7  }
0x144: {  	v5 =	vld [tilespmem:s9+$0xFFFFFEF0];
	v3 =	vmax.f32 v1, v3  }
0x145: {  	v6 =	vmax.f32 v8, v6;
	v1 =	vld [tilespmem:s9+$0xFFFFFF70];
	[tilespmem:s5+$0x60] =	vst v3  }
.Ltmp1:
0x146: {  	v3 =	vld [tilespmem:s9+$0xFFFFFFF0];
	(pc) =	sbr.rel @p1 .LBB2_5-.Ltmp1, $4  }
0x147: {  	v4 =	vmax.f32 v2, v4;
	v2 =	vld [tilespmem:s9+$0x70]  }
0x148: {  	v6 =	vmax.f32 v6, v4;
	v4 =	vld [tilespmem:s9+$0xF0]  }
0x149: {  	[tilespmem:s5+$0xFFFFFF70] =	vst v6;
	v7 =	vmax.f32 v9, v5;
	v5 =	vld [tilespmem:s9+$0x170]  }
0x14a: {  	v6 =	vld [tilespmem:s9+$0x1F0];
	s9 =	sadd.s32 $0x800, s9  }
0x14b: {  	_ =	sdelay $0x1  }
0x14c: {  	p1 =	sne.s32 s31, $0xF  }
.Ltmp2:
0x14d: {  	v1 =	vmax.f32 v1, v3;
	(pc) =	sbr.rel @p1 .LBB2_8-.Ltmp2, $4  }
0x14e: {  	v1 =	vmax.f32 v7, v1;
	v2 =	vmax.f32 v2, v4;
	v3 =	vmax.f32 v5, v6  }
0x14f: {  	s14 =	sor.u32 s6, s2;
	[tilespmem:s5+$0xFFFFFFF0] =	vst v1;
	v1 =	vmax.f32 v2, v3  }
0x150: {  	s10 =	sadd.s32 s3, s14;
	[tilespmem:s5+$0x70] =	vst v1  }
0x151: {  	[hbm4b:s10+s4] =	stream.linear.scatter [tilespmem:s18], [sflag:$0x5], $0x1000, $0x38;
	[tilespmem:$0x16000] =	vst v63  }
.Ltmp3:
0x152: {  	(pc) =	sbr.rel .LBB2_9-.Ltmp3, $4  }
0x153: {  	_ = 	snop  }
0x154: {  	_ =	swait.ge [sflag:s19], $0x4000  }
0x155: {  	[sflag:s19] =	ssyncset.done $0x0  }
0x156: {  	[sflag:s19] =	ssyncadd.s32 $0xFFFFC000  }
.LBB2_8:
0x157: {  	s5 =	sshrl.u32 s2, $0x2  }
.Ltmp4:
0x158: {  	s5 =	sadd.s32 $0x200, s5;
	(pc) =	sbr.rel @p0 .LBB2_10-.Ltmp4, $4  }
0x159: {  	[tilespmem:s12], [sflag:$0x1] =	stream.indirect.gather [hbm4b:s1+s11], $0x80, s5, s11, $0xb8;
	[tilespmem:$0x16000] =	vst v63  }
0x15a: {  	_ =	swait.ge [sflag:s19], $0x4000  }
0x15b: {  	[sflag:s19] =	ssyncset.done $0x0  }
0x15c: {  	[sflag:s19] =	ssyncadd.s32 $0xFFFFC000  }
.LBB2_9:
0x15d: {  	_ =	swait.ge [sflag:s20], $0x1000  }
0x15e: {  	[sflag:s20] =	ssyncset.done $0x0  }
0x15f: {  	[sflag:s20] =	ssyncadd.s32 $0xFFFFF000  }
.LBB2_10:
0x160: {  	s10 =	simm.s32 $0x67F0  }
0x161: {  	v1 =	vld [tilespmem:s10+$0xFFFFFE10]  }
0x162: {  	v2 =	vld [tilespmem:s10+$0xFFFFFE90]  }
0x163: {  	v3 =	vld [tilespmem:s10+$0xFFFFFF10]  }
0x164: {  	v4 =	vld [tilespmem:s10+$0xFFFFFF90]  }
0x165: {  	v5 =	vld [tilespmem:s10+$0xFFFFF890]  }
0x166: {  	v6 =	vld [tilespmem:s10+$0xFFFFF910]  }
0x167: {  	v7 =	vld [tilespmem:s10+$0xFFFFF990]  }
0x168: {  	v8 =	vld [tilespmem:s10+$0xFFFFFA10]  }
0x169: {  	v9 =	vld [tilespmem:s10+$0xFFFFFA90];
	v1 =	vmax.f32 v1, v2;
	v2 =	vmax.f32 v3, v4  }
0x16a: {  	s5 =	simm.s32 $0x131F0;
	v3 =	vld [tilespmem:s10+$0xFFFFFB10];
	v1 =	vmax.f32 v1, v2  }
0x16b: {  	v2 =	vld [tilespmem:s10+$0xFFFFFB90];
	[tilespmem:s5+$0xFFFFFF90] =	vst v1  }
0x16c: {  	v1 =	vld [tilespmem:s10+$0xFFFFFE20]  }
0x16d: {  	v4 =	vld [tilespmem:s10+$0xFFFFFEA0]  }
0x16e: {  	v10 =	vld [tilespmem:s10+$0xFFFFFF20]  }
0x16f: {  	v11 =	vld [tilespmem:s10+$0xFFFFFFA0]  }
0x170: {  	v12 =	vld [tilespmem:s10+$0xFFFFFC10]  }
0x171: {  	v13 =	vld [tilespmem:s10+$0xFFFFFC90]  }
0x172: {  	v8 =	vmax.f32 v8, v9;
	v2 =	vmax.f32 v3, v2;
	v3 =	vld [tilespmem:s10+$0xFFFFFD10]  }
0x173: {  	v2 =	vmax.f32 v8, v2;
	v8 =	vld [tilespmem:s10+$0xFFFFFD90]  }
0x174: {  	[tilespmem:s5+$0xFFFFFE90] =	vst v2;
	v2 =	vld [tilespmem:s10+$0xFFFFF810];
	v1 =	vmax.f32 v1, v4;
	v4 =	vmax.f32 v10, v11  }
0x175: {  	v37 =	vld [tilespmem:s10+$0xFFFFFA20];
	v1 =	vmax.f32 v1, v4  }
0x176: {  	v4 =	vld [tilespmem:s10+$0xFFFFFAA0];
	[tilespmem:s5+$0xFFFFFFA0] =	vst v1  }
0x177: {  	v1 =	vld [tilespmem:s10+$0xFFFFFE30]  }
0x178: {  	v6 =	vmax.f32 v6, v7;
	v38 =	vld [tilespmem:s10+$0xFFFFFEB0]  }
0x179: {  	v12 =	vmax.f32 v12, v13;
	v3 =	vmax.f32 v3, v8;
	v2 =	vmax.f32 v2, v5;
	v5 =	vld [tilespmem:s10+$0xFFFFFF30]  }
0x17a: {  	v3 =	vmax.f32 v12, v3;
	v2 =	vmax.f32 v2, v6;
	v6 =	vld [tilespmem:s10+$0xFFFFFFB0]  }
0x17b: {  	[tilespmem:s5+$0xFFFFFF10] =	vst v3;
	v3 =	vld [tilespmem:s10+$0xFFFFFBA0]  }
0x17c: {  	[tilespmem:s5+$0xFFFFFE10] =	vst v2;
	v2 =	vld [tilespmem:s10+$0xFFFFFB20]  }
0x17d: {  	v43 =	vld [tilespmem:s10+$0xFFFFFCA0]  }
0x17e: {  	v7 =	vld [tilespmem:s10+$0xFFFFF820]  }
0x17f: {  	v39 =	vld [tilespmem:s10+$0xFFFFF8A0]  }
0x180: {  	v8 =	vld [tilespmem:s10+$0xFFFFF920];
	v1 =	vmax.f32 v1, v38;
	v5 =	vmax.f32 v5, v6  }
0x181: {  	v40 =	vld [tilespmem:s10+$0xFFFFF9A0];
	v1 =	vmax.f32 v1, v5  }
0x182: {  	v5 =	vld [tilespmem:s10+$0xFFFFFC20];
	[tilespmem:s5+$0xFFFFFFB0] =	vst v1  }
0x183: {  	v1 =	vld [tilespmem:s10+$0xFFFFFE40]  }
0x184: {  	v6 =	vld [tilespmem:s10+$0xFFFFFEC0]  }
0x185: {  	v4 =	vmax.f32 v37, v4;
	v2 =	vmax.f32 v2, v3;
	v41 =	vld [tilespmem:s10+$0xFFFFFF40]  }
0x186: {  	v7 =	vmax.f32 v7, v39;
	v8 =	vmax.f32 v8, v40;
	v2 =	vmax.f32 v4, v2;
	v42 =	vld [tilespmem:s10+$0xFFFFFFC0]  }
0x187: {  	v7 =	vmax.f32 v7, v8;
	v8 =	vld [tilespmem:s10+$0xFFFFFD20];
	[tilespmem:s5+$0xFFFFFEA0] =	vst v2  }
0x188: {  	[tilespmem:s5+$0xFFFFFE20] =	vst v7;
	v7 =	vld [tilespmem:s10+$0xFFFFFDA0]  }
0x189: {  	v47 =	vld [tilespmem:s10+$0xFFFFFA30]  }
0x18a: {  	v44 =	vld [tilespmem:s10+$0xFFFFF830]  }
0x18b: {  	v45 =	vld [tilespmem:s10+$0xFFFFF930]  }
0x18c: {  	v46 =	vld [tilespmem:s10+$0xFFFFF9B0]  }
0x18d: {  	v1 =	vmax.f32 v1, v6;
	v6 =	vld [tilespmem:s10+$0xFFFFF8B0];
	v10 =	vmax.f32 v41, v42  }
0x18e: {  	v5 =	vmax.f32 v5, v43;
	v1 =	vmax.f32 v1, v10;
	v7 =	vmax.f32 v8, v7;
	v8 =	vld [tilespmem:s10+$0xFFFFFAB0]  }
0x18f: {  	[tilespmem:s5+$0xFFFFFFC0] =	vst v1;
	v5 =	vmax.f32 v5, v7;
	v7 =	vld [tilespmem:s10+$0xFFFFFB30]  }
0x190: {  	v1 =	vld [tilespmem:s10+$0xFFFFFE50]  }
0x191: {  	v3 =	vld [tilespmem:s10+$0xFFFFFED0]  }
0x192: {  	v4 =	vld [tilespmem:s10+$0xFFFFFF50]  }
0x193: {  	v2 =	vld [tilespmem:s10+$0xFFFFFFD0]  }
0x194: {  	v10 =	vmax.f32 v45, v46;
	[tilespmem:s5+$0xFFFFFF20] =	vst v5;
	v5 =	vld [tilespmem:s10+$0xFFFFFBB0];
	v6 =	vmax.f32 v44, v6  }
0x195: {  	v48 =	vld [tilespmem:s10+$0xFFFFFC30];
	v6 =	vmax.f32 v6, v10  }
0x196: {  	[tilespmem:s5+$0xFFFFFE30] =	vst v6;
	v6 =	vld [tilespmem:s10+$0xFFFFFDB0]  }
0x197: {  	v1 =	vmax.f32 v1, v3;
	v3 =	vld [tilespmem:s10+$0xFFFFFCB0]  }
0x198: {  	v51 =	vld [tilespmem:s10+$0xFFFFF840]  }
0x199: {  	v2 =	vmax.f32 v4, v2;
	v5 =	vmax.f32 v7, v5;
	v7 =	vld [tilespmem:s10+$0xFFFFF8C0]  }
0x19a: {  	v8 =	vmax.f32 v47, v8;
	v1 =	vmax.f32 v1, v2;
	v2 =	vld [tilespmem:s10+$0xFFFFFD30]  }
0x19b: {  	v5 =	vmax.f32 v8, v5;
	v8 =	vld [tilespmem:s10+$0xFFFFF940];
	[tilespmem:s5+$0xFFFFFFD0] =	vst v1  }
0x19c: {  	[tilespmem:s5+$0xFFFFFEB0] =	vst v5;
	v5 =	vld [tilespmem:s10+$0xFFFFF9C0]  }
0x19d: {  	v1 =	vld [tilespmem:s10+$0xFFFFFE60]  }
0x19e: {  	v4 =	vld [tilespmem:s10+$0xFFFFFEE0]  }
0x19f: {  	v49 =	vld [tilespmem:s10+$0xFFFFFF60]  }
0x1a0: {  	v50 =	vld [tilespmem:s10+$0xFFFFFFE0]  }
0x1a1: {  	v3 =	vmax.f32 v48, v3;
	v2 =	vmax.f32 v2, v6  }
0x1a2: {  	v2 =	vmax.f32 v3, v2;
	v3 =	vld [tilespmem:s10+$0xFFFFFB40]  }
0x1a3: {  	[tilespmem:s5+$0xFFFFFF30] =	vst v2;
	v2 =	vld [tilespmem:s10+$0xFFFFFBC0]  }
0x1a4: {  	v7 =	vmax.f32 v51, v7;
	v5 =	vmax.f32 v8, v5;
	v55 =	vld [tilespmem:s10+$0xFFFFFC40]  }
0x1a5: {  	v1 =	vmax.f32 v1, v4;
	v4 =	vmax.f32 v49, v50;
	v5 =	vmax.f32 v7, v5;
	v8 =	vld [tilespmem:s10+$0xFFFFFCC0]  }
0x1a6: {  	v1 =	vmax.f32 v1, v4;
	v7 =	vld [tilespmem:s10+$0xFFFFFD40];
	[tilespmem:s5+$0xFFFFFE40] =	vst v5  }
0x1a7: {  	v5 =	vld [tilespmem:s10+$0xFFFFFDC0];
	[tilespmem:s5+$0xFFFFFFE0] =	vst v1  }
0x1a8: {  	v1 =	vld [tilespmem:s10+$0xFFFFFE70]  }
0x1a9: {  	v53 =	vld [tilespmem:s10+$0xFFFFFEF0]  }
0x1aa: {  	v54 =	vld [tilespmem:s10+$0xFFFFFF70]  }
0x1ab: {  	v6 =	vld [tilespmem:s10+$0xFFFFFFF0];
	_ =	sdelay $0x2  }
0x1ac: {  	v52 =	vld [tilespmem:s10+$0xFFFFFA40]  }
0x1ad: {  	v4 =	vld [tilespmem:s10+$0xFFFFFAC0];
	v2 =	vmax.f32 v3, v2;
	v8 =	vmax.f32 v55, v8;
	v5 =	vmax.f32 v7, v5  }
0x1ae: {  	v3 =	vld [tilespmem:s10+$0xFFFFF8D0];
	v5 =	vmax.f32 v8, v5;
	v1 =	vmax.f32 v1, v53;
	v6 =	vmax.f32 v54, v6  }
0x1af: {  	[tilespmem:s5+$0xFFFFFF40] =	vst v5;
	v1 =	vmax.f32 v1, v6;
	v6 =	vld [tilespmem:s10+$0xFFFFF850]  }
0x1b0: {  	v59 =	vld [tilespmem:s10+$0xFFFFFC50];
	[tilespmem:s5+$0xFFFFFFF0] =	vst v1  }
0x1b1: {  	v56 =	vld [tilespmem:s10+$0xFFFFFE80]  }
0x1b2: {  	v57 =	vld [tilespmem:s10+$0xFFFFFF00]  }
0x1b3: {  	v58 =	vld [tilespmem:s10+$0xFFFFFF80]  }
0x1b4: {  	v1 =	vmax.f32 v52, v4;
	v14 =	vld [tilespmem:s10+$0x0]  }
0x1b5: {  	v1 =	vmax.f32 v1, v2;
	v2 =	vld [tilespmem:s10+$0xFFFFF950]  }
0x1b6: {  	[tilespmem:s5+$0xFFFFFEC0] =	vst v1;
	v1 =	vld [tilespmem:s10+$0xFFFFF9D0]  }
0x1b7: {  	v4 =	vld [tilespmem:s10+$0xFFFFFA50]  }
0x1b8: {  	v7 =	vld [tilespmem:s10+$0xFFFFFAD0]  }
0x1b9: {  	v8 =	vld [tilespmem:s10+$0xFFFFFB50]  }
0x1ba: {  	v5 =	vld [tilespmem:s10+$0xFFFFFBD0]  }
0x1bb: {  	v3 =	vmax.f32 v6, v3;
	v1 =	vmax.f32 v2, v1;
	v2 =	vld [tilespmem:s10+$0xFFFFFCD0]  }
0x1bc: {  	v1 =	vmax.f32 v3, v1;
	v3 =	vld [tilespmem:s10+$0xFFFFFD50]  }
0x1bd: {  	[tilespmem:s5+$0xFFFFFE50] =	vst v1;
	v1 =	vld [tilespmem:s10+$0xFFFFFDD0]  }
0x1be: {  	v6 =	vld [tilespmem:s10+$0xFFFFF860]  }
0x1bf: {  	v4 =	vmax.f32 v4, v7;
	v5 =	vmax.f32 v8, v5;
	v7 =	vld [tilespmem:s10+$0xFFFFF8E0]  }
0x1c0: {  	v4 =	vmax.f32 v4, v5;
	v5 =	vld [tilespmem:s10+$0xFFFFF960]  }
0x1c1: {  	[tilespmem:s5+$0xFFFFFED0] =	vst v4;
	v4 =	vld [tilespmem:s10+$0xFFFFF9E0]  }
0x1c2: {  	v8 =	vld [tilespmem:s10+$0xFFFFFA60]  }
0x1c3: {  	v2 =	vmax.f32 v59, v2;
	v1 =	vmax.f32 v3, v1;
	v3 =	vld [tilespmem:s10+$0xFFFFFAE0]  }
0x1c4: {  	v1 =	vmax.f32 v2, v1;
	v2 =	vld [tilespmem:s10+$0xFFFFFB60]  }
0x1c5: {  	[tilespmem:s5+$0xFFFFFF50] =	vst v1;
	v1 =	vld [tilespmem:s10+$0xFFFFFBE0]  }
0x1c6: {  	v60 =	vld [tilespmem:s10+$0xFFFFFC60]  }
0x1c7: {  	v6 =	vmax.f32 v6, v7;
	v4 =	vmax.f32 v5, v4;
	v5 =	vld [tilespmem:s10+$0xFFFFFCE0]  }
0x1c8: {  	v4 =	vmax.f32 v6, v4;
	v6 =	vld [tilespmem:s10+$0xFFFFFD60]  }
0x1c9: {  	[tilespmem:s5+$0xFFFFFE60] =	vst v4;
	v4 =	vld [tilespmem:s10+$0xFFFFFDE0]  }
0x1ca: {  	v7 =	vld [tilespmem:s10+$0xFFFFF870]  }
0x1cb: {  	v3 =	vmax.f32 v8, v3;
	v1 =	vmax.f32 v2, v1;
	v2 =	vld [tilespmem:s10+$0xFFFFF8F0]  }
0x1cc: {  	v1 =	vmax.f32 v3, v1;
	v3 =	vld [tilespmem:s10+$0xFFFFF970]  }
0x1cd: {  	[tilespmem:s5+$0xFFFFFEE0] =	vst v1;
	v1 =	vld [tilespmem:s10+$0xFFFFF9F0]  }
0x1ce: {  	v8 =	vld [tilespmem:s10+$0xFFFFFA70]  }
0x1cf: {  	v5 =	vmax.f32 v60, v5;
	v4 =	vmax.f32 v6, v4;
	v6 =	vld [tilespmem:s10+$0xFFFFFAF0]  }
0x1d0: {  	v4 =	vmax.f32 v5, v4;
	v5 =	vld [tilespmem:s10+$0xFFFFFB70]  }
0x1d1: {  	[tilespmem:s5+$0xFFFFFF60] =	vst v4;
	v4 =	vld [tilespmem:s10+$0xFFFFFBF0]  }
0x1d2: {  	v61 =	vld [tilespmem:s10+$0xFFFFFC70]  }
0x1d3: {  	v2 =	vmax.f32 v7, v2;
	v1 =	vmax.f32 v3, v1;
	v3 =	vld [tilespmem:s10+$0xFFFFFCF0]  }
0x1d4: {  	v1 =	vmax.f32 v2, v1;
	v2 =	vld [tilespmem:s10+$0xFFFFFD70]  }
0x1d5: {  	[tilespmem:s5+$0xFFFFFE70] =	vst v1;
	v1 =	vld [tilespmem:s10+$0xFFFFFDF0]  }
0x1d6: {  	v7 =	vld [tilespmem:s10+$0xFFFFF880]  }
0x1d7: {  	v6 =	vmax.f32 v8, v6;
	v4 =	vmax.f32 v5, v4;
	v5 =	vld [tilespmem:s10+$0xFFFFF900]  }
0x1d8: {  	v4 =	vmax.f32 v6, v4;
	v6 =	vld [tilespmem:s10+$0xFFFFF980]  }
0x1d9: {  	[tilespmem:s5+$0xFFFFFEF0] =	vst v4;
	v4 =	vld [tilespmem:s10+$0xFFFFFA00]  }
0x1da: {  	v8 =	vld [tilespmem:s10+$0xFFFFFA80]  }
0x1db: {  	v62 =	vld [tilespmem:s10+$0xFFFFFB00];
	v3 =	vmax.f32 v61, v3;
	v1 =	vmax.f32 v2, v1  }
0x1dc: {  	v2 =	vmax.f32 v3, v1;
	v1 =	vld [tilespmem:s10+$0xFFFFFB80]  }
0x1dd: {  	v3 =	vld [tilespmem:s10+$0xFFFFFC00];
	[tilespmem:s5+$0xFFFFFF70] =	vst v2  }
0x1de: {  	v10 =	vmax.f32 v56, v57;
	v63 =	vmax.f32 v58, v14;
	v2 =	vld [tilespmem:s10+$0xFFFFFC80]  }
0x1df: {  	v10 =	vmax.f32 v10, v63;
	v5 =	vmax.f32 v7, v5;
	v6 =	vmax.f32 v6, v4;
	v4 =	vld [tilespmem:s10+$0xFFFFFD00]  }
0x1e0: {  	[tilespmem:s5+$0x0] =	vst v10;
	v6 =	vmax.f32 v5, v6;
	v5 =	vld [tilespmem:s10+$0xFFFFFD80]  }
0x1e1: {  	s9 =	simm.s32 $0x0;
	v7 =	vmax.f32 v8, v62;
	[tilespmem:s5+$0xFFFFFE80] =	vst v6;
	v6 =	vld [tilespmem:s10+$0xFFFFFE00];
	s10 =	simm.s32 $0x6FF0  }
.LBB2_11:
0x1e2: {  	v8 =	vld [tilespmem:s10+$0xFFFFFE10];
	v1 =	vmax.f32 v1, v3  }
0x1e3: {  	v3 =	vld [tilespmem:s10+$0xFFFFFE90];
	v1 =	vmax.f32 v7, v1  }
0x1e4: {  	v7 =	vld [tilespmem:s10+$0xFFFFFF10];
	[tilespmem:s5+$0xFFFFFF00] =	vst v1;
	v1 =	vmax.f32 v2, v4  }
0x1e5: {  	v2 =	vld [tilespmem:s10+$0xFFFFFF90]  }
0x1e6: {  	v4 =	vld [tilespmem:s10+$0xFFFFF890];
	v5 =	vmax.f32 v5, v6  }
0x1e7: {  	v6 =	vld [tilespmem:s10+$0xFFFFF910];
	v1 =	vmax.f32 v1, v5  }
0x1e8: {  	v5 =	vld [tilespmem:s10+$0xFFFFF990];
	[tilespmem:s5+$0xFFFFFF80] =	vst v1  }
0x1e9: {  	v1 =	vld [tilespmem:s10+$0xFFFFFA10]  }
0x1ea: {  	v3 =	vmax.f32 v8, v3;
	v9 =	vld [tilespmem:s10+$0xFFFFFA90];
	v2 =	vmax.f32 v7, v2  }
0x1eb: {  	s5 =	sadd.s32 $0x200, s5;
	v7 =	vld [tilespmem:s10+$0xFFFFFB10];
	v2 =	vmax.f32 v3, v2  }
0x1ec: {  	v3 =	vld [tilespmem:s10+$0xFFFFFB90];
	[tilespmem:s5+$0xFFFFFF90] =	vst v2  }
0x1ed: {  	v2 =	vmax.f32 v6, v5;
	v5 =	vld [tilespmem:s10+$0xFFFFFE20]  }
0x1ee: {  	v6 =	vld [tilespmem:s10+$0xFFFFFEA0]  }
0x1ef: {  	v1 =	vmax.f32 v1, v9;
	v8 =	vld [tilespmem:s10+$0xFFFFFF20]  }
0x1f0: {  	v9 =	vld [tilespmem:s10+$0xFFFFFFA0]  }
0x1f1: {  	v3 =	vmax.f32 v7, v3;
	v7 =	vld [tilespmem:s10+$0xFFFFFC10]  }
0x1f2: {  	v1 =	vmax.f32 v1, v3;
	v3 =	vld [tilespmem:s10+$0xFFFFFC90]  }
0x1f3: {  	[tilespmem:s5+$0xFFFFFE90] =	vst v1;
	v1 =	vld [tilespmem:s10+$0xFFFFFD10]  }
0x1f4: {  	v10 =	vld [tilespmem:s10+$0xFFFFFD90]  }
0x1f5: {  	v5 =	vmax.f32 v5, v6;
	v11 =	vld [tilespmem:s10+$0xFFFFF810];
	v6 =	vmax.f32 v8, v9  }
0x1f6: {  	v8 =	vld [tilespmem:s10+$0xFFFFFA20];
	v5 =	vmax.f32 v5, v6  }
0x1f7: {  	v6 =	vld [tilespmem:s10+$0xFFFFFAA0];
	v3 =	vmax.f32 v7, v3;
	[tilespmem:s5+$0xFFFFFFA0] =	vst v5  }
0x1f8: {  	v5 =	vld [tilespmem:s10+$0xFFFFFE30]  }
0x1f9: {  	v1 =	vmax.f32 v1, v10;
	v7 =	vld [tilespmem:s10+$0xFFFFFEB0]  }
0x1fa: {  	s9 =	sadd.s32 $0x4, s9;
	v4 =	vmax.f32 v11, v4;
	v1 =	vmax.f32 v3, v1;
	v3 =	vld [tilespmem:s10+$0xFFFFFF30]  }
0x1fb: {  	p2 =	slt.u32 s9, $0x1C;
	v2 =	vmax.f32 v4, v2;
	[tilespmem:s5+$0xFFFFFF10] =	vst v1;
	v1 =	vld [tilespmem:s10+$0xFFFFFFB0]  }
0x1fc: {  	[tilespmem:s5+$0xFFFFFE10] =	vst v2;
	v2 =	vmax.f32 v8, v6;
	v4 =	vld [tilespmem:s10+$0xFFFFFB20]  }
0x1fd: {  	v6 =	vld [tilespmem:s10+$0xFFFFF820]  }
0x1fe: {  	v8 =	vld [tilespmem:s10+$0xFFFFF8A0]  }
0x1ff: {  	v9 =	vld [tilespmem:s10+$0xFFFFF920]  }
0x200: {  	v5 =	vmax.f32 v5, v7;
	v10 =	vld [tilespmem:s10+$0xFFFFF9A0];
	v1 =	vmax.f32 v3, v1  }
0x201: {  	v3 =	vld [tilespmem:s10+$0xFFFFFBA0];
	v1 =	vmax.f32 v5, v1  }
0x202: {  	v5 =	vld [tilespmem:s10+$0xFFFFFC20];
	[tilespmem:s5+$0xFFFFFFB0] =	vst v1  }
0x203: {  	v1 =	vmax.f32 v6, v8;
	v6 =	vld [tilespmem:s10+$0xFFFFFE40]  }
0x204: {  	v7 =	vld [tilespmem:s10+$0xFFFFFEC0]  }
0x205: {  	v8 =	vmax.f32 v9, v10;
	v9 =	vld [tilespmem:s10+$0xFFFFFF40]  }
0x206: {  	v1 =	vmax.f32 v1, v8;
	v3 =	vmax.f32 v4, v3;
	v4 =	vld [tilespmem:s10+$0xFFFFFFC0]  }
0x207: {  	[tilespmem:s5+$0xFFFFFE20] =	vst v1;
	v1 =	vmax.f32 v2, v3;
	v2 =	vld [tilespmem:s10+$0xFFFFFCA0]  }
0x208: {  	[tilespmem:s5+$0xFFFFFEA0] =	vst v1;
	v1 =	vld [tilespmem:s10+$0xFFFFFD20]  }
0x209: {  	v3 =	vld [tilespmem:s10+$0xFFFFFDA0]  }
0x20a: {  	v8 =	vld [tilespmem:s10+$0xFFFFF830]  }
0x20b: {  	v6 =	vmax.f32 v6, v7;
	v10 =	vld [tilespmem:s10+$0xFFFFF8B0];
	v4 =	vmax.f32 v9, v4  }
0x20c: {  	v7 =	vld [tilespmem:s10+$0xFFFFF930];
	v2 =	vmax.f32 v5, v2;
	v4 =	vmax.f32 v6, v4  }
0x20d: {  	v5 =	vld [tilespmem:s10+$0xFFFFF9B0];
	[tilespmem:s5+$0xFFFFFFC0] =	vst v4  }
0x20e: {  	v1 =	vmax.f32 v1, v3;
	v3 =	vld [tilespmem:s10+$0xFFFFFE50]  }
0x20f: {  	v1 =	vmax.f32 v2, v1;
	v2 =	vld [tilespmem:s10+$0xFFFFFED0]  }
0x210: {  	v4 =	vmax.f32 v8, v10;
	[tilespmem:s5+$0xFFFFFF20] =	vst v1;
	v1 =	vld [tilespmem:s10+$0xFFFFFF50]  }
0x211: {  	v6 =	vld [tilespmem:s10+$0xFFFFFFD0]  }
0x212: {  	v5 =	vmax.f32 v7, v5;
	v7 =	vld [tilespmem:s10+$0xFFFFFA30]  }
0x213: {  	v4 =	vmax.f32 v4, v5;
	v5 =	vld [tilespmem:s10+$0xFFFFFAB0]  }
0x214: {  	[tilespmem:s5+$0xFFFFFE30] =	vst v4;
	v4 =	vld [tilespmem:s10+$0xFFFFFB30]  }
0x215: {  	v8 =	vld [tilespmem:s10+$0xFFFFFBB0]  }
0x216: {  	v2 =	vmax.f32 v3, v2;
	v9 =	vld [tilespmem:s10+$0xFFFFFC30];
	v1 =	vmax.f32 v1, v6  }
0x217: {  	v3 =	vld [tilespmem:s10+$0xFFFFFCB0];
	v1 =	vmax.f32 v2, v1  }
0x218: {  	v2 =	vmax.f32 v7, v5;
	v5 =	vld [tilespmem:s10+$0xFFFFFD30];
	[tilespmem:s5+$0xFFFFFFD0] =	vst v1  }
0x219: {  	v1 =	vld [tilespmem:s10+$0xFFFFFE60]  }
0x21a: {  	v4 =	vmax.f32 v4, v8;
	v6 =	vld [tilespmem:s10+$0xFFFFFEE0]  }
0x21b: {  	v2 =	vmax.f32 v2, v4;
	v4 =	vld [tilespmem:s10+$0xFFFFFF60]  }
0x21c: {  	[tilespmem:s5+$0xFFFFFEB0] =	vst v2;
	v2 =	vmax.f32 v9, v3;
	v3 =	vld [tilespmem:s10+$0xFFFFFFE0]  }
0x21d: {  	v7 =	vld [tilespmem:s10+$0xFFFFFDB0]  }
0x21e: {  	v8 =	vld [tilespmem:s10+$0xFFFFF840]  }
0x21f: {  	v9 =	vld [tilespmem:s10+$0xFFFFF8C0]  }
0x220: {  	v10 =	vld [tilespmem:s10+$0xFFFFF940]  }
0x221: {  	v1 =	vmax.f32 v1, v6;
	v11 =	vld [tilespmem:s10+$0xFFFFF9C0];
	v3 =	vmax.f32 v4, v3  }
0x222: {  	v4 =	vld [tilespmem:s10+$0xFFFFFA40];
	v5 =	vmax.f32 v5, v7;
	v1 =	vmax.f32 v1, v3  }
0x223: {  	v3 =	vld [tilespmem:s10+$0xFFFFFAC0];
	v2 =	vmax.f32 v2, v5;
	[tilespmem:s5+$0xFFFFFFE0] =	vst v1  }
0x224: {  	v1 =	vmax.f32 v8, v9;
	[tilespmem:s5+$0xFFFFFF30] =	vst v2;
	v2 =	vld [tilespmem:s10+$0xFFFFFE70]  }
0x225: {  	v5 =	vld [tilespmem:s10+$0xFFFFFEF0]  }
0x226: {  	v6 =	vmax.f32 v10, v11;
	v7 =	vld [tilespmem:s10+$0xFFFFFF70]  }
0x227: {  	v1 =	vmax.f32 v1, v6;
	v6 =	vld [tilespmem:s10+$0xFFFFFFF0]  }
0x228: {  	[tilespmem:s5+$0xFFFFFE40] =	vst v1;
	v1 =	vmax.f32 v4, v3;
	v3 =	vld [tilespmem:s10+$0xFFFFFB40]  }
0x229: {  	v4 =	vld [tilespmem:s10+$0xFFFFFBC0]  }
0x22a: {  	v8 =	vld [tilespmem:s10+$0xFFFFFC40]  }
0x22b: {  	v9 =	vld [tilespmem:s10+$0xFFFFFCC0]  }
0x22c: {  	v2 =	vmax.f32 v2, v5;
	v10 =	vld [tilespmem:s10+$0xFFFFFD40];
	v5 =	vmax.f32 v7, v6  }
0x22d: {  	v6 =	vld [tilespmem:s10+$0xFFFFFDC0];
	v2 =	vmax.f32 v2, v5  }
0x22e: {  	v5 =	vld [tilespmem:s10+$0xFFFFF850];
	v3 =	vmax.f32 v3, v4;
	[tilespmem:s5+$0xFFFFFFF0] =	vst v2  }
0x22f: {  	v1 =	vmax.f32 v1, v3;
	v2 =	vld [tilespmem:s10+$0xFFFFFE80]  }
0x230: {  	[tilespmem:s5+$0xFFFFFEC0] =	vst v1;
	v1 =	vmax.f32 v8, v9;
	v3 =	vld [tilespmem:s10+$0xFFFFFF00]  }
0x231: {  	v4 =	vld [tilespmem:s10+$0xFFFFFF80]  }
0x232: {  	v6 =	vmax.f32 v10, v6;
	v7 =	vld [tilespmem:s10+$0x0]  }
0x233: {  	v8 =	vld [tilespmem:s10+$0xFFFFF8D0];
	v1 =	vmax.f32 v1, v6  }
0x234: {  	v6 =	vld [tilespmem:s10+$0xFFFFF950];
	[tilespmem:s5+$0xFFFFFF40] =	vst v1  }
0x235: {  	v1 =	vld [tilespmem:s10+$0xFFFFF9D0]  }
0x236: {  	v9 =	vld [tilespmem:s10+$0xFFFFFA50]  }
0x237: {  	v2 =	vmax.f32 v2, v3;
	v10 =	vld [tilespmem:s10+$0xFFFFFAD0];
	v3 =	vmax.f32 v4, v7  }
0x238: {  	v4 =	vmax.f32 v5, v8;
	v5 =	vld [tilespmem:s10+$0xFFFFFB50];
	v2 =	vmax.f32 v2, v3  }
0x239: {  	v3 =	vld [tilespmem:s10+$0xFFFFFBD0];
	[tilespmem:s5+$0x0] =	vst v2  }
0x23a: {  	v1 =	vmax.f32 v6, v1;
	v2 =	vld [tilespmem:s10+$0xFFFFFC50]  }
0x23b: {  	v1 =	vmax.f32 v4, v1;
	v4 =	vld [tilespmem:s10+$0xFFFFFCD0]  }
0x23c: {  	[tilespmem:s5+$0xFFFFFE50] =	vst v1;
	v1 =	vmax.f32 v9, v10;
	v6 =	vld [tilespmem:s10+$0xFFFFFD50]  }
0x23d: {  	v7 =	vld [tilespmem:s10+$0xFFFFFDD0]  }
0x23e: {  	v8 =	vld [tilespmem:s10+$0xFFFFF860];
	v3 =	vmax.f32 v5, v3  }
0x23f: {  	v5 =	vld [tilespmem:s10+$0xFFFFF8E0];
	v1 =	vmax.f32 v1, v3  }
0x240: {  	v3 =	vld [tilespmem:s10+$0xFFFFF960];
	[tilespmem:s5+$0xFFFFFED0] =	vst v1;
	v1 =	vmax.f32 v2, v4  }
0x241: {  	v2 =	vld [tilespmem:s10+$0xFFFFF9E0]  }
0x242: {  	v4 =	vld [tilespmem:s10+$0xFFFFFA60];
	v6 =	vmax.f32 v6, v7  }
0x243: {  	v7 =	vld [tilespmem:s10+$0xFFFFFAE0];
	v1 =	vmax.f32 v1, v6  }
0x244: {  	v5 =	vmax.f32 v8, v5;
	v6 =	vld [tilespmem:s10+$0xFFFFFB60];
	[tilespmem:s5+$0xFFFFFF50] =	vst v1  }
0x245: {  	v1 =	vld [tilespmem:s10+$0xFFFFFBE0]  }
0x246: {  	v2 =	vmax.f32 v3, v2;
	v3 =	vld [tilespmem:s10+$0xFFFFFC60]  }
0x247: {  	v2 =	vmax.f32 v5, v2;
	v5 =	vld [tilespmem:s10+$0xFFFFFCE0]  }
0x248: {  	[tilespmem:s5+$0xFFFFFE60] =	vst v2;
	v2 =	vmax.f32 v4, v7;
	v4 =	vld [tilespmem:s10+$0xFFFFFD60]  }
0x249: {  	v7 =	vld [tilespmem:s10+$0xFFFFFDE0]  }
0x24a: {  	v8 =	vld [tilespmem:s10+$0xFFFFF870];
	v1 =	vmax.f32 v6, v1  }
0x24b: {  	v6 =	vld [tilespmem:s10+$0xFFFFF8F0];
	v1 =	vmax.f32 v2, v1  }
0x24c: {  	v2 =	vld [tilespmem:s10+$0xFFFFF970];
	[tilespmem:s5+$0xFFFFFEE0] =	vst v1;
	v1 =	vmax.f32 v3, v5  }
0x24d: {  	v3 =	vld [tilespmem:s10+$0xFFFFF9F0]  }
0x24e: {  	v5 =	vld [tilespmem:s10+$0xFFFFFA70];
	v4 =	vmax.f32 v4, v7  }
0x24f: {  	v7 =	vld [tilespmem:s10+$0xFFFFFAF0];
	v1 =	vmax.f32 v1, v4  }
0x250: {  	v4 =	vmax.f32 v8, v6;
	v6 =	vld [tilespmem:s10+$0xFFFFFB70];
	[tilespmem:s5+$0xFFFFFF60] =	vst v1  }
0x251: {  	v1 =	vld [tilespmem:s10+$0xFFFFFBF0]  }
0x252: {  	v2 =	vmax.f32 v2, v3;
	v3 =	vld [tilespmem:s10+$0xFFFFFC70]  }
0x253: {  	v2 =	vmax.f32 v4, v2;
	v4 =	vld [tilespmem:s10+$0xFFFFFCF0]  }
0x254: {  	[tilespmem:s5+$0xFFFFFE70] =	vst v2;
	v2 =	vmax.f32 v5, v7;
	v5 =	vld [tilespmem:s10+$0xFFFFFD70]  }
0x255: {  	v7 =	vld [tilespmem:s10+$0xFFFFFDF0]  }
0x256: {  	v8 =	vld [tilespmem:s10+$0xFFFFF880];
	v1 =	vmax.f32 v6, v1  }
0x257: {  	v6 =	vld [tilespmem:s10+$0xFFFFF900];
	v1 =	vmax.f32 v2, v1  }
0x258: {  	v2 =	vld [tilespmem:s10+$0xFFFFF980];
	[tilespmem:s5+$0xFFFFFEF0] =	vst v1;
	v1 =	vmax.f32 v3, v4  }
0x259: {  	v4 =	vld [tilespmem:s10+$0xFFFFFA00]  }
0x25a: {  	v9 =	vld [tilespmem:s10+$0xFFFFFA80];
	v3 =	vmax.f32 v5, v7  }
0x25b: {  	v5 =	vld [tilespmem:s10+$0xFFFFFB00];
	v3 =	vmax.f32 v1, v3  }
0x25c: {  	v6 =	vmax.f32 v8, v6;
	v1 =	vld [tilespmem:s10+$0xFFFFFB80];
	[tilespmem:s5+$0xFFFFFF70] =	vst v3  }
.Ltmp5:
0x25d: {  	v3 =	vld [tilespmem:s10+$0xFFFFFC00];
	(pc) =	sbr.rel @p2 .LBB2_11-.Ltmp5, $4  }
0x25e: {  	v4 =	vmax.f32 v2, v4;
	v2 =	vld [tilespmem:s10+$0xFFFFFC80]  }
0x25f: {  	v6 =	vmax.f32 v6, v4;
	v4 =	vld [tilespmem:s10+$0xFFFFFD00]  }
0x260: {  	[tilespmem:s5+$0xFFFFFE80] =	vst v6;
	v7 =	vmax.f32 v9, v5;
	v5 =	vld [tilespmem:s10+$0xFFFFFD80]  }
0x261: {  	v6 =	vld [tilespmem:s10+$0xFFFFFE00];
	s10 =	sadd.s32 $0x800, s10  }
0x262: {  	_ =	sdelay $0x2  }
.Ltmp6:
0x263: {  	v1 =	vmax.f32 v1, v3;
	(pc) =	sbr.rel @p1 .LBB2_14-.Ltmp6, $4  }
0x264: {  	v1 =	vmax.f32 v7, v1;
	v2 =	vmax.f32 v2, v4;
	v3 =	vmax.f32 v5, v6  }
0x265: {  	s9 =	sadd.s32 s2, s7;
	[tilespmem:s5+$0xFFFFFF00] =	vst v1;
	v1 =	vmax.f32 v2, v3  }
0x266: {  	s10 =	sadd.s32 $0x200, s9;
	[tilespmem:s5+$0xFFFFFF80] =	vst v1  }
0x267: {  	[hbm4b:s10+s4] =	stream.linear.scatter [tilespmem:s21], [sflag:$0x6], $0x1000, $0x38;
	[tilespmem:$0x16000] =	vst v63  }
.Ltmp7:
0x268: {  	(pc) =	sbr.rel .LBB2_15-.Ltmp7, $4  }
0x269: {  	_ = 	snop  }
0x26a: {  	_ =	swait.ge [sflag:s22], $0x4000  }
0x26b: {  	[sflag:s22] =	ssyncset.done $0x0  }
0x26c: {  	[sflag:s22] =	ssyncadd.s32 $0xFFFFC000  }
.LBB2_14:
0x26d: {  	s5 =	sshrl.u32 s2, $0x2  }
.Ltmp8:
0x26e: {  	s5 =	sadd.s32 $0x280, s5;
	(pc) =	sbr.rel @p0 .LBB2_16-.Ltmp8, $4  }
0x26f: {  	[tilespmem:s13], [sflag:$0x2] =	stream.indirect.gather [hbm4b:s1+s11], $0x80, s5, s11, $0xb8;
	[tilespmem:$0x16000] =	vst v63  }
0x270: {  	_ =	swait.ge [sflag:s22], $0x4000  }
0x271: {  	[sflag:s22] =	ssyncset.done $0x0  }
0x272: {  	[sflag:s22] =	ssyncadd.s32 $0xFFFFC000  }
.LBB2_15:
0x273: {  	_ =	swait.ge [sflag:s23], $0x1000  }
0x274: {  	[sflag:s23] =	ssyncset.done $0x0  }
0x275: {  	[sflag:s23] =	ssyncadd.s32 $0xFFFFF000  }
.LBB2_16:
0x276: {  	s10 =	simm.s32 $0xA7F0  }
0x277: {  	v1 =	vld [tilespmem:s10+$0xFFFFFE10]  }
0x278: {  	v2 =	vld [tilespmem:s10+$0xFFFFFE90]  }
0x279: {  	v3 =	vld [tilespmem:s10+$0xFFFFFF10]  }
0x27a: {  	v4 =	vld [tilespmem:s10+$0xFFFFFF90]  }
0x27b: {  	v5 =	vld [tilespmem:s10+$0xFFFFF890]  }
0x27c: {  	v6 =	vld [tilespmem:s10+$0xFFFFF910]  }
0x27d: {  	v7 =	vld [tilespmem:s10+$0xFFFFF990]  }
0x27e: {  	v8 =	vld [tilespmem:s10+$0xFFFFFA10]  }
0x27f: {  	v9 =	vld [tilespmem:s10+$0xFFFFFA90];
	v1 =	vmax.f32 v1, v2;
	v2 =	vmax.f32 v3, v4  }
0x280: {  	s5 =	simm.s32 $0x141F0;
	v3 =	vld [tilespmem:s10+$0xFFFFFB10];
	v1 =	vmax.f32 v1, v2  }
0x281: {  	v2 =	vld [tilespmem:s10+$0xFFFFFB90];
	[tilespmem:s5+$0xFFFFFF90] =	vst v1  }
0x282: {  	v1 =	vld [tilespmem:s10+$0xFFFFFE20]  }
0x283: {  	v4 =	vld [tilespmem:s10+$0xFFFFFEA0]  }
0x284: {  	v10 =	vld [tilespmem:s10+$0xFFFFFF20]  }
0x285: {  	v11 =	vld [tilespmem:s10+$0xFFFFFFA0]  }
0x286: {  	v12 =	vld [tilespmem:s10+$0xFFFFFC10]  }
0x287: {  	v13 =	vld [tilespmem:s10+$0xFFFFFC90]  }
0x288: {  	v8 =	vmax.f32 v8, v9;
	v2 =	vmax.f32 v3, v2;
	v3 =	vld [tilespmem:s10+$0xFFFFFD10]  }
0x289: {  	v2 =	vmax.f32 v8, v2;
	v8 =	vld [tilespmem:s10+$0xFFFFFD90]  }
0x28a: {  	[tilespmem:s5+$0xFFFFFE90] =	vst v2;
	v2 =	vld [tilespmem:s10+$0xFFFFF810];
	v1 =	vmax.f32 v1, v4;
	v4 =	vmax.f32 v10, v11  }
0x28b: {  	v37 =	vld [tilespmem:s10+$0xFFFFFA20];
	v1 =	vmax.f32 v1, v4  }
0x28c: {  	v4 =	vld [tilespmem:s10+$0xFFFFFAA0];
	[tilespmem:s5+$0xFFFFFFA0] =	vst v1  }
0x28d: {  	v1 =	vld [tilespmem:s10+$0xFFFFFE30]  }
0x28e: {  	v6 =	vmax.f32 v6, v7;
	v38 =	vld [tilespmem:s10+$0xFFFFFEB0]  }
0x28f: {  	v12 =	vmax.f32 v12, v13;
	v3 =	vmax.f32 v3, v8;
	v2 =	vmax.f32 v2, v5;
	v5 =	vld [tilespmem:s10+$0xFFFFFF30]  }
0x290: {  	v3 =	vmax.f32 v12, v3;
	v2 =	vmax.f32 v2, v6;
	v6 =	vld [tilespmem:s10+$0xFFFFFFB0]  }
0x291: {  	[tilespmem:s5+$0xFFFFFF10] =	vst v3;
	v3 =	vld [tilespmem:s10+$0xFFFFFBA0]  }
0x292: {  	[tilespmem:s5+$0xFFFFFE10] =	vst v2;
	v2 =	vld [tilespmem:s10+$0xFFFFFB20]  }
0x293: {  	v43 =	vld [tilespmem:s10+$0xFFFFFCA0]  }
0x294: {  	v7 =	vld [tilespmem:s10+$0xFFFFF820]  }
0x295: {  	v39 =	vld [tilespmem:s10+$0xFFFFF8A0]  }
0x296: {  	v8 =	vld [tilespmem:s10+$0xFFFFF920];
	v1 =	vmax.f32 v1, v38;
	v5 =	vmax.f32 v5, v6  }
0x297: {  	v40 =	vld [tilespmem:s10+$0xFFFFF9A0];
	v1 =	vmax.f32 v1, v5  }
0x298: {  	v5 =	vld [tilespmem:s10+$0xFFFFFC20];
	[tilespmem:s5+$0xFFFFFFB0] =	vst v1  }
0x299: {  	v1 =	vld [tilespmem:s10+$0xFFFFFE40]  }
0x29a: {  	v6 =	vld [tilespmem:s10+$0xFFFFFEC0]  }
0x29b: {  	v4 =	vmax.f32 v37, v4;
	v2 =	vmax.f32 v2, v3;
	v41 =	vld [tilespmem:s10+$0xFFFFFF40]  }
0x29c: {  	v7 =	vmax.f32 v7, v39;
	v8 =	vmax.f32 v8, v40;
	v2 =	vmax.f32 v4, v2;
	v42 =	vld [tilespmem:s10+$0xFFFFFFC0]  }
0x29d: {  	v7 =	vmax.f32 v7, v8;
	v8 =	vld [tilespmem:s10+$0xFFFFFD20];
	[tilespmem:s5+$0xFFFFFEA0] =	vst v2  }
0x29e: {  	[tilespmem:s5+$0xFFFFFE20] =	vst v7;
	v7 =	vld [tilespmem:s10+$0xFFFFFDA0]  }
0x29f: {  	v47 =	vld [tilespmem:s10+$0xFFFFFA30]  }
0x2a0: {  	v44 =	vld [tilespmem:s10+$0xFFFFF830]  }
0x2a1: {  	v45 =	vld [tilespmem:s10+$0xFFFFF930]  }
0x2a2: {  	v46 =	vld [tilespmem:s10+$0xFFFFF9B0]  }
0x2a3: {  	v1 =	vmax.f32 v1, v6;
	v6 =	vld [tilespmem:s10+$0xFFFFF8B0];
	v10 =	vmax.f32 v41, v42  }
0x2a4: {  	v5 =	vmax.f32 v5, v43;
	v1 =	vmax.f32 v1, v10;
	v7 =	vmax.f32 v8, v7;
	v8 =	vld [tilespmem:s10+$0xFFFFFAB0]  }
0x2a5: {  	[tilespmem:s5+$0xFFFFFFC0] =	vst v1;
	v5 =	vmax.f32 v5, v7;
	v7 =	vld [tilespmem:s10+$0xFFFFFB30]  }
0x2a6: {  	v1 =	vld [tilespmem:s10+$0xFFFFFE50]  }
0x2a7: {  	v3 =	vld [tilespmem:s10+$0xFFFFFED0]  }
0x2a8: {  	v4 =	vld [tilespmem:s10+$0xFFFFFF50]  }
0x2a9: {  	v2 =	vld [tilespmem:s10+$0xFFFFFFD0]  }
0x2aa: {  	v10 =	vmax.f32 v45, v46;
	[tilespmem:s5+$0xFFFFFF20] =	vst v5;
	v5 =	vld [tilespmem:s10+$0xFFFFFBB0];
	v6 =	vmax.f32 v44, v6  }
0x2ab: {  	v48 =	vld [tilespmem:s10+$0xFFFFFC30];
	v6 =	vmax.f32 v6, v10  }
0x2ac: {  	[tilespmem:s5+$0xFFFFFE30] =	vst v6;
	v6 =	vld [tilespmem:s10+$0xFFFFFDB0]  }
0x2ad: {  	v1 =	vmax.f32 v1, v3;
	v3 =	vld [tilespmem:s10+$0xFFFFFCB0]  }
0x2ae: {  	v51 =	vld [tilespmem:s10+$0xFFFFF840]  }
0x2af: {  	v2 =	vmax.f32 v4, v2;
	v5 =	vmax.f32 v7, v5;
	v7 =	vld [tilespmem:s10+$0xFFFFF8C0]  }
0x2b0: {  	v8 =	vmax.f32 v47, v8;
	v1 =	vmax.f32 v1, v2;
	v2 =	vld [tilespmem:s10+$0xFFFFFD30]  }
0x2b1: {  	v5 =	vmax.f32 v8, v5;
	v8 =	vld [tilespmem:s10+$0xFFFFF940];
	[tilespmem:s5+$0xFFFFFFD0] =	vst v1  }
0x2b2: {  	[tilespmem:s5+$0xFFFFFEB0] =	vst v5;
	v5 =	vld [tilespmem:s10+$0xFFFFF9C0]  }
0x2b3: {  	v1 =	vld [tilespmem:s10+$0xFFFFFE60]  }
0x2b4: {  	v4 =	vld [tilespmem:s10+$0xFFFFFEE0]  }
0x2b5: {  	v49 =	vld [tilespmem:s10+$0xFFFFFF60]  }
0x2b6: {  	v50 =	vld [tilespmem:s10+$0xFFFFFFE0]  }
0x2b7: {  	v3 =	vmax.f32 v48, v3;
	v2 =	vmax.f32 v2, v6  }
0x2b8: {  	v2 =	vmax.f32 v3, v2;
	v3 =	vld [tilespmem:s10+$0xFFFFFB40]  }
0x2b9: {  	[tilespmem:s5+$0xFFFFFF30] =	vst v2;
	v2 =	vld [tilespmem:s10+$0xFFFFFBC0]  }
0x2ba: {  	v7 =	vmax.f32 v51, v7;
	v5 =	vmax.f32 v8, v5;
	v55 =	vld [tilespmem:s10+$0xFFFFFC40]  }
0x2bb: {  	v1 =	vmax.f32 v1, v4;
	v4 =	vmax.f32 v49, v50;
	v5 =	vmax.f32 v7, v5;
	v8 =	vld [tilespmem:s10+$0xFFFFFCC0]  }
0x2bc: {  	v1 =	vmax.f32 v1, v4;
	v7 =	vld [tilespmem:s10+$0xFFFFFD40];
	[tilespmem:s5+$0xFFFFFE40] =	vst v5  }
0x2bd: {  	v5 =	vld [tilespmem:s10+$0xFFFFFDC0];
	[tilespmem:s5+$0xFFFFFFE0] =	vst v1  }
0x2be: {  	v1 =	vld [tilespmem:s10+$0xFFFFFE70]  }
0x2bf: {  	v53 =	vld [tilespmem:s10+$0xFFFFFEF0]  }
0x2c0: {  	v54 =	vld [tilespmem:s10+$0xFFFFFF70]  }
0x2c1: {  	v6 =	vld [tilespmem:s10+$0xFFFFFFF0];
	_ =	sdelay $0x2  }
0x2c2: {  	v52 =	vld [tilespmem:s10+$0xFFFFFA40]  }
0x2c3: {  	v4 =	vld [tilespmem:s10+$0xFFFFFAC0];
	v2 =	vmax.f32 v3, v2;
	v8 =	vmax.f32 v55, v8;
	v5 =	vmax.f32 v7, v5  }
0x2c4: {  	v3 =	vld [tilespmem:s10+$0xFFFFF8D0];
	v5 =	vmax.f32 v8, v5;
	v1 =	vmax.f32 v1, v53;
	v6 =	vmax.f32 v54, v6  }
0x2c5: {  	[tilespmem:s5+$0xFFFFFF40] =	vst v5;
	v1 =	vmax.f32 v1, v6;
	v6 =	vld [tilespmem:s10+$0xFFFFF850]  }
0x2c6: {  	v59 =	vld [tilespmem:s10+$0xFFFFFC50];
	[tilespmem:s5+$0xFFFFFFF0] =	vst v1  }
0x2c7: {  	v56 =	vld [tilespmem:s10+$0xFFFFFE80]  }
0x2c8: {  	v57 =	vld [tilespmem:s10+$0xFFFFFF00]  }
0x2c9: {  	v58 =	vld [tilespmem:s10+$0xFFFFFF80]  }
0x2ca: {  	v1 =	vmax.f32 v52, v4;
	v14 =	vld [tilespmem:s10+$0x0]  }
0x2cb: {  	v1 =	vmax.f32 v1, v2;
	v2 =	vld [tilespmem:s10+$0xFFFFF950]  }
0x2cc: {  	[tilespmem:s5+$0xFFFFFEC0] =	vst v1;
	v1 =	vld [tilespmem:s10+$0xFFFFF9D0]  }
0x2cd: {  	v4 =	vld [tilespmem:s10+$0xFFFFFA50]  }
0x2ce: {  	v7 =	vld [tilespmem:s10+$0xFFFFFAD0]  }
0x2cf: {  	v8 =	vld [tilespmem:s10+$0xFFFFFB50]  }
0x2d0: {  	v5 =	vld [tilespmem:s10+$0xFFFFFBD0]  }
0x2d1: {  	v3 =	vmax.f32 v6, v3;
	v1 =	vmax.f32 v2, v1;
	v2 =	vld [tilespmem:s10+$0xFFFFFCD0]  }
0x2d2: {  	v1 =	vmax.f32 v3, v1;
	v3 =	vld [tilespmem:s10+$0xFFFFFD50]  }
0x2d3: {  	[tilespmem:s5+$0xFFFFFE50] =	vst v1;
	v1 =	vld [tilespmem:s10+$0xFFFFFDD0]  }
0x2d4: {  	v6 =	vld [tilespmem:s10+$0xFFFFF860]  }
0x2d5: {  	v4 =	vmax.f32 v4, v7;
	v5 =	vmax.f32 v8, v5;
	v7 =	vld [tilespmem:s10+$0xFFFFF8E0]  }
0x2d6: {  	v4 =	vmax.f32 v4, v5;
	v5 =	vld [tilespmem:s10+$0xFFFFF960]  }
0x2d7: {  	[tilespmem:s5+$0xFFFFFED0] =	vst v4;
	v4 =	vld [tilespmem:s10+$0xFFFFF9E0]  }
0x2d8: {  	v8 =	vld [tilespmem:s10+$0xFFFFFA60]  }
0x2d9: {  	v2 =	vmax.f32 v59, v2;
	v1 =	vmax.f32 v3, v1;
	v3 =	vld [tilespmem:s10+$0xFFFFFAE0]  }
0x2da: {  	v1 =	vmax.f32 v2, v1;
	v2 =	vld [tilespmem:s10+$0xFFFFFB60]  }
0x2db: {  	[tilespmem:s5+$0xFFFFFF50] =	vst v1;
	v1 =	vld [tilespmem:s10+$0xFFFFFBE0]  }
0x2dc: {  	v60 =	vld [tilespmem:s10+$0xFFFFFC60]  }
0x2dd: {  	v6 =	vmax.f32 v6, v7;
	v4 =	vmax.f32 v5, v4;
	v5 =	vld [tilespmem:s10+$0xFFFFFCE0]  }
0x2de: {  	v4 =	vmax.f32 v6, v4;
	v6 =	vld [tilespmem:s10+$0xFFFFFD60]  }
0x2df: {  	[tilespmem:s5+$0xFFFFFE60] =	vst v4;
	v4 =	vld [tilespmem:s10+$0xFFFFFDE0]  }
0x2e0: {  	v7 =	vld [tilespmem:s10+$0xFFFFF870]  }
0x2e1: {  	v3 =	vmax.f32 v8, v3;
	v1 =	vmax.f32 v2, v1;
	v2 =	vld [tilespmem:s10+$0xFFFFF8F0]  }
0x2e2: {  	v1 =	vmax.f32 v3, v1;
	v3 =	vld [tilespmem:s10+$0xFFFFF970]  }
0x2e3: {  	[tilespmem:s5+$0xFFFFFEE0] =	vst v1;
	v1 =	vld [tilespmem:s10+$0xFFFFF9F0]  }
0x2e4: {  	v8 =	vld [tilespmem:s10+$0xFFFFFA70]  }
0x2e5: {  	v5 =	vmax.f32 v60, v5;
	v4 =	vmax.f32 v6, v4;
	v6 =	vld [tilespmem:s10+$0xFFFFFAF0]  }
0x2e6: {  	v4 =	vmax.f32 v5, v4;
	v5 =	vld [tilespmem:s10+$0xFFFFFB70]  }
0x2e7: {  	[tilespmem:s5+$0xFFFFFF60] =	vst v4;
	v4 =	vld [tilespmem:s10+$0xFFFFFBF0]  }
0x2e8: {  	v61 =	vld [tilespmem:s10+$0xFFFFFC70]  }
0x2e9: {  	v2 =	vmax.f32 v7, v2;
	v1 =	vmax.f32 v3, v1;
	v3 =	vld [tilespmem:s10+$0xFFFFFCF0]  }
0x2ea: {  	v1 =	vmax.f32 v2, v1;
	v2 =	vld [tilespmem:s10+$0xFFFFFD70]  }
0x2eb: {  	[tilespmem:s5+$0xFFFFFE70] =	vst v1;
	v1 =	vld [tilespmem:s10+$0xFFFFFDF0]  }
0x2ec: {  	v7 =	vld [tilespmem:s10+$0xFFFFF880]  }
0x2ed: {  	v6 =	vmax.f32 v8, v6;
	v4 =	vmax.f32 v5, v4;
	v5 =	vld [tilespmem:s10+$0xFFFFF900]  }
0x2ee: {  	v4 =	vmax.f32 v6, v4;
	v6 =	vld [tilespmem:s10+$0xFFFFF980]  }
0x2ef: {  	[tilespmem:s5+$0xFFFFFEF0] =	vst v4;
	v4 =	vld [tilespmem:s10+$0xFFFFFA00]  }
0x2f0: {  	v8 =	vld [tilespmem:s10+$0xFFFFFA80]  }
0x2f1: {  	v62 =	vld [tilespmem:s10+$0xFFFFFB00];
	v3 =	vmax.f32 v61, v3;
	v1 =	vmax.f32 v2, v1  }
0x2f2: {  	v2 =	vmax.f32 v3, v1;
	v1 =	vld [tilespmem:s10+$0xFFFFFB80]  }
0x2f3: {  	v3 =	vld [tilespmem:s10+$0xFFFFFC00];
	[tilespmem:s5+$0xFFFFFF70] =	vst v2  }
0x2f4: {  	v10 =	vmax.f32 v56, v57;
	v63 =	vmax.f32 v58, v14;
	v2 =	vld [tilespmem:s10+$0xFFFFFC80]  }
0x2f5: {  	v10 =	vmax.f32 v10, v63;
	v5 =	vmax.f32 v7, v5;
	v6 =	vmax.f32 v6, v4;
	v4 =	vld [tilespmem:s10+$0xFFFFFD00]  }
0x2f6: {  	[tilespmem:s5+$0x0] =	vst v10;
	v6 =	vmax.f32 v5, v6;
	v5 =	vld [tilespmem:s10+$0xFFFFFD80]  }
0x2f7: {  	s9 =	simm.s32 $0x0;
	v7 =	vmax.f32 v8, v62;
	[tilespmem:s5+$0xFFFFFE80] =	vst v6;
	v6 =	vld [tilespmem:s10+$0xFFFFFE00];
	s10 =	simm.s32 $0xAFF0  }
.LBB2_17:
0x2f8: {  	v8 =	vld [tilespmem:s10+$0xFFFFFE10];
	v1 =	vmax.f32 v1, v3  }
0x2f9: {  	v3 =	vld [tilespmem:s10+$0xFFFFFE90];
	v1 =	vmax.f32 v7, v1  }
0x2fa: {  	v7 =	vld [tilespmem:s10+$0xFFFFFF10];
	[tilespmem:s5+$0xFFFFFF00] =	vst v1;
	v1 =	vmax.f32 v2, v4  }
0x2fb: {  	v2 =	vld [tilespmem:s10+$0xFFFFFF90]  }
0x2fc: {  	v4 =	vld [tilespmem:s10+$0xFFFFF890];
	v5 =	vmax.f32 v5, v6  }
0x2fd: {  	v6 =	vld [tilespmem:s10+$0xFFFFF910];
	v1 =	vmax.f32 v1, v5  }
0x2fe: {  	v5 =	vld [tilespmem:s10+$0xFFFFF990];
	[tilespmem:s5+$0xFFFFFF80] =	vst v1  }
0x2ff: {  	v1 =	vld [tilespmem:s10+$0xFFFFFA10]  }
0x300: {  	v3 =	vmax.f32 v8, v3;
	v9 =	vld [tilespmem:s10+$0xFFFFFA90];
	v2 =	vmax.f32 v7, v2  }
0x301: {  	s5 =	sadd.s32 $0x200, s5;
	v7 =	vld [tilespmem:s10+$0xFFFFFB10];
	v2 =	vmax.f32 v3, v2  }
0x302: {  	v3 =	vld [tilespmem:s10+$0xFFFFFB90];
	[tilespmem:s5+$0xFFFFFF90] =	vst v2  }
0x303: {  	v2 =	vmax.f32 v6, v5;
	v5 =	vld [tilespmem:s10+$0xFFFFFE20]  }
0x304: {  	v6 =	vld [tilespmem:s10+$0xFFFFFEA0]  }
0x305: {  	v1 =	vmax.f32 v1, v9;
	v8 =	vld [tilespmem:s10+$0xFFFFFF20]  }
0x306: {  	v9 =	vld [tilespmem:s10+$0xFFFFFFA0]  }
0x307: {  	v3 =	vmax.f32 v7, v3;
	v7 =	vld [tilespmem:s10+$0xFFFFFC10]  }
0x308: {  	v1 =	vmax.f32 v1, v3;
	v3 =	vld [tilespmem:s10+$0xFFFFFC90]  }
0x309: {  	[tilespmem:s5+$0xFFFFFE90] =	vst v1;
	v1 =	vld [tilespmem:s10+$0xFFFFFD10]  }
0x30a: {  	v10 =	vld [tilespmem:s10+$0xFFFFFD90]  }
0x30b: {  	v5 =	vmax.f32 v5, v6;
	v11 =	vld [tilespmem:s10+$0xFFFFF810];
	v6 =	vmax.f32 v8, v9  }
0x30c: {  	v8 =	vld [tilespmem:s10+$0xFFFFFA20];
	v5 =	vmax.f32 v5, v6  }
0x30d: {  	v6 =	vld [tilespmem:s10+$0xFFFFFAA0];
	v3 =	vmax.f32 v7, v3;
	[tilespmem:s5+$0xFFFFFFA0] =	vst v5  }
0x30e: {  	v5 =	vld [tilespmem:s10+$0xFFFFFE30]  }
0x30f: {  	v1 =	vmax.f32 v1, v10;
	v7 =	vld [tilespmem:s10+$0xFFFFFEB0]  }
0x310: {  	s9 =	sadd.s32 $0x4, s9;
	v4 =	vmax.f32 v11, v4;
	v1 =	vmax.f32 v3, v1;
	v3 =	vld [tilespmem:s10+$0xFFFFFF30]  }
0x311: {  	p2 =	slt.u32 s9, $0x1C;
	v2 =	vmax.f32 v4, v2;
	[tilespmem:s5+$0xFFFFFF10] =	vst v1;
	v1 =	vld [tilespmem:s10+$0xFFFFFFB0]  }
0x312: {  	[tilespmem:s5+$0xFFFFFE10] =	vst v2;
	v2 =	vmax.f32 v8, v6;
	v4 =	vld [tilespmem:s10+$0xFFFFFB20]  }
0x313: {  	v6 =	vld [tilespmem:s10+$0xFFFFF820]  }
0x314: {  	v8 =	vld [tilespmem:s10+$0xFFFFF8A0]  }
0x315: {  	v9 =	vld [tilespmem:s10+$0xFFFFF920]  }
0x316: {  	v5 =	vmax.f32 v5, v7;
	v10 =	vld [tilespmem:s10+$0xFFFFF9A0];
	v1 =	vmax.f32 v3, v1  }
0x317: {  	v3 =	vld [tilespmem:s10+$0xFFFFFBA0];
	v1 =	vmax.f32 v5, v1  }
0x318: {  	v5 =	vld [tilespmem:s10+$0xFFFFFC20];
	[tilespmem:s5+$0xFFFFFFB0] =	vst v1  }
0x319: {  	v1 =	vmax.f32 v6, v8;
	v6 =	vld [tilespmem:s10+$0xFFFFFE40]  }
0x31a: {  	v7 =	vld [tilespmem:s10+$0xFFFFFEC0]  }
0x31b: {  	v8 =	vmax.f32 v9, v10;
	v9 =	vld [tilespmem:s10+$0xFFFFFF40]  }
0x31c: {  	v1 =	vmax.f32 v1, v8;
	v3 =	vmax.f32 v4, v3;
	v4 =	vld [tilespmem:s10+$0xFFFFFFC0]  }
0x31d: {  	[tilespmem:s5+$0xFFFFFE20] =	vst v1;
	v1 =	vmax.f32 v2, v3;
	v2 =	vld [tilespmem:s10+$0xFFFFFCA0]  }
0x31e: {  	[tilespmem:s5+$0xFFFFFEA0] =	vst v1;
	v1 =	vld [tilespmem:s10+$0xFFFFFD20]  }
0x31f: {  	v3 =	vld [tilespmem:s10+$0xFFFFFDA0]  }
0x320: {  	v8 =	vld [tilespmem:s10+$0xFFFFF830]  }
0x321: {  	v6 =	vmax.f32 v6, v7;
	v10 =	vld [tilespmem:s10+$0xFFFFF8B0];
	v4 =	vmax.f32 v9, v4  }
0x322: {  	v7 =	vld [tilespmem:s10+$0xFFFFF930];
	v2 =	vmax.f32 v5, v2;
	v4 =	vmax.f32 v6, v4  }
0x323: {  	v5 =	vld [tilespmem:s10+$0xFFFFF9B0];
	[tilespmem:s5+$0xFFFFFFC0] =	vst v4  }
0x324: {  	v1 =	vmax.f32 v1, v3;
	v3 =	vld [tilespmem:s10+$0xFFFFFE50]  }
0x325: {  	v1 =	vmax.f32 v2, v1;
	v2 =	vld [tilespmem:s10+$0xFFFFFED0]  }
0x326: {  	v4 =	vmax.f32 v8, v10;
	[tilespmem:s5+$0xFFFFFF20] =	vst v1;
	v1 =	vld [tilespmem:s10+$0xFFFFFF50]  }
0x327: {  	v6 =	vld [tilespmem:s10+$0xFFFFFFD0]  }
0x328: {  	v5 =	vmax.f32 v7, v5;
	v7 =	vld [tilespmem:s10+$0xFFFFFA30]  }
0x329: {  	v4 =	vmax.f32 v4, v5;
	v5 =	vld [tilespmem:s10+$0xFFFFFAB0]  }
0x32a: {  	[tilespmem:s5+$0xFFFFFE30] =	vst v4;
	v4 =	vld [tilespmem:s10+$0xFFFFFB30]  }
0x32b: {  	v8 =	vld [tilespmem:s10+$0xFFFFFBB0]  }
0x32c: {  	v2 =	vmax.f32 v3, v2;
	v9 =	vld [tilespmem:s10+$0xFFFFFC30];
	v1 =	vmax.f32 v1, v6  }
0x32d: {  	v3 =	vld [tilespmem:s10+$0xFFFFFCB0];
	v1 =	vmax.f32 v2, v1  }
0x32e: {  	v2 =	vmax.f32 v7, v5;
	v5 =	vld [tilespmem:s10+$0xFFFFFD30];
	[tilespmem:s5+$0xFFFFFFD0] =	vst v1  }
0x32f: {  	v1 =	vld [tilespmem:s10+$0xFFFFFE60]  }
0x330: {  	v4 =	vmax.f32 v4, v8;
	v6 =	vld [tilespmem:s10+$0xFFFFFEE0]  }
0x331: {  	v2 =	vmax.f32 v2, v4;
	v4 =	vld [tilespmem:s10+$0xFFFFFF60]  }
0x332: {  	[tilespmem:s5+$0xFFFFFEB0] =	vst v2;
	v2 =	vmax.f32 v9, v3;
	v3 =	vld [tilespmem:s10+$0xFFFFFFE0]  }
0x333: {  	v7 =	vld [tilespmem:s10+$0xFFFFFDB0]  }
0x334: {  	v8 =	vld [tilespmem:s10+$0xFFFFF840]  }
0x335: {  	v9 =	vld [tilespmem:s10+$0xFFFFF8C0]  }
0x336: {  	v10 =	vld [tilespmem:s10+$0xFFFFF940]  }
0x337: {  	v1 =	vmax.f32 v1, v6;
	v11 =	vld [tilespmem:s10+$0xFFFFF9C0];
	v3 =	vmax.f32 v4, v3  }
0x338: {  	v4 =	vld [tilespmem:s10+$0xFFFFFA40];
	v5 =	vmax.f32 v5, v7;
	v1 =	vmax.f32 v1, v3  }
0x339: {  	v3 =	vld [tilespmem:s10+$0xFFFFFAC0];
	v2 =	vmax.f32 v2, v5;
	[tilespmem:s5+$0xFFFFFFE0] =	vst v1  }
0x33a: {  	v1 =	vmax.f32 v8, v9;
	[tilespmem:s5+$0xFFFFFF30] =	vst v2;
	v2 =	vld [tilespmem:s10+$0xFFFFFE70]  }
0x33b: {  	v5 =	vld [tilespmem:s10+$0xFFFFFEF0]  }
0x33c: {  	v6 =	vmax.f32 v10, v11;
	v7 =	vld [tilespmem:s10+$0xFFFFFF70]  }
0x33d: {  	v1 =	vmax.f32 v1, v6;
	v6 =	vld [tilespmem:s10+$0xFFFFFFF0]  }
0x33e: {  	[tilespmem:s5+$0xFFFFFE40] =	vst v1;
	v1 =	vmax.f32 v4, v3;
	v3 =	vld [tilespmem:s10+$0xFFFFFB40]  }
0x33f: {  	v4 =	vld [tilespmem:s10+$0xFFFFFBC0]  }
0x340: {  	v8 =	vld [tilespmem:s10+$0xFFFFFC40]  }
0x341: {  	v9 =	vld [tilespmem:s10+$0xFFFFFCC0]  }
0x342: {  	v2 =	vmax.f32 v2, v5;
	v10 =	vld [tilespmem:s10+$0xFFFFFD40];
	v5 =	vmax.f32 v7, v6  }
0x343: {  	v6 =	vld [tilespmem:s10+$0xFFFFFDC0];
	v2 =	vmax.f32 v2, v5  }
0x344: {  	v5 =	vld [tilespmem:s10+$0xFFFFF850];
	v3 =	vmax.f32 v3, v4;
	[tilespmem:s5+$0xFFFFFFF0] =	vst v2  }
0x345: {  	v1 =	vmax.f32 v1, v3;
	v2 =	vld [tilespmem:s10+$0xFFFFFE80]  }
0x346: {  	[tilespmem:s5+$0xFFFFFEC0] =	vst v1;
	v1 =	vmax.f32 v8, v9;
	v3 =	vld [tilespmem:s10+$0xFFFFFF00]  }
0x347: {  	v4 =	vld [tilespmem:s10+$0xFFFFFF80]  }
0x348: {  	v6 =	vmax.f32 v10, v6;
	v7 =	vld [tilespmem:s10+$0x0]  }
0x349: {  	v8 =	vld [tilespmem:s10+$0xFFFFF8D0];
	v1 =	vmax.f32 v1, v6  }
0x34a: {  	v6 =	vld [tilespmem:s10+$0xFFFFF950];
	[tilespmem:s5+$0xFFFFFF40] =	vst v1  }
0x34b: {  	v1 =	vld [tilespmem:s10+$0xFFFFF9D0]  }
0x34c: {  	v9 =	vld [tilespmem:s10+$0xFFFFFA50]  }
0x34d: {  	v2 =	vmax.f32 v2, v3;
	v10 =	vld [tilespmem:s10+$0xFFFFFAD0];
	v3 =	vmax.f32 v4, v7  }
0x34e: {  	v4 =	vmax.f32 v5, v8;
	v5 =	vld [tilespmem:s10+$0xFFFFFB50];
	v2 =	vmax.f32 v2, v3  }
0x34f: {  	v3 =	vld [tilespmem:s10+$0xFFFFFBD0];
	[tilespmem:s5+$0x0] =	vst v2  }
0x350: {  	v1 =	vmax.f32 v6, v1;
	v2 =	vld [tilespmem:s10+$0xFFFFFC50]  }
0x351: {  	v1 =	vmax.f32 v4, v1;
	v4 =	vld [tilespmem:s10+$0xFFFFFCD0]  }
0x352: {  	[tilespmem:s5+$0xFFFFFE50] =	vst v1;
	v1 =	vmax.f32 v9, v10;
	v6 =	vld [tilespmem:s10+$0xFFFFFD50]  }
0x353: {  	v7 =	vld [tilespmem:s10+$0xFFFFFDD0]  }
0x354: {  	v8 =	vld [tilespmem:s10+$0xFFFFF860];
	v3 =	vmax.f32 v5, v3  }
0x355: {  	v5 =	vld [tilespmem:s10+$0xFFFFF8E0];
	v1 =	vmax.f32 v1, v3  }
0x356: {  	v3 =	vld [tilespmem:s10+$0xFFFFF960];
	[tilespmem:s5+$0xFFFFFED0] =	vst v1;
	v1 =	vmax.f32 v2, v4  }
0x357: {  	v2 =	vld [tilespmem:s10+$0xFFFFF9E0]  }
0x358: {  	v4 =	vld [tilespmem:s10+$0xFFFFFA60];
	v6 =	vmax.f32 v6, v7  }
0x359: {  	v7 =	vld [tilespmem:s10+$0xFFFFFAE0];
	v1 =	vmax.f32 v1, v6  }
0x35a: {  	v5 =	vmax.f32 v8, v5;
	v6 =	vld [tilespmem:s10+$0xFFFFFB60];
	[tilespmem:s5+$0xFFFFFF50] =	vst v1  }
0x35b: {  	v1 =	vld [tilespmem:s10+$0xFFFFFBE0]  }
0x35c: {  	v2 =	vmax.f32 v3, v2;
	v3 =	vld [tilespmem:s10+$0xFFFFFC60]  }
0x35d: {  	v2 =	vmax.f32 v5, v2;
	v5 =	vld [tilespmem:s10+$0xFFFFFCE0]  }
0x35e: {  	[tilespmem:s5+$0xFFFFFE60] =	vst v2;
	v2 =	vmax.f32 v4, v7;
	v4 =	vld [tilespmem:s10+$0xFFFFFD60]  }
0x35f: {  	v7 =	vld [tilespmem:s10+$0xFFFFFDE0]  }
0x360: {  	v8 =	vld [tilespmem:s10+$0xFFFFF870];
	v1 =	vmax.f32 v6, v1  }
0x361: {  	v6 =	vld [tilespmem:s10+$0xFFFFF8F0];
	v1 =	vmax.f32 v2, v1  }
0x362: {  	v2 =	vld [tilespmem:s10+$0xFFFFF970];
	[tilespmem:s5+$0xFFFFFEE0] =	vst v1;
	v1 =	vmax.f32 v3, v5  }
0x363: {  	v3 =	vld [tilespmem:s10+$0xFFFFF9F0]  }
0x364: {  	v5 =	vld [tilespmem:s10+$0xFFFFFA70];
	v4 =	vmax.f32 v4, v7  }
0x365: {  	v7 =	vld [tilespmem:s10+$0xFFFFFAF0];
	v1 =	vmax.f32 v1, v4  }
0x366: {  	v4 =	vmax.f32 v8, v6;
	v6 =	vld [tilespmem:s10+$0xFFFFFB70];
	[tilespmem:s5+$0xFFFFFF60] =	vst v1  }
0x367: {  	v1 =	vld [tilespmem:s10+$0xFFFFFBF0]  }
0x368: {  	v2 =	vmax.f32 v2, v3;
	v3 =	vld [tilespmem:s10+$0xFFFFFC70]  }
0x369: {  	v2 =	vmax.f32 v4, v2;
	v4 =	vld [tilespmem:s10+$0xFFFFFCF0]  }
0x36a: {  	[tilespmem:s5+$0xFFFFFE70] =	vst v2;
	v2 =	vmax.f32 v5, v7;
	v5 =	vld [tilespmem:s10+$0xFFFFFD70]  }
0x36b: {  	v7 =	vld [tilespmem:s10+$0xFFFFFDF0]  }
0x36c: {  	v8 =	vld [tilespmem:s10+$0xFFFFF880];
	v1 =	vmax.f32 v6, v1  }
0x36d: {  	v6 =	vld [tilespmem:s10+$0xFFFFF900];
	v1 =	vmax.f32 v2, v1  }
0x36e: {  	v2 =	vld [tilespmem:s10+$0xFFFFF980];
	[tilespmem:s5+$0xFFFFFEF0] =	vst v1;
	v1 =	vmax.f32 v3, v4  }
0x36f: {  	v4 =	vld [tilespmem:s10+$0xFFFFFA00]  }
0x370: {  	v9 =	vld [tilespmem:s10+$0xFFFFFA80];
	v3 =	vmax.f32 v5, v7  }
0x371: {  	v5 =	vld [tilespmem:s10+$0xFFFFFB00];
	v3 =	vmax.f32 v1, v3  }
0x372: {  	v6 =	vmax.f32 v8, v6;
	v1 =	vld [tilespmem:s10+$0xFFFFFB80];
	[tilespmem:s5+$0xFFFFFF70] =	vst v3  }
.Ltmp9:
0x373: {  	v3 =	vld [tilespmem:s10+$0xFFFFFC00];
	(pc) =	sbr.rel @p2 .LBB2_17-.Ltmp9, $4  }
0x374: {  	v4 =	vmax.f32 v2, v4;
	v2 =	vld [tilespmem:s10+$0xFFFFFC80]  }
0x375: {  	v6 =	vmax.f32 v6, v4;
	v4 =	vld [tilespmem:s10+$0xFFFFFD00]  }
0x376: {  	[tilespmem:s5+$0xFFFFFE80] =	vst v6;
	v7 =	vmax.f32 v9, v5;
	v5 =	vld [tilespmem:s10+$0xFFFFFD80]  }
0x377: {  	v6 =	vld [tilespmem:s10+$0xFFFFFE00];
	s10 =	sadd.s32 $0x800, s10  }
0x378: {  	_ =	sdelay $0x2  }
.Ltmp10:
0x379: {  	v1 =	vmax.f32 v1, v3;
	(pc) =	sbr.rel @p1 .LBB2_20-.Ltmp10, $4  }
0x37a: {  	v1 =	vmax.f32 v7, v1;
	v2 =	vmax.f32 v2, v4;
	v3 =	vmax.f32 v5, v6  }
0x37b: {  	[tilespmem:s5+$0xFFFFFF00] =	vst v1;
	v1 =	vmax.f32 v2, v3  }
0x37c: {  	s14 =	sadd.s32 s14, s8;
	[tilespmem:s5+$0xFFFFFF80] =	vst v1  }
0x37d: {  	[hbm4b:s14+s4] =	stream.linear.scatter [tilespmem:s24], [sflag:$0x7], $0x1000, $0x38;
	[tilespmem:$0x16000] =	vst v63  }
.Ltmp11:
0x37e: {  	(pc) =	sbr.rel .LBB2_21-.Ltmp11, $4  }
0x37f: {  	_ = 	snop  }
0x380: {  	_ =	swait.ge [sflag:s25], $0x4000  }
0x381: {  	[sflag:s25] =	ssyncset.done $0x0  }
0x382: {  	[sflag:s25] =	ssyncadd.s32 $0xFFFFC000  }
.LBB2_20:
0x383: {  	s2 =	sshrl.u32 s2, $0x2  }
.Ltmp12:
0x384: {  	s2 =	sadd.s32 $0x300, s2;
	(pc) =	sbr.rel @p0 .LBB2_22-.Ltmp12, $4  }
0x385: {  	[tilespmem:s15], [sflag:$0x3] =	stream.indirect.gather [hbm4b:s1+s11], $0x80, s2, s11, $0xb8;
	[tilespmem:$0x16000] =	vst v63  }
0x386: {  	_ =	swait.ge [sflag:s25], $0x4000  }
0x387: {  	[sflag:s25] =	ssyncset.done $0x0  }
0x388: {  	[sflag:s25] =	ssyncadd.s32 $0xFFFFC000  }
.LBB2_21:
0x389: {  	_ =	swait.ge [sflag:s26], $0x1000  }
0x38a: {  	[sflag:s26] =	ssyncset.done $0x0  }
0x38b: {  	[sflag:s26] =	ssyncadd.s32 $0xFFFFF000  }
.LBB2_22:
0x38c: {  	s9 =	simm.s32 $0xE7F0  }
0x38d: {  	v1 =	vld [tilespmem:s9+$0xFFFFFE10]  }
0x38e: {  	v2 =	vld [tilespmem:s9+$0xFFFFFE90]  }
0x38f: {  	v3 =	vld [tilespmem:s9+$0xFFFFFF10]  }
0x390: {  	v4 =	vld [tilespmem:s9+$0xFFFFFF90]  }
0x391: {  	v5 =	vld [tilespmem:s9+$0xFFFFF890]  }
0x392: {  	v6 =	vld [tilespmem:s9+$0xFFFFF910]  }
0x393: {  	v7 =	vld [tilespmem:s9+$0xFFFFF990]  }
0x394: {  	v8 =	vld [tilespmem:s9+$0xFFFFFA10]  }
0x395: {  	v9 =	vld [tilespmem:s9+$0xFFFFFA90];
	v1 =	vmax.f32 v1, v2;
	v2 =	vmax.f32 v3, v4  }
0x396: {  	s2 =	simm.s32 $0x151F0;
	v3 =	vld [tilespmem:s9+$0xFFFFFB10];
	v1 =	vmax.f32 v1, v2  }
0x397: {  	v2 =	vld [tilespmem:s9+$0xFFFFFB90];
	[tilespmem:s2+$0xFFFFFF90] =	vst v1  }
0x398: {  	v1 =	vld [tilespmem:s9+$0xFFFFFE20]  }
0x399: {  	v4 =	vld [tilespmem:s9+$0xFFFFFEA0]  }
0x39a: {  	v10 =	vld [tilespmem:s9+$0xFFFFFF20]  }
0x39b: {  	v11 =	vld [tilespmem:s9+$0xFFFFFFA0]  }
0x39c: {  	v12 =	vld [tilespmem:s9+$0xFFFFFC10]  }
0x39d: {  	v13 =	vld [tilespmem:s9+$0xFFFFFC90]  }
0x39e: {  	v8 =	vmax.f32 v8, v9;
	v2 =	vmax.f32 v3, v2;
	v3 =	vld [tilespmem:s9+$0xFFFFFD10]  }
0x39f: {  	v2 =	vmax.f32 v8, v2;
	v8 =	vld [tilespmem:s9+$0xFFFFFD90]  }
0x3a0: {  	[tilespmem:s2+$0xFFFFFE90] =	vst v2;
	v2 =	vld [tilespmem:s9+$0xFFFFF810];
	v1 =	vmax.f32 v1, v4;
	v4 =	vmax.f32 v10, v11  }
0x3a1: {  	v37 =	vld [tilespmem:s9+$0xFFFFFA20];
	v1 =	vmax.f32 v1, v4  }
0x3a2: {  	v4 =	vld [tilespmem:s9+$0xFFFFFAA0];
	[tilespmem:s2+$0xFFFFFFA0] =	vst v1  }
0x3a3: {  	v1 =	vld [tilespmem:s9+$0xFFFFFE30]  }
0x3a4: {  	v6 =	vmax.f32 v6, v7;
	v38 =	vld [tilespmem:s9+$0xFFFFFEB0]  }
0x3a5: {  	v12 =	vmax.f32 v12, v13;
	v3 =	vmax.f32 v3, v8;
	v2 =	vmax.f32 v2, v5;
	v5 =	vld [tilespmem:s9+$0xFFFFFF30]  }
0x3a6: {  	v3 =	vmax.f32 v12, v3;
	v2 =	vmax.f32 v2, v6;
	v6 =	vld [tilespmem:s9+$0xFFFFFFB0]  }
0x3a7: {  	[tilespmem:s2+$0xFFFFFF10] =	vst v3;
	v3 =	vld [tilespmem:s9+$0xFFFFFBA0]  }
0x3a8: {  	[tilespmem:s2+$0xFFFFFE10] =	vst v2;
	v2 =	vld [tilespmem:s9+$0xFFFFFB20]  }
0x3a9: {  	v43 =	vld [tilespmem:s9+$0xFFFFFCA0]  }
0x3aa: {  	v7 =	vld [tilespmem:s9+$0xFFFFF820]  }
0x3ab: {  	v39 =	vld [tilespmem:s9+$0xFFFFF8A0]  }
0x3ac: {  	v8 =	vld [tilespmem:s9+$0xFFFFF920];
	v1 =	vmax.f32 v1, v38;
	v5 =	vmax.f32 v5, v6  }
0x3ad: {  	v40 =	vld [tilespmem:s9+$0xFFFFF9A0];
	v1 =	vmax.f32 v1, v5  }
0x3ae: {  	v5 =	vld [tilespmem:s9+$0xFFFFFC20];
	[tilespmem:s2+$0xFFFFFFB0] =	vst v1  }
0x3af: {  	v1 =	vld [tilespmem:s9+$0xFFFFFE40]  }
0x3b0: {  	v6 =	vld [tilespmem:s9+$0xFFFFFEC0]  }
0x3b1: {  	v4 =	vmax.f32 v37, v4;
	v2 =	vmax.f32 v2, v3;
	v41 =	vld [tilespmem:s9+$0xFFFFFF40]  }
0x3b2: {  	v7 =	vmax.f32 v7, v39;
	v8 =	vmax.f32 v8, v40;
	v2 =	vmax.f32 v4, v2;
	v42 =	vld [tilespmem:s9+$0xFFFFFFC0]  }
0x3b3: {  	v7 =	vmax.f32 v7, v8;
	v8 =	vld [tilespmem:s9+$0xFFFFFD20];
	[tilespmem:s2+$0xFFFFFEA0] =	vst v2  }
0x3b4: {  	[tilespmem:s2+$0xFFFFFE20] =	vst v7;
	v7 =	vld [tilespmem:s9+$0xFFFFFDA0]  }
0x3b5: {  	v47 =	vld [tilespmem:s9+$0xFFFFFA30]  }
0x3b6: {  	v44 =	vld [tilespmem:s9+$0xFFFFF830]  }
0x3b7: {  	v45 =	vld [tilespmem:s9+$0xFFFFF930]  }
0x3b8: {  	v46 =	vld [tilespmem:s9+$0xFFFFF9B0]  }
0x3b9: {  	v1 =	vmax.f32 v1, v6;
	v6 =	vld [tilespmem:s9+$0xFFFFF8B0];
	v10 =	vmax.f32 v41, v42  }
0x3ba: {  	v5 =	vmax.f32 v5, v43;
	v1 =	vmax.f32 v1, v10;
	v7 =	vmax.f32 v8, v7;
	v8 =	vld [tilespmem:s9+$0xFFFFFAB0]  }
0x3bb: {  	[tilespmem:s2+$0xFFFFFFC0] =	vst v1;
	v5 =	vmax.f32 v5, v7;
	v7 =	vld [tilespmem:s9+$0xFFFFFB30]  }
0x3bc: {  	v1 =	vld [tilespmem:s9+$0xFFFFFE50]  }
0x3bd: {  	v3 =	vld [tilespmem:s9+$0xFFFFFED0]  }
0x3be: {  	v4 =	vld [tilespmem:s9+$0xFFFFFF50]  }
0x3bf: {  	v2 =	vld [tilespmem:s9+$0xFFFFFFD0]  }
0x3c0: {  	v10 =	vmax.f32 v45, v46;
	[tilespmem:s2+$0xFFFFFF20] =	vst v5;
	v5 =	vld [tilespmem:s9+$0xFFFFFBB0];
	v6 =	vmax.f32 v44, v6  }
0x3c1: {  	v48 =	vld [tilespmem:s9+$0xFFFFFC30];
	v6 =	vmax.f32 v6, v10  }
0x3c2: {  	[tilespmem:s2+$0xFFFFFE30] =	vst v6;
	v6 =	vld [tilespmem:s9+$0xFFFFFDB0]  }
0x3c3: {  	v1 =	vmax.f32 v1, v3;
	v3 =	vld [tilespmem:s9+$0xFFFFFCB0]  }
0x3c4: {  	v51 =	vld [tilespmem:s9+$0xFFFFF840]  }
0x3c5: {  	v2 =	vmax.f32 v4, v2;
	v5 =	vmax.f32 v7, v5;
	v7 =	vld [tilespmem:s9+$0xFFFFF8C0]  }
0x3c6: {  	v8 =	vmax.f32 v47, v8;
	v1 =	vmax.f32 v1, v2;
	v2 =	vld [tilespmem:s9+$0xFFFFFD30]  }
0x3c7: {  	v5 =	vmax.f32 v8, v5;
	v8 =	vld [tilespmem:s9+$0xFFFFF940];
	[tilespmem:s2+$0xFFFFFFD0] =	vst v1  }
0x3c8: {  	[tilespmem:s2+$0xFFFFFEB0] =	vst v5;
	v5 =	vld [tilespmem:s9+$0xFFFFF9C0]  }
0x3c9: {  	v1 =	vld [tilespmem:s9+$0xFFFFFE60]  }
0x3ca: {  	v4 =	vld [tilespmem:s9+$0xFFFFFEE0]  }
0x3cb: {  	v49 =	vld [tilespmem:s9+$0xFFFFFF60]  }
0x3cc: {  	v50 =	vld [tilespmem:s9+$0xFFFFFFE0]  }
0x3cd: {  	v3 =	vmax.f32 v48, v3;
	v2 =	vmax.f32 v2, v6  }
0x3ce: {  	v2 =	vmax.f32 v3, v2;
	v3 =	vld [tilespmem:s9+$0xFFFFFB40]  }
0x3cf: {  	[tilespmem:s2+$0xFFFFFF30] =	vst v2;
	v2 =	vld [tilespmem:s9+$0xFFFFFBC0]  }
0x3d0: {  	v7 =	vmax.f32 v51, v7;
	v5 =	vmax.f32 v8, v5;
	v55 =	vld [tilespmem:s9+$0xFFFFFC40]  }
0x3d1: {  	v1 =	vmax.f32 v1, v4;
	v4 =	vmax.f32 v49, v50;
	v5 =	vmax.f32 v7, v5;
	v8 =	vld [tilespmem:s9+$0xFFFFFCC0]  }
0x3d2: {  	v1 =	vmax.f32 v1, v4;
	v7 =	vld [tilespmem:s9+$0xFFFFFD40];
	[tilespmem:s2+$0xFFFFFE40] =	vst v5  }
0x3d3: {  	v5 =	vld [tilespmem:s9+$0xFFFFFDC0];
	[tilespmem:s2+$0xFFFFFFE0] =	vst v1  }
0x3d4: {  	v1 =	vld [tilespmem:s9+$0xFFFFFE70]  }
0x3d5: {  	v53 =	vld [tilespmem:s9+$0xFFFFFEF0]  }
0x3d6: {  	v54 =	vld [tilespmem:s9+$0xFFFFFF70]  }
0x3d7: {  	v6 =	vld [tilespmem:s9+$0xFFFFFFF0];
	_ =	sdelay $0x2  }
0x3d8: {  	v52 =	vld [tilespmem:s9+$0xFFFFFA40]  }
0x3d9: {  	v4 =	vld [tilespmem:s9+$0xFFFFFAC0];
	v2 =	vmax.f32 v3, v2;
	v8 =	vmax.f32 v55, v8;
	v5 =	vmax.f32 v7, v5  }
0x3da: {  	v3 =	vld [tilespmem:s9+$0xFFFFF8D0];
	v5 =	vmax.f32 v8, v5;
	v1 =	vmax.f32 v1, v53;
	v6 =	vmax.f32 v54, v6  }
0x3db: {  	[tilespmem:s2+$0xFFFFFF40] =	vst v5;
	v1 =	vmax.f32 v1, v6;
	v6 =	vld [tilespmem:s9+$0xFFFFF850]  }
0x3dc: {  	v59 =	vld [tilespmem:s9+$0xFFFFFC50];
	[tilespmem:s2+$0xFFFFFFF0] =	vst v1  }
0x3dd: {  	v56 =	vld [tilespmem:s9+$0xFFFFFE80]  }
0x3de: {  	v57 =	vld [tilespmem:s9+$0xFFFFFF00]  }
0x3df: {  	v58 =	vld [tilespmem:s9+$0xFFFFFF80]  }
0x3e0: {  	v1 =	vmax.f32 v52, v4;
	v14 =	vld [tilespmem:s9+$0x0]  }
0x3e1: {  	v1 =	vmax.f32 v1, v2;
	v2 =	vld [tilespmem:s9+$0xFFFFF950]  }
0x3e2: {  	[tilespmem:s2+$0xFFFFFEC0] =	vst v1;
	v1 =	vld [tilespmem:s9+$0xFFFFF9D0]  }
0x3e3: {  	v4 =	vld [tilespmem:s9+$0xFFFFFA50]  }
0x3e4: {  	v7 =	vld [tilespmem:s9+$0xFFFFFAD0]  }
0x3e5: {  	v8 =	vld [tilespmem:s9+$0xFFFFFB50]  }
0x3e6: {  	v5 =	vld [tilespmem:s9+$0xFFFFFBD0]  }
0x3e7: {  	v3 =	vmax.f32 v6, v3;
	v1 =	vmax.f32 v2, v1;
	v2 =	vld [tilespmem:s9+$0xFFFFFCD0]  }
0x3e8: {  	v1 =	vmax.f32 v3, v1;
	v3 =	vld [tilespmem:s9+$0xFFFFFD50]  }
0x3e9: {  	[tilespmem:s2+$0xFFFFFE50] =	vst v1;
	v1 =	vld [tilespmem:s9+$0xFFFFFDD0]  }
0x3ea: {  	v6 =	vld [tilespmem:s9+$0xFFFFF860]  }
0x3eb: {  	v4 =	vmax.f32 v4, v7;
	v5 =	vmax.f32 v8, v5;
	v7 =	vld [tilespmem:s9+$0xFFFFF8E0]  }
0x3ec: {  	v4 =	vmax.f32 v4, v5;
	v5 =	vld [tilespmem:s9+$0xFFFFF960]  }
0x3ed: {  	[tilespmem:s2+$0xFFFFFED0] =	vst v4;
	v4 =	vld [tilespmem:s9+$0xFFFFF9E0]  }
0x3ee: {  	v8 =	vld [tilespmem:s9+$0xFFFFFA60]  }
0x3ef: {  	v2 =	vmax.f32 v59, v2;
	v1 =	vmax.f32 v3, v1;
	v3 =	vld [tilespmem:s9+$0xFFFFFAE0]  }
0x3f0: {  	v1 =	vmax.f32 v2, v1;
	v2 =	vld [tilespmem:s9+$0xFFFFFB60]  }
0x3f1: {  	[tilespmem:s2+$0xFFFFFF50] =	vst v1;
	v1 =	vld [tilespmem:s9+$0xFFFFFBE0]  }
0x3f2: {  	v60 =	vld [tilespmem:s9+$0xFFFFFC60]  }
0x3f3: {  	v6 =	vmax.f32 v6, v7;
	v4 =	vmax.f32 v5, v4;
	v5 =	vld [tilespmem:s9+$0xFFFFFCE0]  }
0x3f4: {  	v4 =	vmax.f32 v6, v4;
	v6 =	vld [tilespmem:s9+$0xFFFFFD60]  }
0x3f5: {  	[tilespmem:s2+$0xFFFFFE60] =	vst v4;
	v4 =	vld [tilespmem:s9+$0xFFFFFDE0]  }
0x3f6: {  	v7 =	vld [tilespmem:s9+$0xFFFFF870]  }
0x3f7: {  	v3 =	vmax.f32 v8, v3;
	v1 =	vmax.f32 v2, v1;
	v2 =	vld [tilespmem:s9+$0xFFFFF8F0]  }
0x3f8: {  	v1 =	vmax.f32 v3, v1;
	v3 =	vld [tilespmem:s9+$0xFFFFF970]  }
0x3f9: {  	[tilespmem:s2+$0xFFFFFEE0] =	vst v1;
	v1 =	vld [tilespmem:s9+$0xFFFFF9F0]  }
0x3fa: {  	v8 =	vld [tilespmem:s9+$0xFFFFFA70]  }
0x3fb: {  	v5 =	vmax.f32 v60, v5;
	v4 =	vmax.f32 v6, v4;
	v6 =	vld [tilespmem:s9+$0xFFFFFAF0]  }
0x3fc: {  	v4 =	vmax.f32 v5, v4;
	v5 =	vld [tilespmem:s9+$0xFFFFFB70]  }
0x3fd: {  	[tilespmem:s2+$0xFFFFFF60] =	vst v4;
	v4 =	vld [tilespmem:s9+$0xFFFFFBF0]  }
0x3fe: {  	v61 =	vld [tilespmem:s9+$0xFFFFFC70]  }
0x3ff: {  	v2 =	vmax.f32 v7, v2;
	v1 =	vmax.f32 v3, v1;
	v3 =	vld [tilespmem:s9+$0xFFFFFCF0]  }
0x400: {  	v1 =	vmax.f32 v2, v1;
	v2 =	vld [tilespmem:s9+$0xFFFFFD70]  }
0x401: {  	[tilespmem:s2+$0xFFFFFE70] =	vst v1;
	v1 =	vld [tilespmem:s9+$0xFFFFFDF0]  }
0x402: {  	v7 =	vld [tilespmem:s9+$0xFFFFF880]  }
0x403: {  	v6 =	vmax.f32 v8, v6;
	v4 =	vmax.f32 v5, v4;
	v5 =	vld [tilespmem:s9+$0xFFFFF900]  }
0x404: {  	v4 =	vmax.f32 v6, v4;
	v6 =	vld [tilespmem:s9+$0xFFFFF980]  }
0x405: {  	[tilespmem:s2+$0xFFFFFEF0] =	vst v4;
	v4 =	vld [tilespmem:s9+$0xFFFFFA00]  }
0x406: {  	v8 =	vld [tilespmem:s9+$0xFFFFFA80]  }
0x407: {  	v62 =	vld [tilespmem:s9+$0xFFFFFB00];
	v3 =	vmax.f32 v61, v3;
	v1 =	vmax.f32 v2, v1  }
0x408: {  	v2 =	vmax.f32 v3, v1;
	v1 =	vld [tilespmem:s9+$0xFFFFFB80]  }
0x409: {  	v3 =	vld [tilespmem:s9+$0xFFFFFC00];
	[tilespmem:s2+$0xFFFFFF70] =	vst v2  }
0x40a: {  	v10 =	vmax.f32 v56, v57;
	v63 =	vmax.f32 v58, v14;
	v2 =	vld [tilespmem:s9+$0xFFFFFC80]  }
0x40b: {  	v10 =	vmax.f32 v10, v63;
	v5 =	vmax.f32 v7, v5;
	v6 =	vmax.f32 v6, v4;
	v4 =	vld [tilespmem:s9+$0xFFFFFD00]  }
0x40c: {  	[tilespmem:s2+$0x0] =	vst v10;
	v6 =	vmax.f32 v5, v6;
	v5 =	vld [tilespmem:s9+$0xFFFFFD80]  }
0x40d: {  	s5 =	simm.s32 $0x0;
	v7 =	vmax.f32 v8, v62;
	[tilespmem:s2+$0xFFFFFE80] =	vst v6;
	v6 =	vld [tilespmem:s9+$0xFFFFFE00];
	s9 =	simm.s32 $0xEFF0  }
.LBB2_23:
0x40e: {  	v8 =	vld [tilespmem:s9+$0xFFFFFE10];
	v1 =	vmax.f32 v1, v3  }
0x40f: {  	v3 =	vld [tilespmem:s9+$0xFFFFFE90];
	v1 =	vmax.f32 v7, v1  }
0x410: {  	v7 =	vld [tilespmem:s9+$0xFFFFFF10];
	[tilespmem:s2+$0xFFFFFF00] =	vst v1;
	v1 =	vmax.f32 v2, v4  }
0x411: {  	v2 =	vld [tilespmem:s9+$0xFFFFFF90]  }
0x412: {  	v4 =	vld [tilespmem:s9+$0xFFFFF890];
	v5 =	vmax.f32 v5, v6  }
0x413: {  	v6 =	vld [tilespmem:s9+$0xFFFFF910];
	v1 =	vmax.f32 v1, v5  }
0x414: {  	v5 =	vld [tilespmem:s9+$0xFFFFF990];
	[tilespmem:s2+$0xFFFFFF80] =	vst v1  }
0x415: {  	v1 =	vld [tilespmem:s9+$0xFFFFFA10]  }
0x416: {  	v3 =	vmax.f32 v8, v3;
	v9 =	vld [tilespmem:s9+$0xFFFFFA90];
	v2 =	vmax.f32 v7, v2  }
0x417: {  	s2 =	sadd.s32 $0x200, s2;
	v7 =	vld [tilespmem:s9+$0xFFFFFB10];
	v2 =	vmax.f32 v3, v2  }
0x418: {  	v3 =	vld [tilespmem:s9+$0xFFFFFB90];
	[tilespmem:s2+$0xFFFFFF90] =	vst v2  }
0x419: {  	v2 =	vmax.f32 v6, v5;
	v5 =	vld [tilespmem:s9+$0xFFFFFE20]  }
0x41a: {  	v6 =	vld [tilespmem:s9+$0xFFFFFEA0]  }
0x41b: {  	v1 =	vmax.f32 v1, v9;
	v8 =	vld [tilespmem:s9+$0xFFFFFF20]  }
0x41c: {  	v9 =	vld [tilespmem:s9+$0xFFFFFFA0]  }
0x41d: {  	v3 =	vmax.f32 v7, v3;
	v7 =	vld [tilespmem:s9+$0xFFFFFC10]  }
0x41e: {  	v1 =	vmax.f32 v1, v3;
	v3 =	vld [tilespmem:s9+$0xFFFFFC90]  }
0x41f: {  	[tilespmem:s2+$0xFFFFFE90] =	vst v1;
	v1 =	vld [tilespmem:s9+$0xFFFFFD10]  }
0x420: {  	v10 =	vld [tilespmem:s9+$0xFFFFFD90]  }
0x421: {  	v5 =	vmax.f32 v5, v6;
	v11 =	vld [tilespmem:s9+$0xFFFFF810];
	v6 =	vmax.f32 v8, v9  }
0x422: {  	v8 =	vld [tilespmem:s9+$0xFFFFFA20];
	v5 =	vmax.f32 v5, v6  }
0x423: {  	v6 =	vld [tilespmem:s9+$0xFFFFFAA0];
	v3 =	vmax.f32 v7, v3;
	[tilespmem:s2+$0xFFFFFFA0] =	vst v5  }
0x424: {  	v5 =	vld [tilespmem:s9+$0xFFFFFE30]  }
0x425: {  	v1 =	vmax.f32 v1, v10;
	v7 =	vld [tilespmem:s9+$0xFFFFFEB0]  }
0x426: {  	s5 =	sadd.s32 $0x4, s5;
	v4 =	vmax.f32 v11, v4;
	v1 =	vmax.f32 v3, v1;
	v3 =	vld [tilespmem:s9+$0xFFFFFF30]  }
0x427: {  	p0 =	slt.u32 s5, $0x1C;
	v2 =	vmax.f32 v4, v2;
	[tilespmem:s2+$0xFFFFFF10] =	vst v1;
	v1 =	vld [tilespmem:s9+$0xFFFFFFB0]  }
0x428: {  	[tilespmem:s2+$0xFFFFFE10] =	vst v2;
	v2 =	vmax.f32 v8, v6;
	v4 =	vld [tilespmem:s9+$0xFFFFFB20]  }
0x429: {  	v6 =	vld [tilespmem:s9+$0xFFFFF820]  }
0x42a: {  	v8 =	vld [tilespmem:s9+$0xFFFFF8A0]  }
0x42b: {  	v9 =	vld [tilespmem:s9+$0xFFFFF920]  }
0x42c: {  	v5 =	vmax.f32 v5, v7;
	v10 =	vld [tilespmem:s9+$0xFFFFF9A0];
	v1 =	vmax.f32 v3, v1  }
0x42d: {  	v3 =	vld [tilespmem:s9+$0xFFFFFBA0];
	v1 =	vmax.f32 v5, v1  }
0x42e: {  	v5 =	vld [tilespmem:s9+$0xFFFFFC20];
	[tilespmem:s2+$0xFFFFFFB0] =	vst v1  }
0x42f: {  	v1 =	vmax.f32 v6, v8;
	v6 =	vld [tilespmem:s9+$0xFFFFFE40]  }
0x430: {  	v7 =	vld [tilespmem:s9+$0xFFFFFEC0]  }
0x431: {  	v8 =	vmax.f32 v9, v10;
	v9 =	vld [tilespmem:s9+$0xFFFFFF40]  }
0x432: {  	v1 =	vmax.f32 v1, v8;
	v3 =	vmax.f32 v4, v3;
	v4 =	vld [tilespmem:s9+$0xFFFFFFC0]  }
0x433: {  	[tilespmem:s2+$0xFFFFFE20] =	vst v1;
	v1 =	vmax.f32 v2, v3;
	v2 =	vld [tilespmem:s9+$0xFFFFFCA0]  }
0x434: {  	[tilespmem:s2+$0xFFFFFEA0] =	vst v1;
	v1 =	vld [tilespmem:s9+$0xFFFFFD20]  }
0x435: {  	v3 =	vld [tilespmem:s9+$0xFFFFFDA0]  }
0x436: {  	v8 =	vld [tilespmem:s9+$0xFFFFF830]  }
0x437: {  	v6 =	vmax.f32 v6, v7;
	v10 =	vld [tilespmem:s9+$0xFFFFF8B0];
	v4 =	vmax.f32 v9, v4  }
0x438: {  	v7 =	vld [tilespmem:s9+$0xFFFFF930];
	v2 =	vmax.f32 v5, v2;
	v4 =	vmax.f32 v6, v4  }
0x439: {  	v5 =	vld [tilespmem:s9+$0xFFFFF9B0];
	[tilespmem:s2+$0xFFFFFFC0] =	vst v4  }
0x43a: {  	v1 =	vmax.f32 v1, v3;
	v3 =	vld [tilespmem:s9+$0xFFFFFE50]  }
0x43b: {  	v1 =	vmax.f32 v2, v1;
	v2 =	vld [tilespmem:s9+$0xFFFFFED0]  }
0x43c: {  	v4 =	vmax.f32 v8, v10;
	[tilespmem:s2+$0xFFFFFF20] =	vst v1;
	v1 =	vld [tilespmem:s9+$0xFFFFFF50]  }
0x43d: {  	v6 =	vld [tilespmem:s9+$0xFFFFFFD0]  }
0x43e: {  	v5 =	vmax.f32 v7, v5;
	v7 =	vld [tilespmem:s9+$0xFFFFFA30]  }
0x43f: {  	v4 =	vmax.f32 v4, v5;
	v5 =	vld [tilespmem:s9+$0xFFFFFAB0]  }
0x440: {  	[tilespmem:s2+$0xFFFFFE30] =	vst v4;
	v4 =	vld [tilespmem:s9+$0xFFFFFB30]  }
0x441: {  	v8 =	vld [tilespmem:s9+$0xFFFFFBB0]  }
0x442: {  	v2 =	vmax.f32 v3, v2;
	v9 =	vld [tilespmem:s9+$0xFFFFFC30];
	v1 =	vmax.f32 v1, v6  }
0x443: {  	v3 =	vld [tilespmem:s9+$0xFFFFFCB0];
	v1 =	vmax.f32 v2, v1  }
0x444: {  	v2 =	vmax.f32 v7, v5;
	v5 =	vld [tilespmem:s9+$0xFFFFFD30];
	[tilespmem:s2+$0xFFFFFFD0] =	vst v1  }
0x445: {  	v1 =	vld [tilespmem:s9+$0xFFFFFE60]  }
0x446: {  	v4 =	vmax.f32 v4, v8;
	v6 =	vld [tilespmem:s9+$0xFFFFFEE0]  }
0x447: {  	v2 =	vmax.f32 v2, v4;
	v4 =	vld [tilespmem:s9+$0xFFFFFF60]  }
0x448: {  	[tilespmem:s2+$0xFFFFFEB0] =	vst v2;
	v2 =	vmax.f32 v9, v3;
	v3 =	vld [tilespmem:s9+$0xFFFFFFE0]  }
0x449: {  	v7 =	vld [tilespmem:s9+$0xFFFFFDB0]  }
0x44a: {  	v8 =	vld [tilespmem:s9+$0xFFFFF840]  }
0x44b: {  	v9 =	vld [tilespmem:s9+$0xFFFFF8C0]  }
0x44c: {  	v10 =	vld [tilespmem:s9+$0xFFFFF940]  }
0x44d: {  	v1 =	vmax.f32 v1, v6;
	v11 =	vld [tilespmem:s9+$0xFFFFF9C0];
	v3 =	vmax.f32 v4, v3  }
0x44e: {  	v4 =	vld [tilespmem:s9+$0xFFFFFA40];
	v5 =	vmax.f32 v5, v7;
	v1 =	vmax.f32 v1, v3  }
0x44f: {  	v3 =	vld [tilespmem:s9+$0xFFFFFAC0];
	v2 =	vmax.f32 v2, v5;
	[tilespmem:s2+$0xFFFFFFE0] =	vst v1  }
0x450: {  	v1 =	vmax.f32 v8, v9;
	[tilespmem:s2+$0xFFFFFF30] =	vst v2;
	v2 =	vld [tilespmem:s9+$0xFFFFFE70]  }
0x451: {  	v5 =	vld [tilespmem:s9+$0xFFFFFEF0]  }
0x452: {  	v6 =	vmax.f32 v10, v11;
	v7 =	vld [tilespmem:s9+$0xFFFFFF70]  }
0x453: {  	v1 =	vmax.f32 v1, v6;
	v6 =	vld [tilespmem:s9+$0xFFFFFFF0]  }
0x454: {  	[tilespmem:s2+$0xFFFFFE40] =	vst v1;
	v1 =	vmax.f32 v4, v3;
	v3 =	vld [tilespmem:s9+$0xFFFFFB40]  }
0x455: {  	v4 =	vld [tilespmem:s9+$0xFFFFFBC0]  }
0x456: {  	v8 =	vld [tilespmem:s9+$0xFFFFFC40]  }
0x457: {  	v9 =	vld [tilespmem:s9+$0xFFFFFCC0]  }
0x458: {  	v2 =	vmax.f32 v2, v5;
	v10 =	vld [tilespmem:s9+$0xFFFFFD40];
	v5 =	vmax.f32 v7, v6  }
0x459: {  	v6 =	vld [tilespmem:s9+$0xFFFFFDC0];
	v2 =	vmax.f32 v2, v5  }
0x45a: {  	v5 =	vld [tilespmem:s9+$0xFFFFF850];
	v3 =	vmax.f32 v3, v4;
	[tilespmem:s2+$0xFFFFFFF0] =	vst v2  }
0x45b: {  	v1 =	vmax.f32 v1, v3;
	v2 =	vld [tilespmem:s9+$0xFFFFFE80]  }
0x45c: {  	[tilespmem:s2+$0xFFFFFEC0] =	vst v1;
	v1 =	vmax.f32 v8, v9;
	v3 =	vld [tilespmem:s9+$0xFFFFFF00]  }
0x45d: {  	v4 =	vld [tilespmem:s9+$0xFFFFFF80]  }
0x45e: {  	v6 =	vmax.f32 v10, v6;
	v7 =	vld [tilespmem:s9+$0x0]  }
0x45f: {  	v8 =	vld [tilespmem:s9+$0xFFFFF8D0];
	v1 =	vmax.f32 v1, v6  }
0x460: {  	v6 =	vld [tilespmem:s9+$0xFFFFF950];
	[tilespmem:s2+$0xFFFFFF40] =	vst v1  }
0x461: {  	v1 =	vld [tilespmem:s9+$0xFFFFF9D0]  }
0x462: {  	v9 =	vld [tilespmem:s9+$0xFFFFFA50]  }
0x463: {  	v2 =	vmax.f32 v2, v3;
	v10 =	vld [tilespmem:s9+$0xFFFFFAD0];
	v3 =	vmax.f32 v4, v7  }
0x464: {  	v4 =	vmax.f32 v5, v8;
	v5 =	vld [tilespmem:s9+$0xFFFFFB50];
	v2 =	vmax.f32 v2, v3  }
0x465: {  	v3 =	vld [tilespmem:s9+$0xFFFFFBD0];
	[tilespmem:s2+$0x0] =	vst v2  }
0x466: {  	v1 =	vmax.f32 v6, v1;
	v2 =	vld [tilespmem:s9+$0xFFFFFC50]  }
0x467: {  	v1 =	vmax.f32 v4, v1;
	v4 =	vld [tilespmem:s9+$0xFFFFFCD0]  }
0x468: {  	[tilespmem:s2+$0xFFFFFE50] =	vst v1;
	v1 =	vmax.f32 v9, v10;
	v6 =	vld [tilespmem:s9+$0xFFFFFD50]  }
0x469: {  	v7 =	vld [tilespmem:s9+$0xFFFFFDD0]  }
0x46a: {  	v8 =	vld [tilespmem:s9+$0xFFFFF860];
	v3 =	vmax.f32 v5, v3  }
0x46b: {  	v5 =	vld [tilespmem:s9+$0xFFFFF8E0];
	v1 =	vmax.f32 v1, v3  }
0x46c: {  	v3 =	vld [tilespmem:s9+$0xFFFFF960];
	[tilespmem:s2+$0xFFFFFED0] =	vst v1;
	v1 =	vmax.f32 v2, v4  }
0x46d: {  	v2 =	vld [tilespmem:s9+$0xFFFFF9E0]  }
0x46e: {  	v4 =	vld [tilespmem:s9+$0xFFFFFA60];
	v6 =	vmax.f32 v6, v7  }
0x46f: {  	v7 =	vld [tilespmem:s9+$0xFFFFFAE0];
	v1 =	vmax.f32 v1, v6  }
0x470: {  	v5 =	vmax.f32 v8, v5;
	v6 =	vld [tilespmem:s9+$0xFFFFFB60];
	[tilespmem:s2+$0xFFFFFF50] =	vst v1  }
0x471: {  	v1 =	vld [tilespmem:s9+$0xFFFFFBE0]  }
0x472: {  	v2 =	vmax.f32 v3, v2;
	v3 =	vld [tilespmem:s9+$0xFFFFFC60]  }
0x473: {  	v2 =	vmax.f32 v5, v2;
	v5 =	vld [tilespmem:s9+$0xFFFFFCE0]  }
0x474: {  	[tilespmem:s2+$0xFFFFFE60] =	vst v2;
	v2 =	vmax.f32 v4, v7;
	v4 =	vld [tilespmem:s9+$0xFFFFFD60]  }
0x475: {  	v7 =	vld [tilespmem:s9+$0xFFFFFDE0]  }
0x476: {  	v8 =	vld [tilespmem:s9+$0xFFFFF870];
	v1 =	vmax.f32 v6, v1  }
0x477: {  	v6 =	vld [tilespmem:s9+$0xFFFFF8F0];
	v1 =	vmax.f32 v2, v1  }
0x478: {  	v2 =	vld [tilespmem:s9+$0xFFFFF970];
	[tilespmem:s2+$0xFFFFFEE0] =	vst v1;
	v1 =	vmax.f32 v3, v5  }
0x479: {  	v3 =	vld [tilespmem:s9+$0xFFFFF9F0]  }
0x47a: {  	v5 =	vld [tilespmem:s9+$0xFFFFFA70];
	v4 =	vmax.f32 v4, v7  }
0x47b: {  	v7 =	vld [tilespmem:s9+$0xFFFFFAF0];
	v1 =	vmax.f32 v1, v4  }
0x47c: {  	v4 =	vmax.f32 v8, v6;
	v6 =	vld [tilespmem:s9+$0xFFFFFB70];
	[tilespmem:s2+$0xFFFFFF60] =	vst v1  }
0x47d: {  	v1 =	vld [tilespmem:s9+$0xFFFFFBF0]  }
0x47e: {  	v2 =	vmax.f32 v2, v3;
	v3 =	vld [tilespmem:s9+$0xFFFFFC70]  }
0x47f: {  	v2 =	vmax.f32 v4, v2;
	v4 =	vld [tilespmem:s9+$0xFFFFFCF0]  }
0x480: {  	[tilespmem:s2+$0xFFFFFE70] =	vst v2;
	v2 =	vmax.f32 v5, v7;
	v5 =	vld [tilespmem:s9+$0xFFFFFD70]  }
0x481: {  	v7 =	vld [tilespmem:s9+$0xFFFFFDF0]  }
0x482: {  	v8 =	vld [tilespmem:s9+$0xFFFFF880];
	v1 =	vmax.f32 v6, v1  }
0x483: {  	v6 =	vld [tilespmem:s9+$0xFFFFF900];
	v1 =	vmax.f32 v2, v1  }
0x484: {  	v2 =	vld [tilespmem:s9+$0xFFFFF980];
	[tilespmem:s2+$0xFFFFFEF0] =	vst v1;
	v1 =	vmax.f32 v3, v4  }
0x485: {  	v4 =	vld [tilespmem:s9+$0xFFFFFA00]  }
0x486: {  	v9 =	vld [tilespmem:s9+$0xFFFFFA80];
	v3 =	vmax.f32 v5, v7  }
0x487: {  	v5 =	vld [tilespmem:s9+$0xFFFFFB00];
	v3 =	vmax.f32 v1, v3  }
0x488: {  	v6 =	vmax.f32 v8, v6;
	v1 =	vld [tilespmem:s9+$0xFFFFFB80];
	[tilespmem:s2+$0xFFFFFF70] =	vst v3  }
.Ltmp13:
0x489: {  	v3 =	vld [tilespmem:s9+$0xFFFFFC00];
	(pc) =	sbr.rel @p0 .LBB2_23-.Ltmp13, $4  }
0x48a: {  	v4 =	vmax.f32 v2, v4;
	v2 =	vld [tilespmem:s9+$0xFFFFFC80]  }
0x48b: {  	v6 =	vmax.f32 v6, v4;
	v4 =	vld [tilespmem:s9+$0xFFFFFD00]  }
0x48c: {  	[tilespmem:s2+$0xFFFFFE80] =	vst v6;
	v7 =	vmax.f32 v9, v5;
	v5 =	vld [tilespmem:s9+$0xFFFFFD80]  }
0x48d: {  	v6 =	vld [tilespmem:s9+$0xFFFFFE00];
	s9 =	sadd.s32 $0x800, s9  }
0x48e: {  	_ = 	snop  }
0x48f: {  	s31 =	sadd.s32 $0x1, s31  }
0x490: {  	p0 =	sne.s32 s31, $0x10  }
.Ltmp14:
0x491: {  	v1 =	vmax.f32 v1, v3;
	(pc) =	sbr.rel @p0 .LBB2_4-.Ltmp14, $4  }
0x492: {  	v1 =	vmax.f32 v7, v1;
	v2 =	vmax.f32 v2, v4;
	v3 =	vmax.f32 v5, v6  }
0x493: {  	[tilespmem:s2+$0xFFFFFF00] =	vst v1;
	v1 =	vmax.f32 v2, v3  }
0x494: {  	s0 =	sadd.s32 s0, s7;
	[tilespmem:s2+$0xFFFFFF80] =	vst v1  }
0x495: {  	[hbm4b:s0+s4] =	stream.linear.scatter [tilespmem:s28], [sflag:$0x8], $0x1000, $0x38;
	[tilespmem:$0x16000] =	vst v63  }
0x496: {  	_ =	swait.ge [sflag:s29], $0x1000  }
0x497: {  	[sflag:s29] =	ssyncset.done $0x0  }
0x498: {  	[sflag:s29] =	ssyncadd.s32 $0xFFFFF000  }
0x499: {  	_ =	swait.ge [sflag:s20], $0x1000  }
0x49a: {  	[sflag:s20] =	ssyncset.done $0x0  }
0x49b: {  	[sflag:s20] =	ssyncadd.s32 $0xFFFFF000  }
0x49c: {  	_ =	swait.ge [sflag:s23], $0x1000  }
0x49d: {  	[sflag:s23] =	ssyncset.done $0x0  }
0x49e: {  	[sflag:s23] =	ssyncadd.s32 $0xFFFFF000  }
0x49f: {  	_ =	swait.ge [sflag:s26], $0x1000  }
0x4a0: {  	s30 =	sadd.s32 $0x1, s30;
	s0 =	rddreg [dreg:$0x5]  }
0x4a1: {  	p0 =	sne.s32 s30, s0  }
.Ltmp15:
0x4a2: {  	_ = 	snop;
	(pc) =	sbr.rel @p0 .LBB2_1-.Ltmp15, $3  }
0x4a3: {  	_ =	sdelay $0x1  }
0x4a4: {  	[sflag:s26] =	ssyncset.done $0x0  }
0x4a5: {  	[sflag:s26] =	ssyncadd.s32 $0xFFFFF000  }
0x4a6: {  	_ =	sfence.sel $0x180000  }
0x4a7: {  	[bflag:$0x0] =	sbarrier.arrive $0xFFFF  }
0x4a8: {  	_ =	strace $0x90000047  }
0x4a9: {  	s0 =	stileid.u32;
	[bflag:$0x2] =	sbarrier.arrive $0xFFFF  }
0x4aa: {  	p0 =	sne.s32 s0, $0x0;
	s0 =	rddreg [dreg:$0x3]  }
0x4ab: {  	s0 =	sadd.s32 @!p0 $0x100000, s0  }
0x4ac: {  	[sflag:s0] =	ssyncadd.tile.s32 @!p0 $0x1;
	_ =	shalt  }
.Lfunc_end2:
_tile_overlayer_lowered:
.L_overlay_start_2:
0x4ad: {  	(tag) =	ssettag $0x2  }
0x4ae: {  	s0 =	rddreg [dreg:$0x0];
	s2 =	stileid.u32  }
0x4af: {  	s1 =	rddreg [dreg:$0x1];
	p0 =	sne.s32 s2, $0x0  }
0x4b0: {  	s3 =	rddreg [dreg:$0x2];
	[bflag:$0x3] =	sbarrier.arrive $0xFFFF;
	s2 =	simm.s32 @!p0 $0x1C09  }
0x4b1: {  	[timem:s3], [sflag:s2] =	dma.local @!p0 [hbm:s0], s1  }
0x4b2: {  	s0 =	simm.s32 @!p0 $0x9  }
0x4b3: {  	_ =	swait.ge @!p0 [sflag:s0], s1  }
0x4b4: {  	s1 =	ssub.s32 @!p0 $0x0, s1;
	[sflag:s0] =	ssyncset.done @!p0 $0x0  }
0x4b5: {  	[sflag:s0] =	ssyncadd.s32 @!p0 s1  }
0x4b6: {  	[bflag:$0x3] =	sbarrier.arrive $0xFFFF  }
0x4b7: {  	_ =	shalt  }

</sc_bundles>
